<compile_context>
chip_gen: v7x
topology: tpu7x:2x2x1
jax: 0.10.2.dev20260603
libtpu: 0.0.44.dev20260713+nightly
codegen_flags: <defaults>
</compile_context>

<pallas_src>
import jax
import jax.numpy as jnp
from jax import lax
from jax.experimental import pallas as pl
from jax.experimental.pallas import tpu as pltpu
from jax.experimental.pallas import tpu_sc as plsc

_DIM = 256
_NPOINT = 64
_R2 = 16.0
_NS = 8
_B = 8
_N = 16384
_BIG = 1 << 30


_NCH = 8
_CW = _N // _NCH


def _fps_body(coorT_ref, ids_ref, scx_ref, scy_ref, scz_ref, dists_ref):
    li64 = lax.broadcasted_iota(jnp.int32, (_B, _NPOINT), 1)
    boff = lax.broadcasted_iota(jnp.int32, (_B, 1), 0) * _N
    dists_ref[...] = jnp.full((_B, _N), 1e10, jnp.float32)

    def step(i, carry):
        far, ids, sx, sy, sz = carry
        px = jnp.zeros((_B, 1), jnp.float32)
        py = jnp.zeros((_B, 1), jnp.float32)
        pz = jnp.zeros((_B, 1), jnp.float32)
        for c in range(_NCH):
            s0 = c * _CW
            lic = lax.broadcasted_iota(jnp.int32, (_B, _CW), 1) + s0
            m = lic == far
            cxc = coorT_ref[:, 0, s0:s0 + _CW]
            cyc = coorT_ref[:, 1, s0:s0 + _CW]
            czc = coorT_ref[:, 2, s0:s0 + _CW]
            px = px + jnp.sum(jnp.where(m, cxc, 0.0), axis=1, keepdims=True)
            py = py + jnp.sum(jnp.where(m, cyc, 0.0), axis=1, keepdims=True)
            pz = pz + jnp.sum(jnp.where(m, czc, 0.0), axis=1, keepdims=True)
        sel = li64 == i
        ids = jnp.where(sel, far + boff, ids)
        sx = jnp.where(sel, jnp.broadcast_to(px, (_B, _NPOINT)), sx)
        sy = jnp.where(sel, jnp.broadcast_to(py, (_B, _NPOINT)), sy)
        sz = jnp.where(sel, jnp.broadcast_to(pz, (_B, _NPOINT)), sz)
        bmx = jnp.full((_B, 1), -1.0, jnp.float32)
        barg = jnp.full((_B, 1), _N, jnp.int32)
        for c in range(_NCH):
            s0 = c * _CW
            lic = lax.broadcasted_iota(jnp.int32, (_B, _CW), 1) + s0
            dx = coorT_ref[:, 0, s0:s0 + _CW] - px
            dy = coorT_ref[:, 1, s0:s0 + _CW] - py
            dz = coorT_ref[:, 2, s0:s0 + _CW] - pz
            d = (dx * dx + dy * dy) + dz * dz
            dc = jnp.minimum(dists_ref[:, s0:s0 + _CW], d)
            dists_ref[:, s0:s0 + _CW] = dc
            cmx = jnp.max(dc, axis=1, keepdims=True)
            carg = jnp.min(jnp.where(dc == cmx, lic, _N), axis=1,
                           keepdims=True)
            better = (cmx > bmx) | ((cmx == bmx) & (carg < barg))
            bmx = jnp.where(better, cmx, bmx)
            barg = jnp.where(better, carg, barg)
        return barg, ids, sx, sy, sz

    init = (
        jnp.zeros((_B, 1), jnp.int32),
        jnp.zeros((_B, _NPOINT), jnp.int32),
        jnp.zeros((_B, _NPOINT), jnp.float32),
        jnp.zeros((_B, _NPOINT), jnp.float32),
        jnp.zeros((_B, _NPOINT), jnp.float32),
    )
    _, ids, sx, sy, sz = lax.fori_loop(0, _NPOINT, step, init)
    ids_ref[...] = ids
    scx_ref[...] = sx
    scy_ref[...] = sy
    scz_ref[...] = sz


def _run_fps(coorT):
    shape = jax.ShapeDtypeStruct((_B, _NPOINT), jnp.float32)
    ishape = jax.ShapeDtypeStruct((_B, _NPOINT), jnp.int32)
    return pl.pallas_call(
        _fps_body,
        out_shape=(ishape, shape, shape, shape),
        scratch_shapes=[pltpu.VMEM((_B, _N), jnp.float32)],
    )(coorT)


def _bq_body(packedT_ref, sc_ref, scT_ref, ids_ref,
             nidx_ref, diffc_ref, meanif_ref, sif_ref):
    b = pl.program_id(0)
    cxr = packedT_ref[0, 0:1, :]
    cyr = packedT_ref[0, 1:2, :]
    czr = packedT_ref[0, 2:3, :]
    scx = sc_ref[0, :, 0:1]
    scy = sc_ref[0, :, 1:2]
    scz = sc_ref[0, :, 2:3]
    dx = scx - cxr
    dy = scy - cyr
    dz = scz - czr
    d2 = (dx * dx + dy * dy) + dz * dz
    mask = d2 < _R2
    li = lax.broadcasted_iota(jnp.int32, (_NPOINT, _N), 1)
    cnt = jnp.sum(mask.astype(jnp.int32), axis=1, keepdims=True)
    mi0 = jnp.where(mask, li, _BIG)
    mi = mi0
    idxs = []
    for j in range(_NS):
        mn = jnp.min(mi, axis=1, keepdims=True)
        idxs.append(mn)
        mi = jnp.where(mi == mn, _BIG, mi)
    w = jnp.where(mi != mi0, 1.0, 0.0)
    first = jnp.where(cnt > 0, idxs[0], 0)
    pad = (_NS - jnp.minimum(cnt, _NS)).astype(jnp.float32)
    w = w + jnp.where(li == first, pad, 0.0)
    goff = b * _N
    for j in range(_NS):
        idx_j = jnp.where(j < cnt, idxs[j], first)
        nidx_ref[0, :, j:j + 1] = idx_j + goff
    eighth = jnp.float32(1.0 / _NS)
    p8 = packedT_ref[0]
    m6 = lax.dot_general(p8, w, (((1,), (1,)), ((), ())),
                         preferred_element_type=jnp.float32) * eighth
    diffc_ref[0, 0:3, :] = m6[0:3, :] - scT_ref[0]
    meanif_ref[0, 0:3, :] = m6[3:6, :]
    ws = (li == (ids_ref[0] - goff)).astype(jnp.float32)
    s6 = lax.dot_general(p8, ws, (((1,), (1,)), ((), ())),
                         preferred_element_type=jnp.float32)
    sif_ref[0, 0:3, :] = s6[3:6, :]


def _run_bq(packedT, sample_coor, scT, ids_col):
    spec3c = pl.BlockSpec((1, 3, _NPOINT), lambda b: (b, 0, 0))
    return pl.pallas_call(
        _bq_body,
        grid=(_B,),
        in_specs=[
            pl.BlockSpec((1, 8, _N), lambda b: (b, 0, 0)),
            pl.BlockSpec((1, _NPOINT, 3), lambda b: (b, 0, 0)),
            spec3c,
            pl.BlockSpec((1, _NPOINT, 1), lambda b: (b, 0, 0)),
        ],
        out_specs=[
            pl.BlockSpec((1, _NPOINT, _NS), lambda b: (b, 0, 0)),
            spec3c, spec3c, spec3c,
        ],
        out_shape=[
            jax.ShapeDtypeStruct((_B, _NPOINT, _NS), jnp.int32),
            jax.ShapeDtypeStruct((_B, 3, _NPOINT), jnp.float32),
            jax.ShapeDtypeStruct((_B, 3, _NPOINT), jnp.float32),
            jax.ShapeDtypeStruct((_B, 3, _NPOINT), jnp.float32),
        ],
    )(packedT, sample_coor, scT, ids_col)


_NWORK = 32
_S_PER_W = (_B * _NPOINT) // _NWORK
_ROWS_PER_W = _S_PER_W * _NS


def _sc_body(x_hbm, sidx_hbm, nidx_hbm, sx_out, gx_out,
             sidx_v, nidx_v, srows, nrows, pooled, sem1, sem2):
    wid = lax.axis_index("s") * 2 + lax.axis_index("c")
    sb = wid * _S_PER_W
    nb = wid * _ROWS_PER_W
    pltpu.sync_copy(sidx_hbm.at[pl.ds(sb, _S_PER_W)], sidx_v)
    pltpu.sync_copy(nidx_hbm.at[pl.ds(nb, _ROWS_PER_W)], nidx_v)
    c1 = pltpu.async_copy(x_hbm.at[nidx_v], nrows, sem1)
    c2 = pltpu.async_copy(x_hbm.at[sidx_v], srows, sem2)
    c1.wait()

    def pool_one(s, carry):
        base = s * _NS
        for c in range(_DIM // 16):
            sl = pl.ds(c * 16, 16)
            m = nrows[base, sl]
            for r in range(1, _NS):
                m = jnp.maximum(m, nrows[base + r, sl])
            pooled[s, sl] = m
        return carry

    lax.fori_loop(0, _S_PER_W, pool_one, 0)
    c2.wait()
    pltpu.sync_copy(pooled, gx_out.at[pl.ds(sb, _S_PER_W)])
    pltpu.sync_copy(srows, sx_out.at[pl.ds(sb, _S_PER_W)])


def _run_gather_pool(x2d, sidx, nidx):
    nsamp = _B * _NPOINT
    mesh = plsc.VectorSubcoreMesh(core_axis_name="c", subcore_axis_name="s")
    f = pl.kernel(
        _sc_body,
        out_type=(
            jax.ShapeDtypeStruct((nsamp, _DIM), jnp.float32),
            jax.ShapeDtypeStruct((nsamp, _DIM), jnp.float32),
        ),
        mesh=mesh,
        scratch_types=[
            pltpu.VMEM((_S_PER_W,), jnp.int32),
            pltpu.VMEM((_ROWS_PER_W,), jnp.int32),
            pltpu.VMEM((_S_PER_W, _DIM), jnp.float32),
            pltpu.VMEM((_ROWS_PER_W, _DIM), jnp.float32),
            pltpu.VMEM((_S_PER_W, _DIM), jnp.float32),
            pltpu.SemaphoreType.DMA,
            pltpu.SemaphoreType.DMA,
        ],
    )
    return f(x2d, sidx, nidx)


def _ln(v, g, bvec):
    mu = jnp.mean(v, axis=-1, keepdims=True)
    var = jnp.mean((v - mu) ** 2, axis=-1, keepdims=True)
    return (v - mu) / jnp.sqrt(var + 1e-5) * g + bvec


def _attn_body(sx_ref, gx_ref, vc_ref, vi_ref, sc_ref, sif_ref,
               wqt_ref, wkt_ref, gq_ref, bq_ref, gk_ref, bk_ref,
               outx_ref, outc_ref, outi_ref):
    sxb = sx_ref[0]
    gxb = gx_ref[0]
    x2 = gxb - sxb
    nk = _ln(sxb, gk_ref[...], bk_ref[...])
    nq = _ln(x2, gq_ref[...], bq_ref[...])
    qh = jnp.dot(nq, wqt_ref[...], preferred_element_type=jnp.float32)
    kh = jnp.dot(nk, wkt_ref[...], preferred_element_type=jnp.float32)
    attn = lax.dot_general(qh, kh, (((1,), (1,)), ((), ())),
                           preferred_element_type=jnp.float32)
    mx = jnp.max(attn, axis=-1, keepdims=True)
    e = jnp.exp(attn - mx)
    p = e / jnp.sum(e, axis=-1, keepdims=True)
    c2 = jnp.dot(p, vc_ref[0], preferred_element_type=jnp.float32)
    i2 = jnp.dot(p, vi_ref[0], preferred_element_type=jnp.float32)
    outx_ref[0] = sxb + x2
    outc_ref[0] = sc_ref[0] + c2
    outi_ref[0] = sif_ref[0] + i2


def _run_attn(sx, gx, v_c, v_i, sample_coor, sif, WqT, WkT, gq, bq, gk, bk):
    spec64 = pl.BlockSpec((1, _NPOINT, _DIM), lambda b: (b, 0, 0))
    spec3 = pl.BlockSpec((1, _NPOINT, 3), lambda b: (b, 0, 0))
    specw = pl.BlockSpec((_DIM, _DIM), lambda b: (0, 0))
    specv = pl.BlockSpec((1, _DIM), lambda b: (0, 0))
    return pl.pallas_call(
        _attn_body,
        grid=(_B,),
        in_specs=[spec64, spec64, spec3, spec3, spec3, spec3,
                  specw, specw, specv, specv, specv, specv],
        out_specs=[spec64, spec3, spec3],
        out_shape=[
            jax.ShapeDtypeStruct((_B, _NPOINT, _DIM), jnp.float32),
            jax.ShapeDtypeStruct((_B, _NPOINT, 3), jnp.float32),
            jax.ShapeDtypeStruct((_B, _NPOINT, 3), jnp.float32),
        ],
    )(sx, gx, v_c, v_i, sample_coor, sif, WqT, WkT, gq, bq, gk, bk)


def kernel(input_feature, x, coor, Wq, Wk, gq, bq, gk, bk):
    coorT = jnp.transpose(coor, (0, 2, 1))
    ifT = jnp.transpose(input_feature, (0, 2, 1))
    packedT = jnp.concatenate(
        [coorT, ifT, jnp.zeros((_B, 2, _N), jnp.float32)], axis=1)
    ids_g, scx, scy, scz = _run_fps(coorT)
    sample_coor = jnp.stack([scx, scy, scz], axis=-1)
    scT = jnp.stack([scx, scy, scz], axis=1)
    nidx, diffc, meanif, sif3 = _run_bq(
        packedT, sample_coor, scT, ids_g.reshape(_B, _NPOINT, 1))
    sx, gx = _run_gather_pool(
        x.reshape(_B * _N, _DIM), ids_g.reshape(-1), nidx.reshape(-1))
    v_c = diffc.reshape(_B, _NPOINT, 3)
    v_i = meanif.reshape(_B, _NPOINT, 3)
    sif = jnp.transpose(sif3, (0, 2, 1))
    return _run_attn(
        sx.reshape(_B, _NPOINT, _DIM), gx.reshape(_B, _NPOINT, _DIM),
        v_c, v_i, sample_coor, sif, Wq.T, Wk.T,
        gq.reshape(1, _DIM), bq.reshape(1, _DIM),
        gk.reshape(1, _DIM), bk.reshape(1, _DIM))

# --- scband reference (transcript-rebuilt; emitter-appended) ---
"""Pipeline reference for scband-encoder-block-90950227460795 (READ-ONLY COPY).

The authoritative reference and input builder live on the scoring server;
editing this copy changes nothing except your own understanding.
"""

import jax, jax.numpy as jnp
import numpy as np

DIM = 256
NPOINT = 64
RADIUS = 4.0
NSAMPLE = 8


def fps(coor, npoint):
    # furthest point sampling, starts at index 0 (matches pointnet2 CUDA op)
    B, N, _ = coor.shape
    def body(i, state):
        idxs, dists, farthest = state
        idxs = idxs.at[:, i].set(farthest)
        centroid = coor[jnp.arange(B), farthest][:, None, :]  # [B,1,3]
        d = jnp.sum((coor - centroid) ** 2, axis=-1)  # [B,N]
        dists = jnp.minimum(dists, d)
        farthest = jnp.argmax(dists, axis=-1).astype(jnp.int32)
        return (idxs, dists, farthest)
    idxs = jnp.zeros((B, npoint), dtype=jnp.int32)
    dists = jnp.full((B, N), 1e10, dtype=coor.dtype)
    farthest = jnp.zeros((B,), dtype=jnp.int32)
    idxs, _, _ = jax.lax.fori_loop(0, npoint, body, (idxs, dists, farthest))
    return idxs


def ball_query(radius, nsample, xyz, new_xyz):
    # xyz [B,N,3], new_xyz [B,S,3] -> idx [B,S,nsample]
    d2 = jnp.sum((new_xyz[:, :, None, :] - xyz[:, None, :, :]) ** 2, axis=-1)  # [B,S,N]
    mask = d2 < radius * radius
    key = jnp.where(mask, 0, 1).astype(jnp.int32)
    order = jnp.argsort(key, axis=-1)  # stable: in-radius indices first, original order
    cnt = jnp.sum(mask, axis=-1)  # [B,S]
    first = order[..., 0]
    idx = order[..., :nsample]
    j = jnp.arange(nsample)
    idx = jnp.where(j[None, None, :] < cnt[..., None], idx, first[..., None])
    return idx


def query_and_group(radius, nsample, xyz, new_xyz, feats_nc):
    # feats_nc: [B,N,C]; returns [B, 3+C, S, nsample]
    idx = ball_query(radius, nsample, xyz, new_xyz)
    B = xyz.shape[0]
    bidx = jnp.arange(B)[:, None, None]
    grouped_xyz = xyz[bidx, idx]  # [B,S,ns,3]
    grouped_xyz = grouped_xyz - new_xyz[:, :, None, :]
    grouped_feat = feats_nc[bidx, idx]  # [B,S,ns,C]
    out = jnp.concatenate([grouped_xyz, grouped_feat], axis=-1)
    return jnp.transpose(out, (0, 3, 1, 2))


def layernorm(x, g, b, eps=1e-5):
    mu = jnp.mean(x, axis=-1, keepdims=True)
    var = jnp.mean((x - mu) ** 2, axis=-1, keepdims=True)
    return (x - mu) / jnp.sqrt(var + eps) * g + b


def geo_cross_attn(q, k, v, Wq, Wk, out_dim):
    B, Nq, _ = q.shape
    C = out_dim
    NK = k.shape[1]
    qh = (q @ Wq.T).reshape(B, Nq, 1, C).transpose(0, 2, 1, 3)
    kh = (k @ Wk.T).reshape(B, NK, 1, C).transpose(0, 2, 1, 3)
    vh = v.reshape(B, NK, 1, -1).transpose(0, 2, 1, 3)  # faithful to torch .view on [B,3,NK]
    attn = qh @ jnp.swapaxes(kh, -2, -1)
    attn = jax.nn.softmax(attn, axis=3)
    out = (attn @ vh).transpose(0, 2, 1, 3).reshape(B, Nq, 3)
    return out


def setup_inputs(seed: int = 0) -> dict:
    key = jax.random.key(seed)
    k1, k2, k3, k4, k5 = jax.random.split(key, 5)
    B, N = 8, 16384
    input_feature = jax.random.normal(k1, (B, N, 3), dtype=jnp.float32)
    x = jax.random.normal(k2, (B, N, DIM), dtype=jnp.float32)
    coor = jax.random.normal(k3, (B, N, 3), dtype=jnp.float32)
    s = 1.0 / np.sqrt(DIM)
    Wq = jax.random.normal(k4, (DIM, DIM), dtype=jnp.float32) * s
    Wk = jax.random.normal(k5, (DIM, DIM), dtype=jnp.float32) * s
    gq = jnp.ones((DIM,), dtype=jnp.float32)
    bq = jnp.zeros((DIM,), dtype=jnp.float32)
    gk = jnp.ones((DIM,), dtype=jnp.float32)
    bk = jnp.zeros((DIM,), dtype=jnp.float32)
    return {"input_feature": input_feature, "x": x, "coor": coor,
            "Wq": Wq, "Wk": Wk, "gq": gq, "bq": bq, "gk": gk, "bk": bk}


def reference(input_feature, x, coor, Wq, Wk, gq, bq, gk, bk):
    B, N, _ = coor.shape
    idx = fps(coor, NPOINT)  # [B,64]
    bidx = jnp.arange(B)[:, None]
    sample_coor = coor[bidx, idx]               # [B,64,3]
    sample_x = x[bidx, idx]                     # [B,64,dim]
    sample_input_feature = input_feature[bidx, idx]  # [B,64,3]
    local = query_and_group(RADIUS, NSAMPLE, coor, sample_coor, x)  # [B,3+dim,64,8]
    local_coor = local[:, :3, :, :]
    local_x = local[:, 3:, :, :]
    local_if = query_and_group(RADIUS, NSAMPLE, coor, sample_coor, input_feature)[:, 3:, :, :]
    diff_input_feature = jnp.mean(local_if, axis=-1)  # [B,3,64]
    diff_coor = jnp.mean(local_coor, axis=-1)         # [B,3,64]
    global_x = jnp.max(local_x, axis=-1)              # [B,dim,64]
    diff_x = global_x - jnp.transpose(sample_x, (0, 2, 1))
    x_2 = jnp.transpose(diff_x, (0, 2, 1))            # [B,64,dim]
    norm_k = layernorm(sample_x, gk, bk)
    norm_q = layernorm(x_2, gq, bq)
    coor_2 = geo_cross_attn(norm_q, norm_k, diff_coor, Wq, Wk, DIM)
    input_feature_2 = geo_cross_attn(norm_q, norm_k, diff_input_feature, Wq, Wk, DIM)
    sample_coor = sample_coor + coor_2
    sample_x = sample_x + x_2
    sample_input_feature = sample_input_feature + input_feature_2
    return (sample_x, sample_coor, sample_input_feature)

if __name__ == "__main__":
    import jax
    _d = setup_inputs()
    print(jax.jit(kernel)(*tuple(_d.values())))

</pallas_src>

<mosaic_0001>
#map = affine_map<(d0, d1) -> (0, 0)>
#map1 = affine_map<(d0, d1) -> (0)>
module attributes {stable_mosaic.version = 14 : i64} {
  func.func @_sc_body(%arg0: i32, %arg1: i32, %arg2: memref<131072x256xf32, #tpu.memory_space<hbm>>, %arg3: memref<512xi32, #tpu.memory_space<hbm>>, %arg4: memref<4096xi32, #tpu.memory_space<hbm>>, %arg5: memref<512x256xf32, #tpu.memory_space<hbm>>, %arg6: memref<512x256xf32, #tpu.memory_space<hbm>>, %arg7: memref<16xi32, #tpu.memory_space<vmem>>, %arg8: memref<128xi32, #tpu.memory_space<vmem>>, %arg9: memref<16x256xf32, #tpu.memory_space<vmem>>, %arg10: memref<128x256xf32, #tpu.memory_space<vmem>>, %arg11: memref<16x256xf32, #tpu.memory_space<vmem>>, %arg12: memref<!tpu.dma_semaphore, #tpu.memory_space<semaphore_mem>>, %arg13: memref<!tpu.dma_semaphore, #tpu.memory_space<semaphore_mem>>) attributes {dimension_semantics = [#tpu.dimension_semantics<core_parallel>, #tpu.dimension_semantics<subcore_parallel>], iteration_bounds = array<i64: 2, 16>, scalar_prefetch = 0 : i64, scratch_operands = 7 : i64, tpu.core_type = #tpu.core_type<sc_vector_subcore>, window_params = [{transform_indices = #map}, {transform_indices = #map1}, {transform_indices = #map1}, {transform_indices = #map}, {transform_indices = #map}]} {
    %mul3A = arith.constant 2 : i32
    %mul3A_0 = arith.muli %arg1, %mul3A : i32
    %add3A = arith.addi %mul3A_0, %arg0 : i32
    %mul3A_1 = arith.constant 16 : i32
    %mul3A_2 = arith.muli %add3A, %mul3A_1 : i32
    %mul3A_3 = arith.constant 128 : i32
    %mul3A_4 = arith.muli %add3A, %mul3A_3 : i32
    "tpu.region"() ({
      %run_scoped3A = tpu.sem_alloc : memref<!tpu.dma_semaphore, #tpu.memory_space<semaphore_mem>>
      %dma_start3A_20 = tpu.memref_slice %arg3[%mul3A_2] : memref<512xi32, #tpu.memory_space<hbm>> -> memref<16xi32, #tpu.memory_space<hbm>>
      %dma_start3A_21 = tpu.memref_slice %arg3[%mul3A_2] : memref<512xi32, #tpu.memory_space<hbm>> -> memref<16xi32, #tpu.memory_space<hbm>>
      tpu.enqueue_dma source(%dma_start3A_21 : memref<16xi32, #tpu.memory_space<hbm>>) target(%arg7 : memref<16xi32, #tpu.memory_space<vmem>>) target_semaphore(%run_scoped3A : memref<!tpu.dma_semaphore, #tpu.memory_space<semaphore_mem>>)
      %dma_wait3A_22 = tpu.memref_slice %arg3[%mul3A_2] : memref<512xi32, #tpu.memory_space<hbm>> -> memref<16xi32, #tpu.memory_space<hbm>>
      %dma_wait3A_23 = tpu.memref_slice %arg3[%mul3A_2] : memref<512xi32, #tpu.memory_space<hbm>> -> memref<16xi32, #tpu.memory_space<hbm>>
      tpu.wait_dma2 semaphore(%run_scoped3A : memref<!tpu.dma_semaphore, #tpu.memory_space<semaphore_mem>>) src(%dma_wait3A_23 : memref<16xi32, #tpu.memory_space<hbm>>) dst(%arg7 : memref<16xi32, #tpu.memory_space<vmem>>)
      tpu.yield
    }) : () -> ()
    "tpu.region"() ({
      %run_scoped3A = tpu.sem_alloc : memref<!tpu.dma_semaphore, #tpu.memory_space<semaphore_mem>>
      %dma_start3A_20 = tpu.memref_slice %arg4[%mul3A_4] : memref<4096xi32, #tpu.memory_space<hbm>> -> memref<128xi32, #tpu.memory_space<hbm>>
      %dma_start3A_21 = tpu.memref_slice %arg4[%mul3A_4] : memref<4096xi32, #tpu.memory_space<hbm>> -> memref<128xi32, #tpu.memory_space<hbm>>
      tpu.enqueue_dma source(%dma_start3A_21 : memref<128xi32, #tpu.memory_space<hbm>>) target(%arg8 : memref<128xi32, #tpu.memory_space<vmem>>) target_semaphore(%run_scoped3A : memref<!tpu.dma_semaphore, #tpu.memory_space<semaphore_mem>>)
      %dma_wait3A_22 = tpu.memref_slice %arg4[%mul3A_4] : memref<4096xi32, #tpu.memory_space<hbm>> -> memref<128xi32, #tpu.memory_space<hbm>>
      %dma_wait3A_23 = tpu.memref_slice %arg4[%mul3A_4] : memref<4096xi32, #tpu.memory_space<hbm>> -> memref<128xi32, #tpu.memory_space<hbm>>
      tpu.wait_dma2 semaphore(%run_scoped3A : memref<!tpu.dma_semaphore, #tpu.memory_space<semaphore_mem>>) src(%dma_wait3A_23 : memref<128xi32, #tpu.memory_space<hbm>>) dst(%arg8 : memref<128xi32, #tpu.memory_space<vmem>>)
      tpu.yield
    }) : () -> ()
    %dma_start3A = arith.constant 0 : i32
    %dma_start3A_5 = arith.constant 0 : i32
    %dma_start3A_6 = tpu.memref_slice %arg2[%dma_start3A, %dma_start3A_5] : memref<131072x256xf32, #tpu.memory_space<hbm>> -> memref<131072x256xf32, #tpu.memory_space<hbm>>
    tpu.enqueue_indirect_dma source(%dma_start3A_6 : memref<131072x256xf32, #tpu.memory_space<hbm>>) target(%arg10 : memref<128x256xf32, #tpu.memory_space<vmem>>) offsets(%arg8 : memref<128xi32, #tpu.memory_space<vmem>>) semaphore(%arg12 : memref<!tpu.dma_semaphore, #tpu.memory_space<semaphore_mem>>)
    %dma_start3A_7 = arith.constant 0 : i32
    %dma_start3A_8 = arith.constant 0 : i32
    %dma_start3A_9 = tpu.memref_slice %arg2[%dma_start3A_7, %dma_start3A_8] : memref<131072x256xf32, #tpu.memory_space<hbm>> -> memref<131072x256xf32, #tpu.memory_space<hbm>>
    tpu.enqueue_indirect_dma source(%dma_start3A_9 : memref<131072x256xf32, #tpu.memory_space<hbm>>) target(%arg9 : memref<16x256xf32, #tpu.memory_space<vmem>>) offsets(%arg7 : memref<16xi32, #tpu.memory_space<vmem>>) semaphore(%arg13 : memref<!tpu.dma_semaphore, #tpu.memory_space<semaphore_mem>>)
    %dma_wait3A = arith.constant 0 : i32
    %dma_wait3A_10 = arith.constant 0 : i32
    %dma_wait3A_11 = tpu.memref_slice %arg2[%dma_wait3A, %dma_wait3A_10] : memref<131072x256xf32, #tpu.memory_space<hbm>> -> memref<131072x256xf32, #tpu.memory_space<hbm>>
    tpu.wait_indirect_dma semaphore(%arg12 : memref<!tpu.dma_semaphore, #tpu.memory_space<semaphore_mem>>) src(%dma_wait3A_11 : memref<131072x256xf32, #tpu.memory_space<hbm>>) dst(%arg10 : memref<128x256xf32, #tpu.memory_space<vmem>>)
    %scan3A = arith.constant 0 : i32
    %scan3A_12 = arith.constant 0 : i32
    %scan3A_13 = arith.constant 16 : i32
    %scan3A_14 = arith.addi %scan3A_12, %scan3A_13 : i32
    %scan3A_15 = arith.constant 1 : i32
    scf.for %scan3A_20 = %scan3A_12 to %scan3A_14 step %scan3A_15  : i32 {
      %mul3A_21 = arith.constant 8 : i32
      %mul3A_22 = arith.muli %scan3A_20, %mul3A_21 : i32
      %get3A = arith.index_cast %mul3A_22 : i32 to index
      %get3A_23 = arith.constant 0 : index
      %get3A_24 = tpu.vector_load %arg10[%get3A, %get3A_23] {strides = array<i32>} : memref<128x256xf32, #tpu.memory_space<vmem>>, vector<1x16xf32>,
      %get3A_25 = vector.shape_cast %get3A_24 : vector<1x16xf32> to vector<16xf32>
      %add3A_26 = arith.constant 1 : i32
      %add3A_27 = arith.addi %mul3A_22, %add3A_26 : i32
      %get3A_28 = arith.index_cast %add3A_27 : i32 to index
      %get3A_29 = arith.constant 0 : index
      %get3A_30 = tpu.vector_load %arg10[%get3A_28, %get3A_29] {strides = array<i32>} : memref<128x256xf32, #tpu.memory_space<vmem>>, vector<1x16xf32>,
      %get3A_31 = vector.shape_cast %get3A_30 : vector<1x16xf32> to vector<16xf32>
      %max3A = arith.maximumf %get3A_25, %get3A_31 : vector<16xf32>
      %add3A_32 = arith.constant 2 : i32
      %add3A_33 = arith.addi %mul3A_22, %add3A_32 : i32
      %get3A_34 = arith.index_cast %add3A_33 : i32 to index
      %get3A_35 = arith.constant 0 : index
      %get3A_36 = tpu.vector_load %arg10[%get3A_34, %get3A_35] {strides = array<i32>} : memref<128x256xf32, #tpu.memory_space<vmem>>, vector<1x16xf32>,
      %get3A_37 = vector.shape_cast %get3A_36 : vector<1x16xf32> to vector<16xf32>
      %max3A_38 = arith.maximumf %max3A, %get3A_37 : vector<16xf32>
      %add3A_39 = arith.constant 3 : i32
      %add3A_40 = arith.addi %mul3A_22, %add3A_39 : i32
      %get3A_41 = arith.index_cast %add3A_40 : i32 to index
      %get3A_42 = arith.constant 0 : index
      %get3A_43 = tpu.vector_load %arg10[%get3A_41, %get3A_42] {strides = array<i32>} : memref<128x256xf32, #tpu.memory_space<vmem>>, vector<1x16xf32>,
      %get3A_44 = vector.shape_cast %get3A_43 : vector<1x16xf32> to vector<16xf32>
      %max3A_45 = arith.maximumf %max3A_38, %get3A_44 : vector<16xf32>
      %add3A_46 = arith.constant 4 : i32
      %add3A_47 = arith.addi %mul3A_22, %add3A_46 : i32
      %get3A_48 = arith.index_cast %add3A_47 : i32 to index
      %get3A_49 = arith.constant 0 : index
      %get3A_50 = tpu.vector_load %arg10[%get3A_48, %get3A_49] {strides = array<i32>} : memref<128x256xf32, #tpu.memory_space<vmem>>, vector<1x16xf32>,
      %get3A_51 = vector.shape_cast %get3A_50 : vector<1x16xf32> to vector<16xf32>
      %max3A_52 = arith.maximumf %max3A_45, %get3A_51 : vector<16xf32>
      %add3A_53 = arith.constant 5 : i32
      %add3A_54 = arith.addi %mul3A_22, %add3A_53 : i32
      %get3A_55 = arith.index_cast %add3A_54 : i32 to index
      %get3A_56 = arith.constant 0 : index
      %get3A_57 = tpu.vector_load %arg10[%get3A_55, %get3A_56] {strides = array<i32>} : memref<128x256xf32, #tpu.memory_space<vmem>>, vector<1x16xf32>,
      %get3A_58 = vector.shape_cast %get3A_57 : vector<1x16xf32> to vector<16xf32>
      %max3A_59 = arith.maximumf %max3A_52, %get3A_58 : vector<16xf32>
      %add3A_60 = arith.constant 6 : i32
      %add3A_61 = arith.addi %mul3A_22, %add3A_60 : i32
      %get3A_62 = arith.index_cast %add3A_61 : i32 to index
      %get3A_63 = arith.constant 0 : index
      %get3A_64 = tpu.vector_load %arg10[%get3A_62, %get3A_63] {strides = array<i32>} : memref<128x256xf32, #tpu.memory_space<vmem>>, vector<1x16xf32>,
      %get3A_65 = vector.shape_cast %get3A_64 : vector<1x16xf32> to vector<16xf32>
      %max3A_66 = arith.maximumf %max3A_59, %get3A_65 : vector<16xf32>
      %add3A_67 = arith.constant 7 : i32
      %add3A_68 = arith.addi %mul3A_22, %add3A_67 : i32
      %get3A_69 = arith.index_cast %add3A_68 : i32 to index
      %get3A_70 = arith.constant 0 : index
      %get3A_71 = tpu.vector_load %arg10[%get3A_69, %get3A_70] {strides = array<i32>} : memref<128x256xf32, #tpu.memory_space<vmem>>, vector<1x16xf32>,
      %get3A_72 = vector.shape_cast %get3A_71 : vector<1x16xf32> to vector<16xf32>
      %max3A_73 = arith.maximumf %max3A_66, %get3A_72 : vector<16xf32>
      %swap3A = arith.index_cast %scan3A_20 : i32 to index
      %swap3A_74 = arith.constant 0 : index
      %swap3A_75 = tpu.vector_load %arg11[%swap3A, %swap3A_74] {strides = array<i32>} : memref<16x256xf32, #tpu.memory_space<vmem>>, vector<1x16xf32>,
      %swap3A_76 = vector.shape_cast %swap3A_75 : vector<1x16xf32> to vector<16xf32>
      %swap3A_77 = vector.shape_cast %max3A_73 : vector<16xf32> to vector<1x16xf32>
      tpu.vector_store %arg11[%swap3A, %swap3A_74], %swap3A_77 {strides = array<i32>} : memref<16x256xf32, #tpu.memory_space<vmem>>, vector<1x16xf32>,
      %get3A_78 = arith.index_cast %mul3A_22 : i32 to index
      %get3A_79 = arith.constant 16 : index
      %get3A_80 = tpu.vector_load %arg10[%get3A_78, %get3A_79] {strides = array<i32>} : memref<128x256xf32, #tpu.memory_space<vmem>>, vector<1x16xf32>,
      %get3A_81 = vector.shape_cast %get3A_80 : vector<1x16xf32> to vector<16xf32>
      %add3A_82 = arith.constant 1 : i32
      %add3A_83 = arith.addi %mul3A_22, %add3A_82 : i32
      %get3A_84 = arith.index_cast %add3A_83 : i32 to index
      %get3A_85 = arith.constant 16 : index
      %get3A_86 = tpu.vector_load %arg10[%get3A_84, %get3A_85] {strides = array<i32>} : memref<128x256xf32, #tpu.memory_space<vmem>>, vector<1x16xf32>,
      %get3A_87 = vector.shape_cast %get3A_86 : vector<1x16xf32> to vector<16xf32>
      %max3A_88 = arith.maximumf %get3A_81, %get3A_87 : vector<16xf32>
      %add3A_89 = arith.constant 2 : i32
      %add3A_90 = arith.addi %mul3A_22, %add3A_89 : i32
      %get3A_91 = arith.index_cast %add3A_90 : i32 to index
      %get3A_92 = arith.constant 16 : index
      %get3A_93 = tpu.vector_load %arg10[%get3A_91, %get3A_92] {strides = array<i32>} : memref<128x256xf32, #tpu.memory_space<vmem>>, vector<1x16xf32>,
      %get3A_94 = vector.shape_cast %get3A_93 : vector<1x16xf32> to vector<16xf32>
      %max3A_95 = arith.maximumf %max3A_88, %get3A_94 : vector<16xf32>
      %add3A_96 = arith.constant 3 : i32
      %add3A_97 = arith.addi %mul3A_22, %add3A_96 : i32
      %get3A_98 = arith.index_cast %add3A_97 : i32 to index
      %get3A_99 = arith.constant 16 : index
      %get3A_100 = tpu.vector_load %arg10[%get3A_98, %get3A_99] {strides = array<i32>} : memref<128x256xf32, #tpu.memory_space<vmem>>, vector<1x16xf32>,
      %get3A_101 = vector.shape_cast %get3A_100 : vector<1x16xf32> to vector<16xf32>
      %max3A_102 = arith.maximumf %max3A_95, %get3A_101 : vector<16xf32>
      %add3A_103 = arith.constant 4 : i32
      %add3A_104 = arith.addi %mul3A_22, %add3A_103 : i32
      %get3A_105 = arith.index_cast %add3A_104 : i32 to index
      %get3A_106 = arith.constant 16 : index
      %get3A_107 = tpu.vector_load %arg10[%get3A_105, %get3A_106] {strides = array<i32>} : memref<128x256xf32, #tpu.memory_space<vmem>>, vector<1x16xf32>,
      %get3A_108 = vector.shape_cast %get3A_107 : vector<1x16xf32> to vector<16xf32>
      %max3A_109 = arith.maximumf %max3A_102, %get3A_108 : vector<16xf32>
      %add3A_110 = arith.constant 5 : i32
      %add3A_111 = arith.addi %mul3A_22, %add3A_110 : i32
      %get3A_112 = arith.index_cast %add3A_111 : i32 to index
      %get3A_113 = arith.constant 16 : index
      %get3A_114 = tpu.vector_load %arg10[%get3A_112, %get3A_113] {strides = array<i32>} : memref<128x256xf32, #tpu.memory_space<vmem>>, vector<1x16xf32>,
      %get3A_115 = vector.shape_cast %get3A_114 : vector<1x16xf32> to vector<16xf32>
      %max3A_116 = arith.maximumf %max3A_109, %get3A_115 : vector<16xf32>
      %add3A_117 = arith.constant 6 : i32
      %add3A_118 = arith.addi %mul3A_22, %add3A_117 : i32
      %get3A_119 = arith.index_cast %add3A_118 : i32 to index
      %get3A_120 = arith.constant 16 : index
      %get3A_121 = tpu.vector_load %arg10[%get3A_119, %get3A_120] {strides = array<i32>} : memref<128x256xf32, #tpu.memory_space<vmem>>, vector<1x16xf32>,
      %get3A_122 = vector.shape_cast %get3A_121 : vector<1x16xf32> to vector<16xf32>
      %max3A_123 = arith.maximumf %max3A_116, %get3A_122 : vector<16xf32>
      %add3A_124 = arith.constant 7 : i32
      %add3A_125 = arith.addi %mul3A_22, %add3A_124 : i32
      %get3A_126 = arith.index_cast %add3A_125 : i32 to index
      %get3A_127 = arith.constant 16 : index
      %get3A_128 = tpu.vector_load %arg10[%get3A_126, %get3A_127] {strides = array<i32>} : memref<128x256xf32, #tpu.memory_space<vmem>>, vector<1x16xf32>,
      %get3A_129 = vector.shape_cast %get3A_128 : vector<1x16xf32> to vector<16xf32>
      %max3A_130 = arith.maximumf %max3A_123, %get3A_129 : vector<16xf32>
      %swap3A_131 = arith.index_cast %scan3A_20 : i32 to index
      %swap3A_132 = arith.constant 16 : index
      %swap3A_133 = tpu.vector_load %arg11[%swap3A_131, %swap3A_132] {strides = array<i32>} : memref<16x256xf32, #tpu.memory_space<vmem>>, vector<1x16xf32>,
      %swap3A_134 = vector.shape_cast %swap3A_133 : vector<1x16xf32> to vector<16xf32>
      %swap3A_135 = vector.shape_cast %max3A_130 : vector<16xf32> to vector<1x16xf32>
      tpu.vector_store %arg11[%swap3A_131, %swap3A_132], %swap3A_135 {strides = array<i32>} : memref<16x256xf32, #tpu.memory_space<vmem>>, vector<1x16xf32>,
      %get3A_136 = arith.index_cast %mul3A_22 : i32 to index
      %get3A_137 = arith.constant 32 : index
      %get3A_138 = tpu.vector_load %arg10[%get3A_136, %get3A_137] {strides = array<i32>} : memref<128x256xf32, #tpu.memory_space<vmem>>, vector<1x16xf32>,
      %get3A_139 = vector.shape_cast %get3A_138 : vector<1x16xf32> to vector<16xf32>
      %add3A_140 = arith.constant 1 : i32
      %add3A_141 = arith.addi %mul3A_22, %add3A_140 : i32
      %get3A_142 = arith.index_cast %add3A_141 : i32 to index
      %get3A_143 = arith.constant 32 : index
      %get3A_144 = tpu.vector_load %arg10[%get3A_142, %get3A_143] {strides = array<i32>} : memref<128x256xf32, #tpu.memory_space<vmem>>, vector<1x16xf32>,
      %get3A_145 = vector.shape_cast %get3A_144 : vector<1x16xf32> to vector<16xf32>
      %max3A_146 = arith.maximumf %get3A_139, %get3A_145 : vector<16xf32>
      %add3A_147 = arith.constant 2 : i32
      %add3A_148 = arith.addi %mul3A_22, %add3A_147 : i32
      %get3A_149 = arith.index_cast %add3A_148 : i32 to index
      %get3A_150 = arith.constant 32 : index
      %get3A_151 = tpu.vector_load %arg10[%get3A_149, %get3A_150] {strides = array<i32>} : memref<128x256xf32, #tpu.memory_space<vmem>>, vector<1x16xf32>,
      %get3A_152 = vector.shape_cast %get3A_151 : vector<1x16xf32> to vector<16xf32>
      %max3A_153 = arith.maximumf %max3A_146, %get3A_152 : vector<16xf32>
      %add3A_154 = arith.constant 3 : i32
      %add3A_155 = arith.addi %mul3A_22, %add3A_154 : i32
      %get3A_156 = arith.index_cast %add3A_155 : i32 to index
      %get3A_157 = arith.constant 32 : index
      %get3A_158 = tpu.vector_load %arg10[%get3A_156, %get3A_157] {strides = array<i32>} : memref<128x256xf32, #tpu.memory_space<vmem>>, vector<1x16xf32>,
      %get3A_159 = vector.shape_cast %get3A_158 : vector<1x16xf32> to vector<16xf32>
      %max3A_160 = arith.maximumf %max3A_153, %get3A_159 : vector<16xf32>
      %add3A_161 = arith.constant 4 : i32
      %add3A_162 = arith.addi %mul3A_22, %add3A_161 : i32
      %get3A_163 = arith.index_cast %add3A_162 : i32 to index
      %get3A_164 = arith.constant 32 : index
      %get3A_165 = tpu.vector_load %arg10[%get3A_163, %get3A_164] {strides = array<i32>} : memref<128x256xf32, #tpu.memory_space<vmem>>, vector<1x16xf32>,
      %get3A_166 = vector.shape_cast %get3A_165 : vector<1x16xf32> to vector<16xf32>
      %max3A_167 = arith.maximumf %max3A_160, %get3A_166 : vector<16xf32>
      %add3A_168 = arith.constant 5 : i32
      %add3A_169 = arith.addi %mul3A_22, %add3A_168 : i32
      %get3A_170 = arith.index_cast %add3A_169 : i32 to index
      %get3A_171 = arith.constant 32 : index
      %get3A_172 = tpu.vector_load %arg10[%get3A_170, %get3A_171] {strides = array<i32>} : memref<128x256xf32, #tpu.memory_space<vmem>>, vector<1x16xf32>,
      %get3A_173 = vector.shape_cast %get3A_172 : vector<1x16xf32> to vector<16xf32>
      %max3A_174 = arith.maximumf %max3A_167, %get3A_173 : vector<16xf32>
      %add3A_175 = arith.constant 6 : i32
      %add3A_176 = arith.addi %mul3A_22, %add3A_175 : i32
      %get3A_177 = arith.index_cast %add3A_176 : i32 to index
      %get3A_178 = arith.constant 32 : index
      %get3A_179 = tpu.vector_load %arg10[%get3A_177, %get3A_178] {strides = array<i32>} : memref<128x256xf32, #tpu.memory_space<vmem>>, vector<1x16xf32>,
      %get3A_180 = vector.shape_cast %get3A_179 : vector<1x16xf32> to vector<16xf32>
      %max3A_181 = arith.maximumf %max3A_174, %get3A_180 : vector<16xf32>
      %add3A_182 = arith.constant 7 : i32
      %add3A_183 = arith.addi %mul3A_22, %add3A_182 : i32
      %get3A_184 = arith.index_cast %add3A_183 : i32 to index
      %get3A_185 = arith.constant 32 : index
      %get3A_186 = tpu.vector_load %arg10[%get3A_184, %get3A_185] {strides = array<i32>} : memref<128x256xf32, #tpu.memory_space<vmem>>, vector<1x16xf32>,
      %get3A_187 = vector.shape_cast %get3A_186 : vector<1x16xf32> to vector<16xf32>
      %max3A_188 = arith.maximumf %max3A_181, %get3A_187 : vector<16xf32>
      %swap3A_189 = arith.index_cast %scan3A_20 : i32 to index
      %swap3A_190 = arith.constant 32 : index
      %swap3A_191 = tpu.vector_load %arg11[%swap3A_189, %swap3A_190] {strides = array<i32>} : memref<16x256xf32, #tpu.memory_space<vmem>>, vector<1x16xf32>,
      %swap3A_192 = vector.shape_cast %swap3A_191 : vector<1x16xf32> to vector<16xf32>
      %swap3A_193 = vector.shape_cast %max3A_188 : vector<16xf32> to vector<1x16xf32>
      tpu.vector_store %arg11[%swap3A_189, %swap3A_190], %swap3A_193 {strides = array<i32>} : memref<16x256xf32, #tpu.memory_space<vmem>>, vector<1x16xf32>,
      %get3A_194 = arith.index_cast %mul3A_22 : i32 to index
      %get3A_195 = arith.constant 48 : index
      %get3A_196 = tpu.vector_load %arg10[%get3A_194, %get3A_195] {strides = array<i32>} : memref<128x256xf32, #tpu.memory_space<vmem>>, vector<1x16xf32>,
      %get3A_197 = vector.shape_cast %get3A_196 : vector<1x16xf32> to vector<16xf32>
      %add3A_198 = arith.constant 1 : i32
      %add3A_199 = arith.addi %mul3A_22, %add3A_198 : i32
      %get3A_200 = arith.index_cast %add3A_199 : i32 to index
      %get3A_201 = arith.constant 48 : index
      %get3A_202 = tpu.vector_load %arg10[%get3A_200, %get3A_201] {strides = array<i32>} : memref<128x256xf32, #tpu.memory_space<vmem>>, vector<1x16xf32>,
      %get3A_203 = vector.shape_cast %get3A_202 : vector<1x16xf32> to vector<16xf32>
      %max3A_204 = arith.maximumf %get3A_197, %get3A_203 : vector<16xf32>
      %add3A_205 = arith.constant 2 : i32
      %add3A_206 = arith.addi %mul3A_22, %add3A_205 : i32
      %get3A_207 = arith.index_cast %add3A_206 : i32 to index
      %get3A_208 = arith.constant 48 : index
      %get3A_209 = tpu.vector_load %arg10[%get3A_207, %get3A_208] {strides = array<i32>} : memref<128x256xf32, #tpu.memory_space<vmem>>, vector<1x16xf32>,
      %get3A_210 = vector.shape_cast %get3A_209 : vector<1x16xf32> to vector<16xf32>
      %max3A_211 = arith.maximumf %max3A_204, %get3A_210 : vector<16xf32>
      %add3A_212 = arith.constant 3 : i32
      %add3A_213 = arith.addi %mul3A_22, %add3A_212 : i32
      %get3A_214 = arith.index_cast %add3A_213 : i32 to index
      %get3A_215 = arith.constant 48 : index
      %get3A_216 = tpu.vector_load %arg10[%get3A_214, %get3A_215] {strides = array<i32>} : memref<128x256xf32, #tpu.memory_space<vmem>>, vector<1x16xf32>,
      %get3A_217 = vector.shape_cast %get3A_216 : vector<1x16xf32> to vector<16xf32>
      %max3A_218 = arith.maximumf %max3A_211, %get3A_217 : vector<16xf32>
      %add3A_219 = arith.constant 4 : i32
      %add3A_220 = arith.addi %mul3A_22, %add3A_219 : i32
      %get3A_221 = arith.index_cast %add3A_220 : i32 to index
      %get3A_222 = arith.constant 48 : index
      %get3A_223 = tpu.vector_load %arg10[%get3A_221, %get3A_222] {strides = array<i32>} : memref<128x256xf32, #tpu.memory_space<vmem>>, vector<1x16xf32>,
      %get3A_224 = vector.shape_cast %get3A_223 : vector<1x16xf32> to vector<16xf32>
      %max3A_225 = arith.maximumf %max3A_218, %get3A_224 : vector<16xf32>
      %add3A_226 = arith.constant 5 : i32
      %add3A_227 = arith.addi %mul3A_22, %add3A_226 : i32
      %get3A_228 = arith.index_cast %add3A_227 : i32 to index
      %get3A_229 = arith.constant 48 : index
      %get3A_230 = tpu.vector_load %arg10[%get3A_228, %get3A_229] {strides = array<i32>} : memref<128x256xf32, #tpu.memory_space<vmem>>, vector<1x16xf32>,
      %get3A_231 = vector.shape_cast %get3A_230 : vector<1x16xf32> to vector<16xf32>
      %max3A_232 = arith.maximumf %max3A_225, %get3A_231 : vector<16xf32>
      %add3A_233 = arith.constant 6 : i32
      %add3A_234 = arith.addi %mul3A_22, %add3A_233 : i32
      %get3A_235 = arith.index_cast %add3A_234 : i32 to index
      %get3A_236 = arith.constant 48 : index
      %get3A_237 = tpu.vector_load %arg10[%get3A_235, %get3A_236] {strides = array<i32>} : memref<128x256xf32, #tpu.memory_space<vmem>>, vector<1x16xf32>,
      %get3A_238 = vector.shape_cast %get3A_237 : vector<1x16xf32> to vector<16xf32>
      %max3A_239 = arith.maximumf %max3A_232, %get3A_238 : vector<16xf32>
      %add3A_240 = arith.constant 7 : i32
      %add3A_241 = arith.addi %mul3A_22, %add3A_240 : i32
      %get3A_242 = arith.index_cast %add3A_241 : i32 to index
      %get3A_243 = arith.constant 48 : index
      %get3A_244 = tpu.vector_load %arg10[%get3A_242, %get3A_243] {strides = array<i32>} : memref<128x256xf32, #tpu.memory_space<vmem>>, vector<1x16xf32>,
      %get3A_245 = vector.shape_cast %get3A_244 : vector<1x16xf32> to vector<16xf32>
      %max3A_246 = arith.maximumf %max3A_239, %get3A_245 : vector<16xf32>
      %swap3A_247 = arith.index_cast %scan3A_20 : i32 to index
      %swap3A_248 = arith.constant 48 : index
      %swap3A_249 = tpu.vector_load %arg11[%swap3A_247, %swap3A_248] {strides = array<i32>} : memref<16x256xf32, #tpu.memory_space<vmem>>, vector<1x16xf32>,
      %swap3A_250 = vector.shape_cast %swap3A_249 : vector<1x16xf32> to vector<16xf32>
      %swap3A_251 = vector.shape_cast %max3A_246 : vector<16xf32> to vector<1x16xf32>
      tpu.vector_store %arg11[%swap3A_247, %swap3A_248], %swap3A_251 {strides = array<i32>} : memref<16x256xf32, #tpu.memory_space<vmem>>, vector<1x16xf32>,
      %get3A_252 = arith.index_cast %mul3A_22 : i32 to index
      %get3A_253 = arith.constant 64 : index
      %get3A_254 = tpu.vector_load %arg10[%get3A_252, %get3A_253] {strides = array<i32>} : memref<128x256xf32, #tpu.memory_space<vmem>>, vector<1x16xf32>,
      %get3A_255 = vector.shape_cast %get3A_254 : vector<1x16xf32> to vector<16xf32>
      %add3A_256 = arith.constant 1 : i32
      %add3A_257 = arith.addi %mul3A_22, %add3A_256 : i32
      %get3A_258 = arith.index_cast %add3A_257 : i32 to index
      %get3A_259 = arith.constant 64 : index
      %get3A_260 = tpu.vector_load %arg10[%get3A_258, %get3A_259] {strides = array<i32>} : memref<128x256xf32, #tpu.memory_space<vmem>>, vector<1x16xf32>,
      %get3A_261 = vector.shape_cast %get3A_260 : vector<1x16xf32> to vector<16xf32>
      %max3A_262 = arith.maximumf %get3A_255, %get3A_261 : vector<16xf32>
      %add3A_263 = arith.constant 2 : i32
      %add3A_264 = arith.addi %mul3A_22, %add3A_263 : i32
      %get3A_265 = arith.index_cast %add3A_264 : i32 to index
      %get3A_266 = arith.constant 64 : index
      %get3A_267 = tpu.vector_load %arg10[%get3A_265, %get3A_266] {strides = array<i32>} : memref<128x256xf32, #tpu.memory_space<vmem>>, vector<1x16xf32>,
      %get3A_268 = vector.shape_cast %get3A_267 : vector<1x16xf32> to vector<16xf32>
      %max3A_269 = arith.maximumf %max3A_262, %get3A_268 : vector<16xf32>
      %add3A_270 = arith.constant 3 : i32
      %add3A_271 = arith.addi %mul3A_22, %add3A_270 : i32
      %get3A_272 = arith.index_cast %add3A_271 : i32 to index
      %get3A_273 = arith.constant 64 : index
      %get3A_274 = tpu.vector_load %arg10[%get3A_272, %get3A_273] {strides = array<i32>} : memref<128x256xf32, #tpu.memory_space<vmem>>, vector<1x16xf32>,
      %get3A_275 = vector.shape_cast %get3A_274 : vector<1x16xf32> to vector<16xf32>
      %max3A_276 = arith.maximumf %max3A_269, %get3A_275 : vector<16xf32>
      %add3A_277 = arith.constant 4 : i32
      %add3A_278 = arith.addi %mul3A_22, %add3A_277 : i32
      %get3A_279 = arith.index_cast %add3A_278 : i32 to index
      %get3A_280 = arith.constant 64 : index
      %get3A_281 = tpu.vector_load %arg10[%get3A_279, %get3A_280] {strides = array<i32>} : memref<128x256xf32, #tpu.memory_space<vmem>>, vector<1x16xf32>,
      %get3A_282 = vector.shape_cast %get3A_281 : vector<1x16xf32> to vector<16xf32>
      %max3A_283 = arith.maximumf %max3A_276, %get3A_282 : vector<16xf32>
      %add3A_284 = arith.constant 5 : i32
      %add3A_285 = arith.addi %mul3A_22, %add3A_284 : i32
      %get3A_286 = arith.index_cast %add3A_285 : i32 to index
      %get3A_287 = arith.constant 64 : index
      %get3A_288 = tpu.vector_load %arg10[%get3A_286, %get3A_287] {strides = array<i32>} : memref<128x256xf32, #tpu.memory_space<vmem>>, vector<1x16xf32>,
      %get3A_289 = vector.shape_cast %get3A_288 : vector<1x16xf32> to vector<16xf32>
      %max3A_290 = arith.maximumf %max3A_283, %get3A_289 : vector<16xf32>
      %add3A_291 = arith.constant 6 : i32
      %add3A_292 = arith.addi %mul3A_22, %add3A_291 : i32
      %get3A_293 = arith.index_cast %add3A_292 : i32 to index
      %get3A_294 = arith.constant 64 : index
      %get3A_295 = tpu.vector_load %arg10[%get3A_293, %get3A_294] {strides = array<i32>} : memref<128x256xf32, #tpu.memory_space<vmem>>, vector<1x16xf32>,
      %get3A_296 = vector.shape_cast %get3A_295 : vector<1x16xf32> to vector<16xf32>
      %max3A_297 = arith.maximumf %max3A_290, %get3A_296 : vector<16xf32>
      %add3A_298 = arith.constant 7 : i32
      %add3A_299 = arith.addi %mul3A_22, %add3A_298 : i32
      %get3A_300 = arith.index_cast %add3A_299 : i32 to index
      %get3A_301 = arith.constant 64 : index
      %get3A_302 = tpu.vector_load %arg10[%get3A_300, %get3A_301] {strides = array<i32>} : memref<128x256xf32, #tpu.memory_space<vmem>>, vector<1x16xf32>,
      %get3A_303 = vector.shape_cast %get3A_302 : vector<1x16xf32> to vector<16xf32>
      %max3A_304 = arith.maximumf %max3A_297, %get3A_303 : vector<16xf32>
      %swap3A_305 = arith.index_cast %scan3A_20 : i32 to index
      %swap3A_306 = arith.constant 64 : index
      %swap3A_307 = tpu.vector_load %arg11[%swap3A_305, %swap3A_306] {strides = array<i32>} : memref<16x256xf32, #tpu.memory_space<vmem>>, vector<1x16xf32>,
      %swap3A_308 = vector.shape_cast %swap3A_307 : vector<1x16xf32> to vector<16xf32>
      %swap3A_309 = vector.shape_cast %max3A_304 : vector<16xf32> to vector<1x16xf32>
      tpu.vector_store %arg11[%swap3A_305, %swap3A_306], %swap3A_309 {strides = array<i32>} : memref<16x256xf32, #tpu.memory_space<vmem>>, vector<1x16xf32>,
      %get3A_310 = arith.index_cast %mul3A_22 : i32 to index
      %get3A_311 = arith.constant 80 : index
      %get3A_312 = tpu.vector_load %arg10[%get3A_310, %get3A_311] {strides = array<i32>} : memref<128x256xf32, #tpu.memory_space<vmem>>, vector<1x16xf32>,
      %get3A_313 = vector.shape_cast %get3A_312 : vector<1x16xf32> to vector<16xf32>
      %add3A_314 = arith.constant 1 : i32
      %add3A_315 = arith.addi %mul3A_22, %add3A_314 : i32
      %get3A_316 = arith.index_cast %add3A_315 : i32 to index
      %get3A_317 = arith.constant 80 : index
      %get3A_318 = tpu.vector_load %arg10[%get3A_316, %get3A_317] {strides = array<i32>} : memref<128x256xf32, #tpu.memory_space<vmem>>, vector<1x16xf32>,
      %get3A_319 = vector.shape_cast %get3A_318 : vector<1x16xf32> to vector<16xf32>
      %max3A_320 = arith.maximumf %get3A_313, %get3A_319 : vector<16xf32>
      %add3A_321 = arith.constant 2 : i32
      %add3A_322 = arith.addi %mul3A_22, %add3A_321 : i32
      %get3A_323 = arith.index_cast %add3A_322 : i32 to index
      %get3A_324 = arith.constant 80 : index
      %get3A_325 = tpu.vector_load %arg10[%get3A_323, %get3A_324] {strides = array<i32>} : memref<128x256xf32, #tpu.memory_space<vmem>>, vector<1x16xf32>,
      %get3A_326 = vector.shape_cast %get3A_325 : vector<1x16xf32> to vector<16xf32>
      %max3A_327 = arith.maximumf %max3A_320, %get3A_326 : vector<16xf32>
      %add3A_328 = arith.constant 3 : i32
      %add3A_329 = arith.addi %mul3A_22, %add3A_328 : i32
      %get3A_330 = arith.index_cast %add3A_329 : i32 to index
      %get3A_331 = arith.constant 80 : index
      %get3A_332 = tpu.vector_load %arg10[%get3A_330, %get3A_331] {strides = array<i32>} : memref<128x256xf32, #tpu.memory_space<vmem>>, vector<1x16xf32>,
      %get3A_333 = vector.shape_cast %get3A_332 : vector<1x16xf32> to vector<16xf32>
      %max3A_334 = arith.maximumf %max3A_327, %get3A_333 : vector<16xf32>
      %add3A_335 = arith.constant 4 : i32
      %add3A_336 = arith.addi %mul3A_22, %add3A_335 : i32
      %get3A_337 = arith.index_cast %add3A_336 : i32 to index
      %get3A_338 = arith.constant 80 : index
      %get3A_339 = tpu.vector_load %arg10[%get3A_337, %get3A_338] {strides = array<i32>} : memref<128x256xf32, #tpu.memory_space<vmem>>, vector<1x16xf32>,
      %get3A_340 = vector.shape_cast %get3A_339 : vector<1x16xf32> to vector<16xf32>
      %max3A_341 = arith.maximumf %max3A_334, %get3A_340 : vector<16xf32>
      %add3A_342 = arith.constant 5 : i32
      %add3A_343 = arith.addi %mul3A_22, %add3A_342 : i32
      %get3A_344 = arith.index_cast %add3A_343 : i32 to index
      %get3A_345 = arith.constant 80 : index
      %get3A_346 = tpu.vector_load %arg10[%get3A_344, %get3A_345] {strides = array<i32>} : memref<128x256xf32, #tpu.memory_space<vmem>>, vector<1x16xf32>,
      %get3A_347 = vector.shape_cast %get3A_346 : vector<1x16xf32> to vector<16xf32>
      %max3A_348 = arith.maximumf %max3A_341, %get3A_347 : vector<16xf32>
      %add3A_349 = arith.constant 6 : i32
      %add3A_350 = arith.addi %mul3A_22, %add3A_349 : i32
      %get3A_351 = arith.index_cast %add3A_350 : i32 to index
      %get3A_352 = arith.constant 80 : index
      %get3A_353 = tpu.vector_load %arg10[%get3A_351, %get3A_352] {strides = array<i32>} : memref<128x256xf32, #tpu.memory_space<vmem>>, vector<1x16xf32>,
      %get3A_354 = vector.shape_cast %get3A_353 : vector<1x16xf32> to vector<16xf32>
      %max3A_355 = arith.maximumf %max3A_348, %get3A_354 : vector<16xf32>
      %add3A_356 = arith.constant 7 : i32
      %add3A_357 = arith.addi %mul3A_22, %add3A_356 : i32
      %get3A_358 = arith.index_cast %add3A_357 : i32 to index
      %get3A_359 = arith.constant 80 : index
      %get3A_360 = tpu.vector_load %arg10[%get3A_358, %get3A_359] {strides = array<i32>} : memref<128x256xf32, #tpu.memory_space<vmem>>, vector<1x16xf32>,
      %get3A_361 = vector.shape_cast %get3A_360 : vector<1x16xf32> to vector<16xf32>
      %max3A_362 = arith.maximumf %max3A_355, %get3A_361 : vector<16xf32>
      %swap3A_363 = arith.index_cast %scan3A_20 : i32 to index
      %swap3A_364 = arith.constant 80 : index
      %swap3A_365 = tpu.vector_load %arg11[%swap3A_363, %swap3A_364] {strides = array<i32>} : memref<16x256xf32, #tpu.memory_space<vmem>>, vector<1x16xf32>,
      %swap3A_366 = vector.shape_cast %swap3A_365 : vector<1x16xf32> to vector<16xf32>
      %swap3A_367 = vector.shape_cast %max3A_362 : vector<16xf32> to vector<1x16xf32>
      tpu.vector_store %arg11[%swap3A_363, %swap3A_364], %swap3A_367 {strides = array<i32>} : memref<16x256xf32, #tpu.memory_space<vmem>>, vector<1x16xf32>,
      %get3A_368 = arith.index_cast %mul3A_22 : i32 to index
      %get3A_369 = arith.constant 96 : index
      %get3A_370 = tpu.vector_load %arg10[%get3A_368, %get3A_369] {strides = array<i32>} : memref<128x256xf32, #tpu.memory_space<vmem>>, vector<1x16xf32>,
      %get3A_371 = vector.shape_cast %get3A_370 : vector<1x16xf32> to vector<16xf32>
      %add3A_372 = arith.constant 1 : i32
      %add3A_373 = arith.addi %mul3A_22, %add3A_372 : i32
      %get3A_374 = arith.index_cast %add3A_373 : i32 to index
      %get3A_375 = arith.constant 96 : index
      %get3A_376 = tpu.vector_load %arg10[%get3A_374, %get3A_375] {strides = array<i32>} : memref<128x256xf32, #tpu.memory_space<vmem>>, vector<1x16xf32>,
      %get3A_377 = vector.shape_cast %get3A_376 : vector<1x16xf32> to vector<16xf32>
      %max3A_378 = arith.maximumf %get3A_371, %get3A_377 : vector<16xf32>
      %add3A_379 = arith.constant 2 : i32
      %add3A_380 = arith.addi %mul3A_22, %add3A_379 : i32
      %get3A_381 = arith.index_cast %add3A_380 : i32 to index
      %get3A_382 = arith.constant 96 : index
      %get3A_383 = tpu.vector_load %arg10[%get3A_381, %get3A_382] {strides = array<i32>} : memref<128x256xf32, #tpu.memory_space<vmem>>, vector<1x16xf32>,
      %get3A_384 = vector.shape_cast %get3A_383 : vector<1x16xf32> to vector<16xf32>
      %max3A_385 = arith.maximumf %max3A_378, %get3A_384 : vector<16xf32>
      %add3A_386 = arith.constant 3 : i32
      %add3A_387 = arith.addi %mul3A_22, %add3A_386 : i32
      %get3A_388 = arith.index_cast %add3A_387 : i32 to index
      %get3A_389 = arith.constant 96 : index
      %get3A_390 = tpu.vector_load %arg10[%get3A_388, %get3A_389] {strides = array<i32>} : memref<128x256xf32, #tpu.memory_space<vmem>>, vector<1x16xf32>,
      %get3A_391 = vector.shape_cast %get3A_390 : vector<1x16xf32> to vector<16xf32>
      %max3A_392 = arith.maximumf %max3A_385, %get3A_391 : vector<16xf32>
      %add3A_393 = arith.constant 4 : i32
      %add3A_394 = arith.addi %mul3A_22, %add3A_393 : i32
      %get3A_395 = arith.index_cast %add3A_394 : i32 to index
      %get3A_396 = arith.constant 96 : index
      %get3A_397 = tpu.vector_load %arg10[%get3A_395, %get3A_396] {strides = array<i32>} : memref<128x256xf32, #tpu.memory_space<vmem>>, vector<1x16xf32>,
      %get3A_398 = vector.shape_cast %get3A_397 : vector<1x16xf32> to vector<16xf32>
      %max3A_399 = arith.maximumf %max3A_392, %get3A_398 : vector<16xf32>
      %add3A_400 = arith.constant 5 : i32
      %add3A_401 = arith.addi %mul3A_22, %add3A_400 : i32
      %get3A_402 = arith.index_cast %add3A_401 : i32 to index
      %get3A_403 = arith.constant 96 : index
      %get3A_404 = tpu.vector_load %arg10[%get3A_402, %get3A_403] {strides = array<i32>} : memref<128x256xf32, #tpu.memory_space<vmem>>, vector<1x16xf32>,
      %get3A_405 = vector.shape_cast %get3A_404 : vector<1x16xf32> to vector<16xf32>
      %max3A_406 = arith.maximumf %max3A_399, %get3A_405 : vector<16xf32>
      %add3A_407 = arith.constant 6 : i32
      %add3A_408 = arith.addi %mul3A_22, %add3A_407 : i32
      %get3A_409 = arith.index_cast %add3A_408 : i32 to index
      %get3A_410 = arith.constant 96 : index
      %get3A_411 = tpu.vector_load %arg10[%get3A_409, %get3A_410] {strides = array<i32>} : memref<128x256xf32, #tpu.memory_space<vmem>>, vector<1x16xf32>,
      %get3A_412 = vector.shape_cast %get3A_411 : vector<1x16xf32> to vector<16xf32>
      %max3A_413 = arith.maximumf %max3A_406, %get3A_412 : vector<16xf32>
      %add3A_414 = arith.constant 7 : i32
      %add3A_415 = arith.addi %mul3A_22, %add3A_414 : i32
      %get3A_416 = arith.index_cast %add3A_415 : i32 to index
      %get3A_417 = arith.constant 96 : index
      %get3A_418 = tpu.vector_load %arg10[%get3A_416, %get3A_417] {strides = array<i32>} : memref<128x256xf32, #tpu.memory_space<vmem>>, vector<1x16xf32>,
      %get3A_419 = vector.shape_cast %get3A_418 : vector<1x16xf32> to vector<16xf32>
      %max3A_420 = arith.maximumf %max3A_413, %get3A_419 : vector<16xf32>
      %swap3A_421 = arith.index_cast %scan3A_20 : i32 to index
      %swap3A_422 = arith.constant 96 : index
      %swap3A_423 = tpu.vector_load %arg11[%swap3A_421, %swap3A_422] {strides = array<i32>} : memref<16x256xf32, #tpu.memory_space<vmem>>, vector<1x16xf32>,
      %swap3A_424 = vector.shape_cast %swap3A_423 : vector<1x16xf32> to vector<16xf32>
      %swap3A_425 = vector.shape_cast %max3A_420 : vector<16xf32> to vector<1x16xf32>
      tpu.vector_store %arg11[%swap3A_421, %swap3A_422], %swap3A_425 {strides = array<i32>} : memref<16x256xf32, #tpu.memory_space<vmem>>, vector<1x16xf32>,
      %get3A_426 = arith.index_cast %mul3A_22 : i32 to index
      %get3A_427 = arith.constant 112 : index
      %get3A_428 = tpu.vector_load %arg10[%get3A_426, %get3A_427] {strides = array<i32>} : memref<128x256xf32, #tpu.memory_space<vmem>>, vector<1x16xf32>,
      %get3A_429 = vector.shape_cast %get3A_428 : vector<1x16xf32> to vector<16xf32>
      %add3A_430 = arith.constant 1 : i32
      %add3A_431 = arith.addi %mul3A_22, %add3A_430 : i32
      %get3A_432 = arith.index_cast %add3A_431 : i32 to index
      %get3A_433 = arith.constant 112 : index
      %get3A_434 = tpu.vector_load %arg10[%get3A_432, %get3A_433] {strides = array<i32>} : memref<128x256xf32, #tpu.memory_space<vmem>>, vector<1x16xf32>,
      %get3A_435 = vector.shape_cast %get3A_434 : vector<1x16xf32> to vector<16xf32>
      %max3A_436 = arith.maximumf %get3A_429, %get3A_435 : vector<16xf32>
      %add3A_437 = arith.constant 2 : i32
      %add3A_438 = arith.addi %mul3A_22, %add3A_437 : i32
      %get3A_439 = arith.index_cast %add3A_438 : i32 to index
      %get3A_440 = arith.constant 112 : index
      %get3A_441 = tpu.vector_load %arg10[%get3A_439, %get3A_440] {strides = array<i32>} : memref<128x256xf32, #tpu.memory_space<vmem>>, vector<1x16xf32>,
      %get3A_442 = vector.shape_cast %get3A_441 : vector<1x16xf32> to vector<16xf32>
      %max3A_443 = arith.maximumf %max3A_436, %get3A_442 : vector<16xf32>
      %add3A_444 = arith.constant 3 : i32
      %add3A_445 = arith.addi %mul3A_22, %add3A_444 : i32
      %get3A_446 = arith.index_cast %add3A_445 : i32 to index
      %get3A_447 = arith.constant 112 : index
      %get3A_448 = tpu.vector_load %arg10[%get3A_446, %get3A_447] {strides = array<i32>} : memref<128x256xf32, #tpu.memory_space<vmem>>, vector<1x16xf32>,
      %get3A_449 = vector.shape_cast %get3A_448 : vector<1x16xf32> to vector<16xf32>
      %max3A_450 = arith.maximumf %max3A_443, %get3A_449 : vector<16xf32>
      %add3A_451 = arith.constant 4 : i32
      %add3A_452 = arith.addi %mul3A_22, %add3A_451 : i32
      %get3A_453 = arith.index_cast %add3A_452 : i32 to index
      %get3A_454 = arith.constant 112 : index
      %get3A_455 = tpu.vector_load %arg10[%get3A_453, %get3A_454] {strides = array<i32>} : memref<128x256xf32, #tpu.memory_space<vmem>>, vector<1x16xf32>,
      %get3A_456 = vector.shape_cast %get3A_455 : vector<1x16xf32> to vector<16xf32>
      %max3A_457 = arith.maximumf %max3A_450, %get3A_456 : vector<16xf32>
      %add3A_458 = arith.constant 5 : i32
      %add3A_459 = arith.addi %mul3A_22, %add3A_458 : i32
      %get3A_460 = arith.index_cast %add3A_459 : i32 to index
      %get3A_461 = arith.constant 112 : index
      %get3A_462 = tpu.vector_load %arg10[%get3A_460, %get3A_461] {strides = array<i32>} : memref<128x256xf32, #tpu.memory_space<vmem>>, vector<1x16xf32>,
      %get3A_463 = vector.shape_cast %get3A_462 : vector<1x16xf32> to vector<16xf32>
      %max3A_464 = arith.maximumf %max3A_457, %get3A_463 : vector<16xf32>
      %add3A_465 = arith.constant 6 : i32
      %add3A_466 = arith.addi %mul3A_22, %add3A_465 : i32
      %get3A_467 = arith.index_cast %add3A_466 : i32 to index
      %get3A_468 = arith.constant 112 : index
      %get3A_469 = tpu.vector_load %arg10[%get3A_467, %get3A_468] {strides = array<i32>} : memref<128x256xf32, #tpu.memory_space<vmem>>, vector<1x16xf32>,
      %get3A_470 = vector.shape_cast %get3A_469 : vector<1x16xf32> to vector<16xf32>
      %max3A_471 = arith.maximumf %max3A_464, %get3A_470 : vector<16xf32>
      %add3A_472 = arith.constant 7 : i32
      %add3A_473 = arith.addi %mul3A_22, %add3A_472 : i32
      %get3A_474 = arith.index_cast %add3A_473 : i32 to index
      %get3A_475 = arith.constant 112 : index
      %get3A_476 = tpu.vector_load %arg10[%get3A_474, %get3A_475] {strides = array<i32>} : memref<128x256xf32, #tpu.memory_space<vmem>>, vector<1x16xf32>,
      %get3A_477 = vector.shape_cast %get3A_476 : vector<1x16xf32> to vector<16xf32>
      %max3A_478 = arith.maximumf %max3A_471, %get3A_477 : vector<16xf32>
      %swap3A_479 = arith.index_cast %scan3A_20 : i32 to index
      %swap3A_480 = arith.constant 112 : index
      %swap3A_481 = tpu.vector_load %arg11[%swap3A_479, %swap3A_480] {strides = array<i32>} : memref<16x256xf32, #tpu.memory_space<vmem>>, vector<1x16xf32>,
      %swap3A_482 = vector.shape_cast %swap3A_481 : vector<1x16xf32> to vector<16xf32>
      %swap3A_483 = vector.shape_cast %max3A_478 : vector<16xf32> to vector<1x16xf32>
      tpu.vector_store %arg11[%swap3A_479, %swap3A_480], %swap3A_483 {strides = array<i32>} : memref<16x256xf32, #tpu.memory_space<vmem>>, vector<1x16xf32>,
      %get3A_484 = arith.index_cast %mul3A_22 : i32 to index
      %get3A_485 = arith.constant 128 : index
      %get3A_486 = tpu.vector_load %arg10[%get3A_484, %get3A_485] {strides = array<i32>} : memref<128x256xf32, #tpu.memory_space<vmem>>, vector<1x16xf32>,
      %get3A_487 = vector.shape_cast %get3A_486 : vector<1x16xf32> to vector<16xf32>
      %add3A_488 = arith.constant 1 : i32
      %add3A_489 = arith.addi %mul3A_22, %add3A_488 : i32
      %get3A_490 = arith.index_cast %add3A_489 : i32 to index
      %get3A_491 = arith.constant 128 : index
      %get3A_492 = tpu.vector_load %arg10[%get3A_490, %get3A_491] {strides = array<i32>} : memref<128x256xf32, #tpu.memory_space<vmem>>, vector<1x16xf32>,
      %get3A_493 = vector.shape_cast %get3A_492 : vector<1x16xf32> to vector<16xf32>
      %max3A_494 = arith.maximumf %get3A_487, %get3A_493 : vector<16xf32>
      %add3A_495 = arith.constant 2 : i32
      %add3A_496 = arith.addi %mul3A_22, %add3A_495 : i32
      %get3A_497 = arith.index_cast %add3A_496 : i32 to index
      %get3A_498 = arith.constant 128 : index
      %get3A_499 = tpu.vector_load %arg10[%get3A_497, %get3A_498] {strides = array<i32>} : memref<128x256xf32, #tpu.memory_space<vmem>>, vector<1x16xf32>,
      %get3A_500 = vector.shape_cast %get3A_499 : vector<1x16xf32> to vector<16xf32>
      %max3A_501 = arith.maximumf %max3A_494, %get3A_500 : vector<16xf32>
      %add3A_502 = arith.constant 3 : i32
      %add3A_503 = arith.addi %mul3A_22, %add3A_502 : i32
      %get3A_504 = arith.index_cast %add3A_503 : i32 to index
      %get3A_505 = arith.constant 128 : index
      %get3A_506 = tpu.vector_load %arg10[%get3A_504, %get3A_505] {strides = array<i32>} : memref<128x256xf32, #tpu.memory_space<vmem>>, vector<1x16xf32>,
      %get3A_507 = vector.shape_cast %get3A_506 : vector<1x16xf32> to vector<16xf32>
      %max3A_508 = arith.maximumf %max3A_501, %get3A_507 : vector<16xf32>
      %add3A_509 = arith.constant 4 : i32
      %add3A_510 = arith.addi %mul3A_22, %add3A_509 : i32
      %get3A_511 = arith.index_cast %add3A_510 : i32 to index
      %get3A_512 = arith.constant 128 : index
      %get3A_513 = tpu.vector_load %arg10[%get3A_511, %get3A_512] {strides = array<i32>} : memref<128x256xf32, #tpu.memory_space<vmem>>, vector<1x16xf32>,
      %get3A_514 = vector.shape_cast %get3A_513 : vector<1x16xf32> to vector<16xf32>
      %max3A_515 = arith.maximumf %max3A_508, %get3A_514 : vector<16xf32>
      %add3A_516 = arith.constant 5 : i32
      %add3A_517 = arith.addi %mul3A_22, %add3A_516 : i32
      %get3A_518 = arith.index_cast %add3A_517 : i32 to index
      %get3A_519 = arith.constant 128 : index
      %get3A_520 = tpu.vector_load %arg10[%get3A_518, %get3A_519] {strides = array<i32>} : memref<128x256xf32, #tpu.memory_space<vmem>>, vector<1x16xf32>,
      %get3A_521 = vector.shape_cast %get3A_520 : vector<1x16xf32> to vector<16xf32>
      %max3A_522 = arith.maximumf %max3A_515, %get3A_521 : vector<16xf32>
      %add3A_523 = arith.constant 6 : i32
      %add3A_524 = arith.addi %mul3A_22, %add3A_523 : i32
      %get3A_525 = arith.index_cast %add3A_524 : i32 to index
      %get3A_526 = arith.constant 128 : index
      %get3A_527 = tpu.vector_load %arg10[%get3A_525, %get3A_526] {strides = array<i32>} : memref<128x256xf32, #tpu.memory_space<vmem>>, vector<1x16xf32>,
      %get3A_528 = vector.shape_cast %get3A_527 : vector<1x16xf32> to vector<16xf32>
      %max3A_529 = arith.maximumf %max3A_522, %get3A_528 : vector<16xf32>
      %add3A_530 = arith.constant 7 : i32
      %add3A_531 = arith.addi %mul3A_22, %add3A_530 : i32
      %get3A_532 = arith.index_cast %add3A_531 : i32 to index
      %get3A_533 = arith.constant 128 : index
      %get3A_534 = tpu.vector_load %arg10[%get3A_532, %get3A_533] {strides = array<i32>} : memref<128x256xf32, #tpu.memory_space<vmem>>, vector<1x16xf32>,
      %get3A_535 = vector.shape_cast %get3A_534 : vector<1x16xf32> to vector<16xf32>
      %max3A_536 = arith.maximumf %max3A_529, %get3A_535 : vector<16xf32>
      %swap3A_537 = arith.index_cast %scan3A_20 : i32 to index
      %swap3A_538 = arith.constant 128 : index
      %swap3A_539 = tpu.vector_load %arg11[%swap3A_537, %swap3A_538] {strides = array<i32>} : memref<16x256xf32, #tpu.memory_space<vmem>>, vector<1x16xf32>,
      %swap3A_540 = vector.shape_cast %swap3A_539 : vector<1x16xf32> to vector<16xf32>
      %swap3A_541 = vector.shape_cast %max3A_536 : vector<16xf32> to vector<1x16xf32>
      tpu.vector_store %arg11[%swap3A_537, %swap3A_538], %swap3A_541 {strides = array<i32>} : memref<16x256xf32, #tpu.memory_space<vmem>>, vector<1x16xf32>,
      %get3A_542 = arith.index_cast %mul3A_22 : i32 to index
      %get3A_543 = arith.constant 144 : index
      %get3A_544 = tpu.vector_load %arg10[%get3A_542, %get3A_543] {strides = array<i32>} : memref<128x256xf32, #tpu.memory_space<vmem>>, vector<1x16xf32>,
      %get3A_545 = vector.shape_cast %get3A_544 : vector<1x16xf32> to vector<16xf32>
      %add3A_546 = arith.constant 1 : i32
      %add3A_547 = arith.addi %mul3A_22, %add3A_546 : i32
      %get3A_548 = arith.index_cast %add3A_547 : i32 to index
      %get3A_549 = arith.constant 144 : index
      %get3A_550 = tpu.vector_load %arg10[%get3A_548, %get3A_549] {strides = array<i32>} : memref<128x256xf32, #tpu.memory_space<vmem>>, vector<1x16xf32>,
      %get3A_551 = vector.shape_cast %get3A_550 : vector<1x16xf32> to vector<16xf32>
      %max3A_552 = arith.maximumf %get3A_545, %get3A_551 : vector<16xf32>
      %add3A_553 = arith.constant 2 : i32
      %add3A_554 = arith.addi %mul3A_22, %add3A_553 : i32
      %get3A_555 = arith.index_cast %add3A_554 : i32 to index
      %get3A_556 = arith.constant 144 : index
      %get3A_557 = tpu.vector_load %arg10[%get3A_555, %get3A_556] {strides = array<i32>} : memref<128x256xf32, #tpu.memory_space<vmem>>, vector<1x16xf32>,
      %get3A_558 = vector.shape_cast %get3A_557 : vector<1x16xf32> to vector<16xf32>
      %max3A_559 = arith.maximumf %max3A_552, %get3A_558 : vector<16xf32>
      %add3A_560 = arith.constant 3 : i32
      %add3A_561 = arith.addi %mul3A_22, %add3A_560 : i32
      %get3A_562 = arith.index_cast %add3A_561 : i32 to index
      %get3A_563 = arith.constant 144 : index
      %get3A_564 = tpu.vector_load %arg10[%get3A_562, %get3A_563] {strides = array<i32>} : memref<128x256xf32, #tpu.memory_space<vmem>>, vector<1x16xf32>,
      %get3A_565 = vector.shape_cast %get3A_564 : vector<1x16xf32> to vector<16xf32>
      %max3A_566 = arith.maximumf %max3A_559, %get3A_565 : vector<16xf32>
      %add3A_567 = arith.constant 4 : i32
      %add3A_568 = arith.addi %mul3A_22, %add3A_567 : i32
      %get3A_569 = arith.index_cast %add3A_568 : i32 to index
      %get3A_570 = arith.constant 144 : index
      %get3A_571 = tpu.vector_load %arg10[%get3A_569, %get3A_570] {strides = array<i32>} : memref<128x256xf32, #tpu.memory_space<vmem>>, vector<1x16xf32>,
      %get3A_572 = vector.shape_cast %get3A_571 : vector<1x16xf32> to vector<16xf32>
      %max3A_573 = arith.maximumf %max3A_566, %get3A_572 : vector<16xf32>
      %add3A_574 = arith.constant 5 : i32
      %add3A_575 = arith.addi %mul3A_22, %add3A_574 : i32
      %get3A_576 = arith.index_cast %add3A_575 : i32 to index
      %get3A_577 = arith.constant 144 : index
      %get3A_578 = tpu.vector_load %arg10[%get3A_576, %get3A_577] {strides = array<i32>} : memref<128x256xf32, #tpu.memory_space<vmem>>, vector<1x16xf32>,
      %get3A_579 = vector.shape_cast %get3A_578 : vector<1x16xf32> to vector<16xf32>
      %max3A_580 = arith.maximumf %max3A_573, %get3A_579 : vector<16xf32>
      %add3A_581 = arith.constant 6 : i32
      %add3A_582 = arith.addi %mul3A_22, %add3A_581 : i32
      %get3A_583 = arith.index_cast %add3A_582 : i32 to index
      %get3A_584 = arith.constant 144 : index
      %get3A_585 = tpu.vector_load %arg10[%get3A_583, %get3A_584] {strides = array<i32>} : memref<128x256xf32, #tpu.memory_space<vmem>>, vector<1x16xf32>,
      %get3A_586 = vector.shape_cast %get3A_585 : vector<1x16xf32> to vector<16xf32>
      %max3A_587 = arith.maximumf %max3A_580, %get3A_586 : vector<16xf32>
      %add3A_588 = arith.constant 7 : i32
      %add3A_589 = arith.addi %mul3A_22, %add3A_588 : i32
      %get3A_590 = arith.index_cast %add3A_589 : i32 to index
      %get3A_591 = arith.constant 144 : index
      %get3A_592 = tpu.vector_load %arg10[%get3A_590, %get3A_591] {strides = array<i32>} : memref<128x256xf32, #tpu.memory_space<vmem>>, vector<1x16xf32>,
      %get3A_593 = vector.shape_cast %get3A_592 : vector<1x16xf32> to vector<16xf32>
      %max3A_594 = arith.maximumf %max3A_587, %get3A_593 : vector<16xf32>
      %swap3A_595 = arith.index_cast %scan3A_20 : i32 to index
      %swap3A_596 = arith.constant 144 : index
      %swap3A_597 = tpu.vector_load %arg11[%swap3A_595, %swap3A_596] {strides = array<i32>} : memref<16x256xf32, #tpu.memory_space<vmem>>, vector<1x16xf32>,
      %swap3A_598 = vector.shape_cast %swap3A_597 : vector<1x16xf32> to vector<16xf32>
      %swap3A_599 = vector.shape_cast %max3A_594 : vector<16xf32> to vector<1x16xf32>
      tpu.vector_store %arg11[%swap3A_595, %swap3A_596], %swap3A_599 {strides = array<i32>} : memref<16x256xf32, #tpu.memory_space<vmem>>, vector<1x16xf32>,
      %get3A_600 = arith.index_cast %mul3A_22 : i32 to index
      %get3A_601 = arith.constant 160 : index
      %get3A_602 = tpu.vector_load %arg10[%get3A_600, %get3A_601] {strides = array<i32>} : memref<128x256xf32, #tpu.memory_space<vmem>>, vector<1x16xf32>,
      %get3A_603 = vector.shape_cast %get3A_602 : vector<1x16xf32> to vector<16xf32>
      %add3A_604 = arith.constant 1 : i32
      %add3A_605 = arith.addi %mul3A_22, %add3A_604 : i32
      %get3A_606 = arith.index_cast %add3A_605 : i32 to index
      %get3A_607 = arith.constant 160 : index
      %get3A_608 = tpu.vector_load %arg10[%get3A_606, %get3A_607] {strides = array<i32>} : memref<128x256xf32, #tpu.memory_space<vmem>>, vector<1x16xf32>,
      %get3A_609 = vector.shape_cast %get3A_608 : vector<1x16xf32> to vector<16xf32>
      %max3A_610 = arith.maximumf %get3A_603, %get3A_609 : vector<16xf32>
      %add3A_611 = arith.constant 2 : i32
      %add3A_612 = arith.addi %mul3A_22, %add3A_611 : i32
      %get3A_613 = arith.index_cast %add3A_612 : i32 to index
      %get3A_614 = arith.constant 160 : index
      %get3A_615 = tpu.vector_load %arg10[%get3A_613, %get3A_614] {strides = array<i32>} : memref<128x256xf32, #tpu.memory_space<vmem>>, vector<1x16xf32>,
      %get3A_616 = vector.shape_cast %get3A_615 : vector<1x16xf32> to vector<16xf32>
      %max3A_617 = arith.maximumf %max3A_610, %get3A_616 : vector<16xf32>
      %add3A_618 = arith.constant 3 : i32
      %add3A_619 = arith.addi %mul3A_22, %add3A_618 : i32
      %get3A_620 = arith.index_cast %add3A_619 : i32 to index
      %get3A_621 = arith.constant 160 : index
      %get3A_622 = tpu.vector_load %arg10[%get3A_620, %get3A_621] {strides = array<i32>} : memref<128x256xf32, #tpu.memory_space<vmem>>, vector<1x16xf32>,
      %get3A_623 = vector.shape_cast %get3A_622 : vector<1x16xf32> to vector<16xf32>
      %max3A_624 = arith.maximumf %max3A_617, %get3A_623 : vector<16xf32>
      %add3A_625 = arith.constant 4 : i32
      %add3A_626 = arith.addi %mul3A_22, %add3A_625 : i32
      %get3A_627 = arith.index_cast %add3A_626 : i32 to index
      %get3A_628 = arith.constant 160 : index
      %get3A_629 = tpu.vector_load %arg10[%get3A_627, %get3A_628] {strides = array<i32>} : memref<128x256xf32, #tpu.memory_space<vmem>>, vector<1x16xf32>,
      %get3A_630 = vector.shape_cast %get3A_629 : vector<1x16xf32> to vector<16xf32>
      %max3A_631 = arith.maximumf %max3A_624, %get3A_630 : vector<16xf32>
      %add3A_632 = arith.constant 5 : i32
      %add3A_633 = arith.addi %mul3A_22, %add3A_632 : i32
      %get3A_634 = arith.index_cast %add3A_633 : i32 to index
      %get3A_635 = arith.constant 160 : index
      %get3A_636 = tpu.vector_load %arg10[%get3A_634, %get3A_635] {strides = array<i32>} : memref<128x256xf32, #tpu.memory_space<vmem>>, vector<1x16xf32>,
      %get3A_637 = vector.shape_cast %get3A_636 : vector<1x16xf32> to vector<16xf32>
      %max3A_638 = arith.maximumf %max3A_631, %get3A_637 : vector<16xf32>
      %add3A_639 = arith.constant 6 : i32
      %add3A_640 = arith.addi %mul3A_22, %add3A_639 : i32
      %get3A_641 = arith.index_cast %add3A_640 : i32 to index
      %get3A_642 = arith.constant 160 : index
      %get3A_643 = tpu.vector_load %arg10[%get3A_641, %get3A_642] {strides = array<i32>} : memref<128x256xf32, #tpu.memory_space<vmem>>, vector<1x16xf32>,
      %get3A_644 = vector.shape_cast %get3A_643 : vector<1x16xf32> to vector<16xf32>
      %max3A_645 = arith.maximumf %max3A_638, %get3A_644 : vector<16xf32>
      %add3A_646 = arith.constant 7 : i32
      %add3A_647 = arith.addi %mul3A_22, %add3A_646 : i32
      %get3A_648 = arith.index_cast %add3A_647 : i32 to index
      %get3A_649 = arith.constant 160 : index
      %get3A_650 = tpu.vector_load %arg10[%get3A_648, %get3A_649] {strides = array<i32>} : memref<128x256xf32, #tpu.memory_space<vmem>>, vector<1x16xf32>,
      %get3A_651 = vector.shape_cast %get3A_650 : vector<1x16xf32> to vector<16xf32>
      %max3A_652 = arith.maximumf %max3A_645, %get3A_651 : vector<16xf32>
      %swap3A_653 = arith.index_cast %scan3A_20 : i32 to index
      %swap3A_654 = arith.constant 160 : index
      %swap3A_655 = tpu.vector_load %arg11[%swap3A_653, %swap3A_654] {strides = array<i32>} : memref<16x256xf32, #tpu.memory_space<vmem>>, vector<1x16xf32>,
      %swap3A_656 = vector.shape_cast %swap3A_655 : vector<1x16xf32> to vector<16xf32>
      %swap3A_657 = vector.shape_cast %max3A_652 : vector<16xf32> to vector<1x16xf32>
      tpu.vector_store %arg11[%swap3A_653, %swap3A_654], %swap3A_657 {strides = array<i32>} : memref<16x256xf32, #tpu.memory_space<vmem>>, vector<1x16xf32>,
      %get3A_658 = arith.index_cast %mul3A_22 : i32 to index
      %get3A_659 = arith.constant 176 : index
      %get3A_660 = tpu.vector_load %arg10[%get3A_658, %get3A_659] {strides = array<i32>} : memref<128x256xf32, #tpu.memory_space<vmem>>, vector<1x16xf32>,
      %get3A_661 = vector.shape_cast %get3A_660 : vector<1x16xf32> to vector<16xf32>
      %add3A_662 = arith.constant 1 : i32
      %add3A_663 = arith.addi %mul3A_22, %add3A_662 : i32
      %get3A_664 = arith.index_cast %add3A_663 : i32 to index
      %get3A_665 = arith.constant 176 : index
      %get3A_666 = tpu.vector_load %arg10[%get3A_664, %get3A_665] {strides = array<i32>} : memref<128x256xf32, #tpu.memory_space<vmem>>, vector<1x16xf32>,
      %get3A_667 = vector.shape_cast %get3A_666 : vector<1x16xf32> to vector<16xf32>
      %max3A_668 = arith.maximumf %get3A_661, %get3A_667 : vector<16xf32>
      %add3A_669 = arith.constant 2 : i32
      %add3A_670 = arith.addi %mul3A_22, %add3A_669 : i32
      %get3A_671 = arith.index_cast %add3A_670 : i32 to index
      %get3A_672 = arith.constant 176 : index
      %get3A_673 = tpu.vector_load %arg10[%get3A_671, %get3A_672] {strides = array<i32>} : memref<128x256xf32, #tpu.memory_space<vmem>>, vector<1x16xf32>,
      %get3A_674 = vector.shape_cast %get3A_673 : vector<1x16xf32> to vector<16xf32>
      %max3A_675 = arith.maximumf %max3A_668, %get3A_674 : vector<16xf32>
      %add3A_676 = arith.constant 3 : i32
      %add3A_677 = arith.addi %mul3A_22, %add3A_676 : i32
      %get3A_678 = arith.index_cast %add3A_677 : i32 to index
      %get3A_679 = arith.constant 176 : index
      %get3A_680 = tpu.vector_load %arg10[%get3A_678, %get3A_679] {strides = array<i32>} : memref<128x256xf32, #tpu.memory_space<vmem>>, vector<1x16xf32>,
      %get3A_681 = vector.shape_cast %get3A_680 : vector<1x16xf32> to vector<16xf32>
      %max3A_682 = arith.maximumf %max3A_675, %get3A_681 : vector<16xf32>
      %add3A_683 = arith.constant 4 : i32
      %add3A_684 = arith.addi %mul3A_22, %add3A_683 : i32
      %get3A_685 = arith.index_cast %add3A_684 : i32 to index
      %get3A_686 = arith.constant 176 : index
      %get3A_687 = tpu.vector_load %arg10[%get3A_685, %get3A_686] {strides = array<i32>} : memref<128x256xf32, #tpu.memory_space<vmem>>, vector<1x16xf32>,
      %get3A_688 = vector.shape_cast %get3A_687 : vector<1x16xf32> to vector<16xf32>
      %max3A_689 = arith.maximumf %max3A_682, %get3A_688 : vector<16xf32>
      %add3A_690 = arith.constant 5 : i32
      %add3A_691 = arith.addi %mul3A_22, %add3A_690 : i32
      %get3A_692 = arith.index_cast %add3A_691 : i32 to index
      %get3A_693 = arith.constant 176 : index
      %get3A_694 = tpu.vector_load %arg10[%get3A_692, %get3A_693] {strides = array<i32>} : memref<128x256xf32, #tpu.memory_space<vmem>>, vector<1x16xf32>,
      %get3A_695 = vector.shape_cast %get3A_694 : vector<1x16xf32> to vector<16xf32>
      %max3A_696 = arith.maximumf %max3A_689, %get3A_695 : vector<16xf32>
      %add3A_697 = arith.constant 6 : i32
      %add3A_698 = arith.addi %mul3A_22, %add3A_697 : i32
      %get3A_699 = arith.index_cast %add3A_698 : i32 to index
      %get3A_700 = arith.constant 176 : index
      %get3A_701 = tpu.vector_load %arg10[%get3A_699, %get3A_700] {strides = array<i32>} : memref<128x256xf32, #tpu.memory_space<vmem>>, vector<1x16xf32>,
      %get3A_702 = vector.shape_cast %get3A_701 : vector<1x16xf32> to vector<16xf32>
      %max3A_703 = arith.maximumf %max3A_696, %get3A_702 : vector<16xf32>
      %add3A_704 = arith.constant 7 : i32
      %add3A_705 = arith.addi %mul3A_22, %add3A_704 : i32
      %get3A_706 = arith.index_cast %add3A_705 : i32 to index
      %get3A_707 = arith.constant 176 : index
      %get3A_708 = tpu.vector_load %arg10[%get3A_706, %get3A_707] {strides = array<i32>} : memref<128x256xf32, #tpu.memory_space<vmem>>, vector<1x16xf32>,
      %get3A_709 = vector.shape_cast %get3A_708 : vector<1x16xf32> to vector<16xf32>
      %max3A_710 = arith.maximumf %max3A_703, %get3A_709 : vector<16xf32>
      %swap3A_711 = arith.index_cast %scan3A_20 : i32 to index
      %swap3A_712 = arith.constant 176 : index
      %swap3A_713 = tpu.vector_load %arg11[%swap3A_711, %swap3A_712] {strides = array<i32>} : memref<16x256xf32, #tpu.memory_space<vmem>>, vector<1x16xf32>,
      %swap3A_714 = vector.shape_cast %swap3A_713 : vector<1x16xf32> to vector<16xf32>
      %swap3A_715 = vector.shape_cast %max3A_710 : vector<16xf32> to vector<1x16xf32>
      tpu.vector_store %arg11[%swap3A_711, %swap3A_712], %swap3A_715 {strides = array<i32>} : memref<16x256xf32, #tpu.memory_space<vmem>>, vector<1x16xf32>,
      %get3A_716 = arith.index_cast %mul3A_22 : i32 to index
      %get3A_717 = arith.constant 192 : index
      %get3A_718 = tpu.vector_load %arg10[%get3A_716, %get3A_717] {strides = array<i32>} : memref<128x256xf32, #tpu.memory_space<vmem>>, vector<1x16xf32>,
      %get3A_719 = vector.shape_cast %get3A_718 : vector<1x16xf32> to vector<16xf32>
      %add3A_720 = arith.constant 1 : i32
      %add3A_721 = arith.addi %mul3A_22, %add3A_720 : i32
      %get3A_722 = arith.index_cast %add3A_721 : i32 to index
      %get3A_723 = arith.constant 192 : index
      %get3A_724 = tpu.vector_load %arg10[%get3A_722, %get3A_723] {strides = array<i32>} : memref<128x256xf32, #tpu.memory_space<vmem>>, vector<1x16xf32>,
      %get3A_725 = vector.shape_cast %get3A_724 : vector<1x16xf32> to vector<16xf32>
      %max3A_726 = arith.maximumf %get3A_719, %get3A_725 : vector<16xf32>
      %add3A_727 = arith.constant 2 : i32
      %add3A_728 = arith.addi %mul3A_22, %add3A_727 : i32
      %get3A_729 = arith.index_cast %add3A_728 : i32 to index
      %get3A_730 = arith.constant 192 : index
      %get3A_731 = tpu.vector_load %arg10[%get3A_729, %get3A_730] {strides = array<i32>} : memref<128x256xf32, #tpu.memory_space<vmem>>, vector<1x16xf32>,
      %get3A_732 = vector.shape_cast %get3A_731 : vector<1x16xf32> to vector<16xf32>
      %max3A_733 = arith.maximumf %max3A_726, %get3A_732 : vector<16xf32>
      %add3A_734 = arith.constant 3 : i32
      %add3A_735 = arith.addi %mul3A_22, %add3A_734 : i32
      %get3A_736 = arith.index_cast %add3A_735 : i32 to index
      %get3A_737 = arith.constant 192 : index
      %get3A_738 = tpu.vector_load %arg10[%get3A_736, %get3A_737] {strides = array<i32>} : memref<128x256xf32, #tpu.memory_space<vmem>>, vector<1x16xf32>,
      %get3A_739 = vector.shape_cast %get3A_738 : vector<1x16xf32> to vector<16xf32>
      %max3A_740 = arith.maximumf %max3A_733, %get3A_739 : vector<16xf32>
      %add3A_741 = arith.constant 4 : i32
      %add3A_742 = arith.addi %mul3A_22, %add3A_741 : i32
      %get3A_743 = arith.index_cast %add3A_742 : i32 to index
      %get3A_744 = arith.constant 192 : index
      %get3A_745 = tpu.vector_load %arg10[%get3A_743, %get3A_744] {strides = array<i32>} : memref<128x256xf32, #tpu.memory_space<vmem>>, vector<1x16xf32>,
      %get3A_746 = vector.shape_cast %get3A_745 : vector<1x16xf32> to vector<16xf32>
      %max3A_747 = arith.maximumf %max3A_740, %get3A_746 : vector<16xf32>
      %add3A_748 = arith.constant 5 : i32
      %add3A_749 = arith.addi %mul3A_22, %add3A_748 : i32
      %get3A_750 = arith.index_cast %add3A_749 : i32 to index
      %get3A_751 = arith.constant 192 : index
      %get3A_752 = tpu.vector_load %arg10[%get3A_750, %get3A_751] {strides = array<i32>} : memref<128x256xf32, #tpu.memory_space<vmem>>, vector<1x16xf32>,
      %get3A_753 = vector.shape_cast %get3A_752 : vector<1x16xf32> to vector<16xf32>
      %max3A_754 = arith.maximumf %max3A_747, %get3A_753 : vector<16xf32>
      %add3A_755 = arith.constant 6 : i32
      %add3A_756 = arith.addi %mul3A_22, %add3A_755 : i32
      %get3A_757 = arith.index_cast %add3A_756 : i32 to index
      %get3A_758 = arith.constant 192 : index
      %get3A_759 = tpu.vector_load %arg10[%get3A_757, %get3A_758] {strides = array<i32>} : memref<128x256xf32, #tpu.memory_space<vmem>>, vector<1x16xf32>,
      %get3A_760 = vector.shape_cast %get3A_759 : vector<1x16xf32> to vector<16xf32>
      %max3A_761 = arith.maximumf %max3A_754, %get3A_760 : vector<16xf32>
      %add3A_762 = arith.constant 7 : i32
      %add3A_763 = arith.addi %mul3A_22, %add3A_762 : i32
      %get3A_764 = arith.index_cast %add3A_763 : i32 to index
      %get3A_765 = arith.constant 192 : index
      %get3A_766 = tpu.vector_load %arg10[%get3A_764, %get3A_765] {strides = array<i32>} : memref<128x256xf32, #tpu.memory_space<vmem>>, vector<1x16xf32>,
      %get3A_767 = vector.shape_cast %get3A_766 : vector<1x16xf32> to vector<16xf32>
      %max3A_768 = arith.maximumf %max3A_761, %get3A_767 : vector<16xf32>
      %swap3A_769 = arith.index_cast %scan3A_20 : i32 to index
      %swap3A_770 = arith.constant 192 : index
      %swap3A_771 = tpu.vector_load %arg11[%swap3A_769, %swap3A_770] {strides = array<i32>} : memref<16x256xf32, #tpu.memory_space<vmem>>, vector<1x16xf32>,
      %swap3A_772 = vector.shape_cast %swap3A_771 : vector<1x16xf32> to vector<16xf32>
      %swap3A_773 = vector.shape_cast %max3A_768 : vector<16xf32> to vector<1x16xf32>
      tpu.vector_store %arg11[%swap3A_769, %swap3A_770], %swap3A_773 {strides = array<i32>} : memref<16x256xf32, #tpu.memory_space<vmem>>, vector<1x16xf32>,
      %get3A_774 = arith.index_cast %mul3A_22 : i32 to index
      %get3A_775 = arith.constant 208 : index
      %get3A_776 = tpu.vector_load %arg10[%get3A_774, %get3A_775] {strides = array<i32>} : memref<128x256xf32, #tpu.memory_space<vmem>>, vector<1x16xf32>,
      %get3A_777 = vector.shape_cast %get3A_776 : vector<1x16xf32> to vector<16xf32>
      %add3A_778 = arith.constant 1 : i32
      %add3A_779 = arith.addi %mul3A_22, %add3A_778 : i32
      %get3A_780 = arith.index_cast %add3A_779 : i32 to index
      %get3A_781 = arith.constant 208 : index
      %get3A_782 = tpu.vector_load %arg10[%get3A_780, %get3A_781] {strides = array<i32>} : memref<128x256xf32, #tpu.memory_space<vmem>>, vector<1x16xf32>,
      %get3A_783 = vector.shape_cast %get3A_782 : vector<1x16xf32> to vector<16xf32>
      %max3A_784 = arith.maximumf %get3A_777, %get3A_783 : vector<16xf32>
      %add3A_785 = arith.constant 2 : i32
      %add3A_786 = arith.addi %mul3A_22, %add3A_785 : i32
      %get3A_787 = arith.index_cast %add3A_786 : i32 to index
      %get3A_788 = arith.constant 208 : index
      %get3A_789 = tpu.vector_load %arg10[%get3A_787, %get3A_788] {strides = array<i32>} : memref<128x256xf32, #tpu.memory_space<vmem>>, vector<1x16xf32>,
      %get3A_790 = vector.shape_cast %get3A_789 : vector<1x16xf32> to vector<16xf32>
      %max3A_791 = arith.maximumf %max3A_784, %get3A_790 : vector<16xf32>
      %add3A_792 = arith.constant 3 : i32
      %add3A_793 = arith.addi %mul3A_22, %add3A_792 : i32
      %get3A_794 = arith.index_cast %add3A_793 : i32 to index
      %get3A_795 = arith.constant 208 : index
      %get3A_796 = tpu.vector_load %arg10[%get3A_794, %get3A_795] {strides = array<i32>} : memref<128x256xf32, #tpu.memory_space<vmem>>, vector<1x16xf32>,
      %get3A_797 = vector.shape_cast %get3A_796 : vector<1x16xf32> to vector<16xf32>
      %max3A_798 = arith.maximumf %max3A_791, %get3A_797 : vector<16xf32>
      %add3A_799 = arith.constant 4 : i32
      %add3A_800 = arith.addi %mul3A_22, %add3A_799 : i32
      %get3A_801 = arith.index_cast %add3A_800 : i32 to index
      %get3A_802 = arith.constant 208 : index
      %get3A_803 = tpu.vector_load %arg10[%get3A_801, %get3A_802] {strides = array<i32>} : memref<128x256xf32, #tpu.memory_space<vmem>>, vector<1x16xf32>,
      %get3A_804 = vector.shape_cast %get3A_803 : vector<1x16xf32> to vector<16xf32>
      %max3A_805 = arith.maximumf %max3A_798, %get3A_804 : vector<16xf32>
      %add3A_806 = arith.constant 5 : i32
      %add3A_807 = arith.addi %mul3A_22, %add3A_806 : i32
      %get3A_808 = arith.index_cast %add3A_807 : i32 to index
      %get3A_809 = arith.constant 208 : index
      %get3A_810 = tpu.vector_load %arg10[%get3A_808, %get3A_809] {strides = array<i32>} : memref<128x256xf32, #tpu.memory_space<vmem>>, vector<1x16xf32>,
      %get3A_811 = vector.shape_cast %get3A_810 : vector<1x16xf32> to vector<16xf32>
      %max3A_812 = arith.maximumf %max3A_805, %get3A_811 : vector<16xf32>
      %add3A_813 = arith.constant 6 : i32
      %add3A_814 = arith.addi %mul3A_22, %add3A_813 : i32
      %get3A_815 = arith.index_cast %add3A_814 : i32 to index
      %get3A_816 = arith.constant 208 : index
      %get3A_817 = tpu.vector_load %arg10[%get3A_815, %get3A_816] {strides = array<i32>} : memref<128x256xf32, #tpu.memory_space<vmem>>, vector<1x16xf32>,
      %get3A_818 = vector.shape_cast %get3A_817 : vector<1x16xf32> to vector<16xf32>
      %max3A_819 = arith.maximumf %max3A_812, %get3A_818 : vector<16xf32>
      %add3A_820 = arith.constant 7 : i32
      %add3A_821 = arith.addi %mul3A_22, %add3A_820 : i32
      %get3A_822 = arith.index_cast %add3A_821 : i32 to index
      %get3A_823 = arith.constant 208 : index
      %get3A_824 = tpu.vector_load %arg10[%get3A_822, %get3A_823] {strides = array<i32>} : memref<128x256xf32, #tpu.memory_space<vmem>>, vector<1x16xf32>,
      %get3A_825 = vector.shape_cast %get3A_824 : vector<1x16xf32> to vector<16xf32>
      %max3A_826 = arith.maximumf %max3A_819, %get3A_825 : vector<16xf32>
      %swap3A_827 = arith.index_cast %scan3A_20 : i32 to index
      %swap3A_828 = arith.constant 208 : index
      %swap3A_829 = tpu.vector_load %arg11[%swap3A_827, %swap3A_828] {strides = array<i32>} : memref<16x256xf32, #tpu.memory_space<vmem>>, vector<1x16xf32>,
      %swap3A_830 = vector.shape_cast %swap3A_829 : vector<1x16xf32> to vector<16xf32>
      %swap3A_831 = vector.shape_cast %max3A_826 : vector<16xf32> to vector<1x16xf32>
      tpu.vector_store %arg11[%swap3A_827, %swap3A_828], %swap3A_831 {strides = array<i32>} : memref<16x256xf32, #tpu.memory_space<vmem>>, vector<1x16xf32>,
      %get3A_832 = arith.index_cast %mul3A_22 : i32 to index
      %get3A_833 = arith.constant 224 : index
      %get3A_834 = tpu.vector_load %arg10[%get3A_832, %get3A_833] {strides = array<i32>} : memref<128x256xf32, #tpu.memory_space<vmem>>, vector<1x16xf32>,
      %get3A_835 = vector.shape_cast %get3A_834 : vector<1x16xf32> to vector<16xf32>
      %add3A_836 = arith.constant 1 : i32
      %add3A_837 = arith.addi %mul3A_22, %add3A_836 : i32
      %get3A_838 = arith.index_cast %add3A_837 : i32 to index
      %get3A_839 = arith.constant 224 : index
      %get3A_840 = tpu.vector_load %arg10[%get3A_838, %get3A_839] {strides = array<i32>} : memref<128x256xf32, #tpu.memory_space<vmem>>, vector<1x16xf32>,
      %get3A_841 = vector.shape_cast %get3A_840 : vector<1x16xf32> to vector<16xf32>
      %max3A_842 = arith.maximumf %get3A_835, %get3A_841 : vector<16xf32>
      %add3A_843 = arith.constant 2 : i32
      %add3A_844 = arith.addi %mul3A_22, %add3A_843 : i32
      %get3A_845 = arith.index_cast %add3A_844 : i32 to index
      %get3A_846 = arith.constant 224 : index
      %get3A_847 = tpu.vector_load %arg10[%get3A_845, %get3A_846] {strides = array<i32>} : memref<128x256xf32, #tpu.memory_space<vmem>>, vector<1x16xf32>,
      %get3A_848 = vector.shape_cast %get3A_847 : vector<1x16xf32> to vector<16xf32>
      %max3A_849 = arith.maximumf %max3A_842, %get3A_848 : vector<16xf32>
      %add3A_850 = arith.constant 3 : i32
      %add3A_851 = arith.addi %mul3A_22, %add3A_850 : i32
      %get3A_852 = arith.index_cast %add3A_851 : i32 to index
      %get3A_853 = arith.constant 224 : index
      %get3A_854 = tpu.vector_load %arg10[%get3A_852, %get3A_853] {strides = array<i32>} : memref<128x256xf32, #tpu.memory_space<vmem>>, vector<1x16xf32>,
      %get3A_855 = vector.shape_cast %get3A_854 : vector<1x16xf32> to vector<16xf32>
      %max3A_856 = arith.maximumf %max3A_849, %get3A_855 : vector<16xf32>
      %add3A_857 = arith.constant 4 : i32
      %add3A_858 = arith.addi %mul3A_22, %add3A_857 : i32
      %get3A_859 = arith.index_cast %add3A_858 : i32 to index
      %get3A_860 = arith.constant 224 : index
      %get3A_861 = tpu.vector_load %arg10[%get3A_859, %get3A_860] {strides = array<i32>} : memref<128x256xf32, #tpu.memory_space<vmem>>, vector<1x16xf32>,
      %get3A_862 = vector.shape_cast %get3A_861 : vector<1x16xf32> to vector<16xf32>
      %max3A_863 = arith.maximumf %max3A_856, %get3A_862 : vector<16xf32>
      %add3A_864 = arith.constant 5 : i32
      %add3A_865 = arith.addi %mul3A_22, %add3A_864 : i32
      %get3A_866 = arith.index_cast %add3A_865 : i32 to index
      %get3A_867 = arith.constant 224 : index
      %get3A_868 = tpu.vector_load %arg10[%get3A_866, %get3A_867] {strides = array<i32>} : memref<128x256xf32, #tpu.memory_space<vmem>>, vector<1x16xf32>,
      %get3A_869 = vector.shape_cast %get3A_868 : vector<1x16xf32> to vector<16xf32>
      %max3A_870 = arith.maximumf %max3A_863, %get3A_869 : vector<16xf32>
      %add3A_871 = arith.constant 6 : i32
      %add3A_872 = arith.addi %mul3A_22, %add3A_871 : i32
      %get3A_873 = arith.index_cast %add3A_872 : i32 to index
      %get3A_874 = arith.constant 224 : index
      %get3A_875 = tpu.vector_load %arg10[%get3A_873, %get3A_874] {strides = array<i32>} : memref<128x256xf32, #tpu.memory_space<vmem>>, vector<1x16xf32>,
      %get3A_876 = vector.shape_cast %get3A_875 : vector<1x16xf32> to vector<16xf32>
      %max3A_877 = arith.maximumf %max3A_870, %get3A_876 : vector<16xf32>
      %add3A_878 = arith.constant 7 : i32
      %add3A_879 = arith.addi %mul3A_22, %add3A_878 : i32
      %get3A_880 = arith.index_cast %add3A_879 : i32 to index
      %get3A_881 = arith.constant 224 : index
      %get3A_882 = tpu.vector_load %arg10[%get3A_880, %get3A_881] {strides = array<i32>} : memref<128x256xf32, #tpu.memory_space<vmem>>, vector<1x16xf32>,
      %get3A_883 = vector.shape_cast %get3A_882 : vector<1x16xf32> to vector<16xf32>
      %max3A_884 = arith.maximumf %max3A_877, %get3A_883 : vector<16xf32>
      %swap3A_885 = arith.index_cast %scan3A_20 : i32 to index
      %swap3A_886 = arith.constant 224 : index
      %swap3A_887 = tpu.vector_load %arg11[%swap3A_885, %swap3A_886] {strides = array<i32>} : memref<16x256xf32, #tpu.memory_space<vmem>>, vector<1x16xf32>,
      %swap3A_888 = vector.shape_cast %swap3A_887 : vector<1x16xf32> to vector<16xf32>
      %swap3A_889 = vector.shape_cast %max3A_884 : vector<16xf32> to vector<1x16xf32>
      tpu.vector_store %arg11[%swap3A_885, %swap3A_886], %swap3A_889 {strides = array<i32>} : memref<16x256xf32, #tpu.memory_space<vmem>>, vector<1x16xf32>,
      %get3A_890 = arith.index_cast %mul3A_22 : i32 to index
      %get3A_891 = arith.constant 240 : index
      %get3A_892 = tpu.vector_load %arg10[%get3A_890, %get3A_891] {strides = array<i32>} : memref<128x256xf32, #tpu.memory_space<vmem>>, vector<1x16xf32>,
      %get3A_893 = vector.shape_cast %get3A_892 : vector<1x16xf32> to vector<16xf32>
      %add3A_894 = arith.constant 1 : i32
      %add3A_895 = arith.addi %mul3A_22, %add3A_894 : i32
      %get3A_896 = arith.index_cast %add3A_895 : i32 to index
      %get3A_897 = arith.constant 240 : index
      %get3A_898 = tpu.vector_load %arg10[%get3A_896, %get3A_897] {strides = array<i32>} : memref<128x256xf32, #tpu.memory_space<vmem>>, vector<1x16xf32>,
      %get3A_899 = vector.shape_cast %get3A_898 : vector<1x16xf32> to vector<16xf32>
      %max3A_900 = arith.maximumf %get3A_893, %get3A_899 : vector<16xf32>
      %add3A_901 = arith.constant 2 : i32
      %add3A_902 = arith.addi %mul3A_22, %add3A_901 : i32
      %get3A_903 = arith.index_cast %add3A_902 : i32 to index
      %get3A_904 = arith.constant 240 : index
      %get3A_905 = tpu.vector_load %arg10[%get3A_903, %get3A_904] {strides = array<i32>} : memref<128x256xf32, #tpu.memory_space<vmem>>, vector<1x16xf32>,
      %get3A_906 = vector.shape_cast %get3A_905 : vector<1x16xf32> to vector<16xf32>
      %max3A_907 = arith.maximumf %max3A_900, %get3A_906 : vector<16xf32>
      %add3A_908 = arith.constant 3 : i32
      %add3A_909 = arith.addi %mul3A_22, %add3A_908 : i32
      %get3A_910 = arith.index_cast %add3A_909 : i32 to index
      %get3A_911 = arith.constant 240 : index
      %get3A_912 = tpu.vector_load %arg10[%get3A_910, %get3A_911] {strides = array<i32>} : memref<128x256xf32, #tpu.memory_space<vmem>>, vector<1x16xf32>,
      %get3A_913 = vector.shape_cast %get3A_912 : vector<1x16xf32> to vector<16xf32>
      %max3A_914 = arith.maximumf %max3A_907, %get3A_913 : vector<16xf32>
      %add3A_915 = arith.constant 4 : i32
      %add3A_916 = arith.addi %mul3A_22, %add3A_915 : i32
      %get3A_917 = arith.index_cast %add3A_916 : i32 to index
      %get3A_918 = arith.constant 240 : index
      %get3A_919 = tpu.vector_load %arg10[%get3A_917, %get3A_918] {strides = array<i32>} : memref<128x256xf32, #tpu.memory_space<vmem>>, vector<1x16xf32>,
      %get3A_920 = vector.shape_cast %get3A_919 : vector<1x16xf32> to vector<16xf32>
      %max3A_921 = arith.maximumf %max3A_914, %get3A_920 : vector<16xf32>
      %add3A_922 = arith.constant 5 : i32
      %add3A_923 = arith.addi %mul3A_22, %add3A_922 : i32
      %get3A_924 = arith.index_cast %add3A_923 : i32 to index
      %get3A_925 = arith.constant 240 : index
      %get3A_926 = tpu.vector_load %arg10[%get3A_924, %get3A_925] {strides = array<i32>} : memref<128x256xf32, #tpu.memory_space<vmem>>, vector<1x16xf32>,
      %get3A_927 = vector.shape_cast %get3A_926 : vector<1x16xf32> to vector<16xf32>
      %max3A_928 = arith.maximumf %max3A_921, %get3A_927 : vector<16xf32>
      %add3A_929 = arith.constant 6 : i32
      %add3A_930 = arith.addi %mul3A_22, %add3A_929 : i32
      %get3A_931 = arith.index_cast %add3A_930 : i32 to index
      %get3A_932 = arith.constant 240 : index
      %get3A_933 = tpu.vector_load %arg10[%get3A_931, %get3A_932] {strides = array<i32>} : memref<128x256xf32, #tpu.memory_space<vmem>>, vector<1x16xf32>,
      %get3A_934 = vector.shape_cast %get3A_933 : vector<1x16xf32> to vector<16xf32>
      %max3A_935 = arith.maximumf %max3A_928, %get3A_934 : vector<16xf32>
      %add3A_936 = arith.constant 7 : i32
      %add3A_937 = arith.addi %mul3A_22, %add3A_936 : i32
      %get3A_938 = arith.index_cast %add3A_937 : i32 to index
      %get3A_939 = arith.constant 240 : index
      %get3A_940 = tpu.vector_load %arg10[%get3A_938, %get3A_939] {strides = array<i32>} : memref<128x256xf32, #tpu.memory_space<vmem>>, vector<1x16xf32>,
      %get3A_941 = vector.shape_cast %get3A_940 : vector<1x16xf32> to vector<16xf32>
      %max3A_942 = arith.maximumf %max3A_935, %get3A_941 : vector<16xf32>
      %swap3A_943 = arith.index_cast %scan3A_20 : i32 to index
      %swap3A_944 = arith.constant 240 : index
      %swap3A_945 = tpu.vector_load %arg11[%swap3A_943, %swap3A_944] {strides = array<i32>} : memref<16x256xf32, #tpu.memory_space<vmem>>, vector<1x16xf32>,
      %swap3A_946 = vector.shape_cast %swap3A_945 : vector<1x16xf32> to vector<16xf32>
      %swap3A_947 = vector.shape_cast %max3A_942 : vector<16xf32> to vector<1x16xf32>
      tpu.vector_store %arg11[%swap3A_943, %swap3A_944], %swap3A_947 {strides = array<i32>} : memref<16x256xf32, #tpu.memory_space<vmem>>, vector<1x16xf32>,
    }
    %scan3A_16 = arith.constant 16 : i32
    %dma_wait3A_17 = arith.constant 0 : i32
    %dma_wait3A_18 = arith.constant 0 : i32
    %dma_wait3A_19 = tpu.memref_slice %arg2[%dma_wait3A_17, %dma_wait3A_18] : memref<131072x256xf32, #tpu.memory_space<hbm>> -> memref<131072x256xf32, #tpu.memory_space<hbm>>
    tpu.wait_indirect_dma semaphore(%arg13 : memref<!tpu.dma_semaphore, #tpu.memory_space<semaphore_mem>>) src(%dma_wait3A_19 : memref<131072x256xf32, #tpu.memory_space<hbm>>) dst(%arg9 : memref<16x256xf32, #tpu.memory_space<vmem>>)
    "tpu.region"() ({
      %run_scoped3A = tpu.sem_alloc : memref<!tpu.dma_semaphore, #tpu.memory_space<semaphore_mem>>
      %dma_start3A_20 = arith.constant 0 : i32
      %dma_start3A_21 = tpu.memref_slice %arg6[%mul3A_2, %dma_start3A_20] : memref<512x256xf32, #tpu.memory_space<hbm>> -> memref<16x256xf32, #tpu.memory_space<hbm>>
      %dma_start3A_22 = arith.constant 0 : i32
      %dma_start3A_23 = tpu.memref_slice %arg6[%mul3A_2, %dma_start3A_22] : memref<512x256xf32, #tpu.memory_space<hbm>> -> memref<16x256xf32, #tpu.memory_space<hbm>>
      tpu.enqueue_dma source(%arg11 : memref<16x256xf32, #tpu.memory_space<vmem>>) target(%dma_start3A_23 : memref<16x256xf32, #tpu.memory_space<hbm>>) target_semaphore(%run_scoped3A : memref<!tpu.dma_semaphore, #tpu.memory_space<semaphore_mem>>)
      %dma_wait3A_24 = arith.constant 0 : i32
      %dma_wait3A_25 = tpu.memref_slice %arg6[%mul3A_2, %dma_wait3A_24] : memref<512x256xf32, #tpu.memory_space<hbm>> -> memref<16x256xf32, #tpu.memory_space<hbm>>
      %dma_wait3A_26 = arith.constant 0 : i32
      %dma_wait3A_27 = tpu.memref_slice %arg6[%mul3A_2, %dma_wait3A_26] : memref<512x256xf32, #tpu.memory_space<hbm>> -> memref<16x256xf32, #tpu.memory_space<hbm>>
      tpu.wait_dma2 semaphore(%run_scoped3A : memref<!tpu.dma_semaphore, #tpu.memory_space<semaphore_mem>>) src(%arg11 : memref<16x256xf32, #tpu.memory_space<vmem>>) dst(%dma_wait3A_27 : memref<16x256xf32, #tpu.memory_space<hbm>>)
      tpu.yield
    }) : () -> ()
    "tpu.region"() ({
      %run_scoped3A = tpu.sem_alloc : memref<!tpu.dma_semaphore, #tpu.memory_space<semaphore_mem>>
      %dma_start3A_20 = arith.constant 0 : i32
      %dma_start3A_21 = tpu.memref_slice %arg5[%mul3A_2, %dma_start3A_20] : memref<512x256xf32, #tpu.memory_space<hbm>> -> memref<16x256xf32, #tpu.memory_space<hbm>>
      %dma_start3A_22 = arith.constant 0 : i32
      %dma_start3A_23 = tpu.memref_slice %arg5[%mul3A_2, %dma_start3A_22] : memref<512x256xf32, #tpu.memory_space<hbm>> -> memref<16x256xf32, #tpu.memory_space<hbm>>
      tpu.enqueue_dma source(%arg9 : memref<16x256xf32, #tpu.memory_space<vmem>>) target(%dma_start3A_23 : memref<16x256xf32, #tpu.memory_space<hbm>>) target_semaphore(%run_scoped3A : memref<!tpu.dma_semaphore, #tpu.memory_space<semaphore_mem>>)
      %dma_wait3A_24 = arith.constant 0 : i32
      %dma_wait3A_25 = tpu.memref_slice %arg5[%mul3A_2, %dma_wait3A_24] : memref<512x256xf32, #tpu.memory_space<hbm>> -> memref<16x256xf32, #tpu.memory_space<hbm>>
      %dma_wait3A_26 = arith.constant 0 : i32
      %dma_wait3A_27 = tpu.memref_slice %arg5[%mul3A_2, %dma_wait3A_26] : memref<512x256xf32, #tpu.memory_space<hbm>> -> memref<16x256xf32, #tpu.memory_space<hbm>>
      tpu.wait_dma2 semaphore(%run_scoped3A : memref<!tpu.dma_semaphore, #tpu.memory_space<semaphore_mem>>) src(%arg9 : memref<16x256xf32, #tpu.memory_space<vmem>>) dst(%dma_wait3A_27 : memref<16x256xf32, #tpu.memory_space<hbm>>)
      tpu.yield
    }) : () -> ()
    return
  }
}

module attributes {stable_mosaic.version = 14 : i64} {
  func.func @_fps_body(%arg0: memref<8x3x16384xf32, #tpu.memory_space<vmem>>, %arg1: memref<8x64xi32, #tpu.memory_space<vmem>>, %arg2: memref<8x64xf32, #tpu.memory_space<vmem>>, %arg3: memref<8x64xf32, #tpu.memory_space<vmem>>, %arg4: memref<8x64xf32, #tpu.memory_space<vmem>>, %arg5: memref<8x16384xf32, #tpu.memory_space<vmem>>) attributes {dimension_semantics = [], scalar_prefetch = 0 : i64, scratch_operands = 1 : i64, tpu.core_type = #tpu.core_type<tc>} {
    %iota3A = tpu.iota {dimensions = array<i32: 1>} : vector<8x64xi32>
    %iota3A_0 = tpu.iota {dimensions = array<i32: 0>} : vector<8x1xi32>
    %mul3A = arith.constant 16384 : i32
    %mul3A_1 = vector.broadcast %mul3A : i32 to vector<8x1xi32>
    %mul3A_2 = arith.muli %iota3A_0, %mul3A_1 : vector<8x1xi32>
    %broadcast_in_dim3A = arith.constant 1.000000e+10 : f32
    %broadcast_in_dim3A_3 = vector.broadcast %broadcast_in_dim3A : f32 to vector<8x16384xf32>
    %swap3A = arith.constant 0 : index
    %swap3A_4 = arith.constant 0 : index
    %swap3A_5 = vector.load %arg5[%swap3A, %swap3A_4] : memref<8x16384xf32, #tpu.memory_space<vmem>>, vector<8x16384xf32>
    tpu.vector_store %arg5[%swap3A, %swap3A_4], %broadcast_in_dim3A_3 {strides = array<i32>} : memref<8x16384xf32, #tpu.memory_space<vmem>>, vector<8x16384xf32>,
    %broadcast_in_dim3A_6 = arith.constant 0 : i32
    %broadcast_in_dim3A_7 = vector.broadcast %broadcast_in_dim3A_6 : i32 to vector<8x1xi32>
    %broadcast_in_dim3A_8 = arith.constant 0 : i32
    %broadcast_in_dim3A_9 = vector.broadcast %broadcast_in_dim3A_8 : i32 to vector<8x64xi32>
    %broadcast_in_dim3A_10 = arith.constant 0.000000e+00 : f32
    %broadcast_in_dim3A_11 = vector.broadcast %broadcast_in_dim3A_10 : f32 to vector<8x64xf32>
    %broadcast_in_dim3A_12 = arith.constant 0.000000e+00 : f32
    %broadcast_in_dim3A_13 = vector.broadcast %broadcast_in_dim3A_12 : f32 to vector<8x64xf32>
    %broadcast_in_dim3A_14 = arith.constant 0.000000e+00 : f32
    %broadcast_in_dim3A_15 = vector.broadcast %broadcast_in_dim3A_14 : f32 to vector<8x64xf32>
    %scan3A = arith.constant 0 : i32
    %scan3A_16 = arith.constant 64 : i32
    %scan3A_17 = arith.addi %scan3A, %scan3A_16 : i32
    %scan3A_18 = arith.constant 1 : i32
    %scan3A_19:5 = scf.for %scan3A_33 = %scan3A to %scan3A_17 step %scan3A_18 iter_args(%scan3A_34 = %broadcast_in_dim3A_7, %scan3A_35 = %broadcast_in_dim3A_9, %scan3A_36 = %broadcast_in_dim3A_11, %scan3A_37 = %broadcast_in_dim3A_13, %scan3A_38 = %broadcast_in_dim3A_15) -> (vector<8x1xi32>, vector<8x64xi32>, vector<8x64xf32>, vector<8x64xf32>, vector<8x64xf32>)  : i32 {
      %broadcast_in_dim3A_39 = arith.constant 0.000000e+00 : f32
      %broadcast_in_dim3A_40 = vector.broadcast %broadcast_in_dim3A_39 : f32 to vector<8x1xf32>
      %broadcast_in_dim3A_41 = arith.constant 0.000000e+00 : f32
      %broadcast_in_dim3A_42 = vector.broadcast %broadcast_in_dim3A_41 : f32 to vector<8x1xf32>
      %broadcast_in_dim3A_43 = arith.constant 0.000000e+00 : f32
      %broadcast_in_dim3A_44 = vector.broadcast %broadcast_in_dim3A_43 : f32 to vector<8x1xf32>
      %iota3A_45 = tpu.iota {dimensions = array<i32: 1>} : vector<8x2048xi32>
      %add3A = arith.constant 0 : i32
      %add3A_46 = vector.broadcast %add3A : i32 to vector<8x2048xi32>
      %add3A_47 = arith.addi %iota3A_45, %add3A_46 : vector<8x2048xi32>
      %eq3A = vector.broadcast %scan3A_34 : vector<8x1xi32> to vector<8x2048xi32>
      %eq3A_48 = arith.cmpi eq, %add3A_47, %eq3A : vector<8x2048xi32>
      %get3A = arith.constant 0 : index
      %get3A_49 = arith.constant 0 : index
      %get3A_50 = arith.constant 0 : index
      %get3A_51 = vector.load %arg0[%get3A, %get3A_49, %get3A_50] : memref<8x3x16384xf32, #tpu.memory_space<vmem>>, vector<8x1x2048xf32>
      %get3A_52 = vector.shape_cast %get3A_51 : vector<8x1x2048xf32> to vector<8x2048xf32>
      %get3A_53 = arith.constant 0 : index
      %get3A_54 = arith.constant 1 : index
      %get3A_55 = arith.constant 0 : index
      %get3A_56 = vector.load %arg0[%get3A_53, %get3A_54, %get3A_55] : memref<8x3x16384xf32, #tpu.memory_space<vmem>>, vector<8x1x2048xf32>
      %get3A_57 = vector.shape_cast %get3A_56 : vector<8x1x2048xf32> to vector<8x2048xf32>
      %get3A_58 = arith.constant 0 : index
      %get3A_59 = arith.constant 2 : index
      %get3A_60 = arith.constant 0 : index
      %get3A_61 = vector.load %arg0[%get3A_58, %get3A_59, %get3A_60] : memref<8x3x16384xf32, #tpu.memory_space<vmem>>, vector<8x1x2048xf32>
      %get3A_62 = vector.shape_cast %get3A_61 : vector<8x1x2048xf32> to vector<8x2048xf32>
      %jit3A = arith.constant 0.000000e+00 : f32
      %broadcast_in_dim3A_63 = vector.broadcast %jit3A : f32 to vector<8x2048xf32>
      %select_n3A = arith.select %eq3A_48, %get3A_52, %broadcast_in_dim3A_63 : vector<8x2048xi1>, vector<8x2048xf32>
      %reduce_sum3A = arith.constant dense<0.000000e+00> : vector<8xf32>
      %reduce_sum3A_64 = vector.multi_reduction <add>, %select_n3A, %reduce_sum3A [1] : vector<8x2048xf32> to vector<8xf32>
      %broadcast_in_dim3A_65 = vector.shape_cast %reduce_sum3A_64 : vector<8xf32> to vector<8x1xf32>
      %add3A_66 = arith.addf %broadcast_in_dim3A_40, %broadcast_in_dim3A_65 : vector<8x1xf32>
      %jit3A_67 = arith.constant 0.000000e+00 : f32
      %broadcast_in_dim3A_68 = vector.broadcast %jit3A_67 : f32 to vector<8x2048xf32>
      %select_n3A_69 = arith.select %eq3A_48, %get3A_57, %broadcast_in_dim3A_68 : vector<8x2048xi1>, vector<8x2048xf32>
      %reduce_sum3A_70 = arith.constant dense<0.000000e+00> : vector<8xf32>
      %reduce_sum3A_71 = vector.multi_reduction <add>, %select_n3A_69, %reduce_sum3A_70 [1] : vector<8x2048xf32> to vector<8xf32>
      %broadcast_in_dim3A_72 = vector.shape_cast %reduce_sum3A_71 : vector<8xf32> to vector<8x1xf32>
      %add3A_73 = arith.addf %broadcast_in_dim3A_42, %broadcast_in_dim3A_72 : vector<8x1xf32>
      %jit3A_74 = arith.constant 0.000000e+00 : f32
      %broadcast_in_dim3A_75 = vector.broadcast %jit3A_74 : f32 to vector<8x2048xf32>
      %select_n3A_76 = arith.select %eq3A_48, %get3A_62, %broadcast_in_dim3A_75 : vector<8x2048xi1>, vector<8x2048xf32>
      %reduce_sum3A_77 = arith.constant dense<0.000000e+00> : vector<8xf32>
      %reduce_sum3A_78 = vector.multi_reduction <add>, %select_n3A_76, %reduce_sum3A_77 [1] : vector<8x2048xf32> to vector<8xf32>
      %broadcast_in_dim3A_79 = vector.shape_cast %reduce_sum3A_78 : vector<8xf32> to vector<8x1xf32>
      %add3A_80 = arith.addf %broadcast_in_dim3A_44, %broadcast_in_dim3A_79 : vector<8x1xf32>
      %iota3A_81 = tpu.iota {dimensions = array<i32: 1>} : vector<8x2048xi32>
      %add3A_82 = arith.constant 2048 : i32
      %add3A_83 = vector.broadcast %add3A_82 : i32 to vector<8x2048xi32>
      %add3A_84 = arith.addi %iota3A_81, %add3A_83 : vector<8x2048xi32>
      %eq3A_85 = vector.broadcast %scan3A_34 : vector<8x1xi32> to vector<8x2048xi32>
      %eq3A_86 = arith.cmpi eq, %add3A_84, %eq3A_85 : vector<8x2048xi32>
      %get3A_87 = arith.constant 0 : index
      %get3A_88 = arith.constant 0 : index
      %get3A_89 = arith.constant 2048 : index
      %get3A_90 = vector.load %arg0[%get3A_87, %get3A_88, %get3A_89] : memref<8x3x16384xf32, #tpu.memory_space<vmem>>, vector<8x1x2048xf32>
      %get3A_91 = vector.shape_cast %get3A_90 : vector<8x1x2048xf32> to vector<8x2048xf32>
      %get3A_92 = arith.constant 0 : index
      %get3A_93 = arith.constant 1 : index
      %get3A_94 = arith.constant 2048 : index
      %get3A_95 = vector.load %arg0[%get3A_92, %get3A_93, %get3A_94] : memref<8x3x16384xf32, #tpu.memory_space<vmem>>, vector<8x1x2048xf32>
      %get3A_96 = vector.shape_cast %get3A_95 : vector<8x1x2048xf32> to vector<8x2048xf32>
      %get3A_97 = arith.constant 0 : index
      %get3A_98 = arith.constant 2 : index
      %get3A_99 = arith.constant 2048 : index
      %get3A_100 = vector.load %arg0[%get3A_97, %get3A_98, %get3A_99] : memref<8x3x16384xf32, #tpu.memory_space<vmem>>, vector<8x1x2048xf32>
      %get3A_101 = vector.shape_cast %get3A_100 : vector<8x1x2048xf32> to vector<8x2048xf32>
      %jit3A_102 = arith.constant 0.000000e+00 : f32
      %broadcast_in_dim3A_103 = vector.broadcast %jit3A_102 : f32 to vector<8x2048xf32>
      %select_n3A_104 = arith.select %eq3A_86, %get3A_91, %broadcast_in_dim3A_103 : vector<8x2048xi1>, vector<8x2048xf32>
      %reduce_sum3A_105 = arith.constant dense<0.000000e+00> : vector<8xf32>
      %reduce_sum3A_106 = vector.multi_reduction <add>, %select_n3A_104, %reduce_sum3A_105 [1] : vector<8x2048xf32> to vector<8xf32>
      %broadcast_in_dim3A_107 = vector.shape_cast %reduce_sum3A_106 : vector<8xf32> to vector<8x1xf32>
      %add3A_108 = arith.addf %add3A_66, %broadcast_in_dim3A_107 : vector<8x1xf32>
      %jit3A_109 = arith.constant 0.000000e+00 : f32
      %broadcast_in_dim3A_110 = vector.broadcast %jit3A_109 : f32 to vector<8x2048xf32>
      %select_n3A_111 = arith.select %eq3A_86, %get3A_96, %broadcast_in_dim3A_110 : vector<8x2048xi1>, vector<8x2048xf32>
      %reduce_sum3A_112 = arith.constant dense<0.000000e+00> : vector<8xf32>
      %reduce_sum3A_113 = vector.multi_reduction <add>, %select_n3A_111, %reduce_sum3A_112 [1] : vector<8x2048xf32> to vector<8xf32>
      %broadcast_in_dim3A_114 = vector.shape_cast %reduce_sum3A_113 : vector<8xf32> to vector<8x1xf32>
      %add3A_115 = arith.addf %add3A_73, %broadcast_in_dim3A_114 : vector<8x1xf32>
      %jit3A_116 = arith.constant 0.000000e+00 : f32
      %broadcast_in_dim3A_117 = vector.broadcast %jit3A_116 : f32 to vector<8x2048xf32>
      %select_n3A_118 = arith.select %eq3A_86, %get3A_101, %broadcast_in_dim3A_117 : vector<8x2048xi1>, vector<8x2048xf32>
      %reduce_sum3A_119 = arith.constant dense<0.000000e+00> : vector<8xf32>
      %reduce_sum3A_120 = vector.multi_reduction <add>, %select_n3A_118, %reduce_sum3A_119 [1] : vector<8x2048xf32> to vector<8xf32>
      %broadcast_in_dim3A_121 = vector.shape_cast %reduce_sum3A_120 : vector<8xf32> to vector<8x1xf32>
      %add3A_122 = arith.addf %add3A_80, %broadcast_in_dim3A_121 : vector<8x1xf32>
      %iota3A_123 = tpu.iota {dimensions = array<i32: 1>} : vector<8x2048xi32>
      %add3A_124 = arith.constant 4096 : i32
      %add3A_125 = vector.broadcast %add3A_124 : i32 to vector<8x2048xi32>
      %add3A_126 = arith.addi %iota3A_123, %add3A_125 : vector<8x2048xi32>
      %eq3A_127 = vector.broadcast %scan3A_34 : vector<8x1xi32> to vector<8x2048xi32>
      %eq3A_128 = arith.cmpi eq, %add3A_126, %eq3A_127 : vector<8x2048xi32>
      %get3A_129 = arith.constant 0 : index
      %get3A_130 = arith.constant 0 : index
      %get3A_131 = arith.constant 4096 : index
      %get3A_132 = vector.load %arg0[%get3A_129, %get3A_130, %get3A_131] : memref<8x3x16384xf32, #tpu.memory_space<vmem>>, vector<8x1x2048xf32>
      %get3A_133 = vector.shape_cast %get3A_132 : vector<8x1x2048xf32> to vector<8x2048xf32>
      %get3A_134 = arith.constant 0 : index
      %get3A_135 = arith.constant 1 : index
      %get3A_136 = arith.constant 4096 : index
      %get3A_137 = vector.load %arg0[%get3A_134, %get3A_135, %get3A_136] : memref<8x3x16384xf32, #tpu.memory_space<vmem>>, vector<8x1x2048xf32>
      %get3A_138 = vector.shape_cast %get3A_137 : vector<8x1x2048xf32> to vector<8x2048xf32>
      %get3A_139 = arith.constant 0 : index
      %get3A_140 = arith.constant 2 : index
      %get3A_141 = arith.constant 4096 : index
      %get3A_142 = vector.load %arg0[%get3A_139, %get3A_140, %get3A_141] : memref<8x3x16384xf32, #tpu.memory_space<vmem>>, vector<8x1x2048xf32>
      %get3A_143 = vector.shape_cast %get3A_142 : vector<8x1x2048xf32> to vector<8x2048xf32>
      %jit3A_144 = arith.constant 0.000000e+00 : f32
      %broadcast_in_dim3A_145 = vector.broadcast %jit3A_144 : f32 to vector<8x2048xf32>
      %select_n3A_146 = arith.select %eq3A_128, %get3A_133, %broadcast_in_dim3A_145 : vector<8x2048xi1>, vector<8x2048xf32>
      %reduce_sum3A_147 = arith.constant dense<0.000000e+00> : vector<8xf32>
      %reduce_sum3A_148 = vector.multi_reduction <add>, %select_n3A_146, %reduce_sum3A_147 [1] : vector<8x2048xf32> to vector<8xf32>
      %broadcast_in_dim3A_149 = vector.shape_cast %reduce_sum3A_148 : vector<8xf32> to vector<8x1xf32>
      %add3A_150 = arith.addf %add3A_108, %broadcast_in_dim3A_149 : vector<8x1xf32>
      %jit3A_151 = arith.constant 0.000000e+00 : f32
      %broadcast_in_dim3A_152 = vector.broadcast %jit3A_151 : f32 to vector<8x2048xf32>
      %select_n3A_153 = arith.select %eq3A_128, %get3A_138, %broadcast_in_dim3A_152 : vector<8x2048xi1>, vector<8x2048xf32>
      %reduce_sum3A_154 = arith.constant dense<0.000000e+00> : vector<8xf32>
      %reduce_sum3A_155 = vector.multi_reduction <add>, %select_n3A_153, %reduce_sum3A_154 [1] : vector<8x2048xf32> to vector<8xf32>
      %broadcast_in_dim3A_156 = vector.shape_cast %reduce_sum3A_155 : vector<8xf32> to vector<8x1xf32>
      %add3A_157 = arith.addf %add3A_115, %broadcast_in_dim3A_156 : vector<8x1xf32>
      %jit3A_158 = arith.constant 0.000000e+00 : f32
      %broadcast_in_dim3A_159 = vector.broadcast %jit3A_158 : f32 to vector<8x2048xf32>
      %select_n3A_160 = arith.select %eq3A_128, %get3A_143, %broadcast_in_dim3A_159 : vector<8x2048xi1>, vector<8x2048xf32>
      %reduce_sum3A_161 = arith.constant dense<0.000000e+00> : vector<8xf32>
      %reduce_sum3A_162 = vector.multi_reduction <add>, %select_n3A_160, %reduce_sum3A_161 [1] : vector<8x2048xf32> to vector<8xf32>
      %broadcast_in_dim3A_163 = vector.shape_cast %reduce_sum3A_162 : vector<8xf32> to vector<8x1xf32>
      %add3A_164 = arith.addf %add3A_122, %broadcast_in_dim3A_163 : vector<8x1xf32>
      %iota3A_165 = tpu.iota {dimensions = array<i32: 1>} : vector<8x2048xi32>
      %add3A_166 = arith.constant 6144 : i32
      %add3A_167 = vector.broadcast %add3A_166 : i32 to vector<8x2048xi32>
      %add3A_168 = arith.addi %iota3A_165, %add3A_167 : vector<8x2048xi32>
      %eq3A_169 = vector.broadcast %scan3A_34 : vector<8x1xi32> to vector<8x2048xi32>
      %eq3A_170 = arith.cmpi eq, %add3A_168, %eq3A_169 : vector<8x2048xi32>
      %get3A_171 = arith.constant 0 : index
      %get3A_172 = arith.constant 0 : index
      %get3A_173 = arith.constant 6144 : index
      %get3A_174 = vector.load %arg0[%get3A_171, %get3A_172, %get3A_173] : memref<8x3x16384xf32, #tpu.memory_space<vmem>>, vector<8x1x2048xf32>
      %get3A_175 = vector.shape_cast %get3A_174 : vector<8x1x2048xf32> to vector<8x2048xf32>
      %get3A_176 = arith.constant 0 : index
      %get3A_177 = arith.constant 1 : index
      %get3A_178 = arith.constant 6144 : index
      %get3A_179 = vector.load %arg0[%get3A_176, %get3A_177, %get3A_178] : memref<8x3x16384xf32, #tpu.memory_space<vmem>>, vector<8x1x2048xf32>
      %get3A_180 = vector.shape_cast %get3A_179 : vector<8x1x2048xf32> to vector<8x2048xf32>
      %get3A_181 = arith.constant 0 : index
      %get3A_182 = arith.constant 2 : index
      %get3A_183 = arith.constant 6144 : index
      %get3A_184 = vector.load %arg0[%get3A_181, %get3A_182, %get3A_183] : memref<8x3x16384xf32, #tpu.memory_space<vmem>>, vector<8x1x2048xf32>
      %get3A_185 = vector.shape_cast %get3A_184 : vector<8x1x2048xf32> to vector<8x2048xf32>
      %jit3A_186 = arith.constant 0.000000e+00 : f32
      %broadcast_in_dim3A_187 = vector.broadcast %jit3A_186 : f32 to vector<8x2048xf32>
      %select_n3A_188 = arith.select %eq3A_170, %get3A_175, %broadcast_in_dim3A_187 : vector<8x2048xi1>, vector<8x2048xf32>
      %reduce_sum3A_189 = arith.constant dense<0.000000e+00> : vector<8xf32>
      %reduce_sum3A_190 = vector.multi_reduction <add>, %select_n3A_188, %reduce_sum3A_189 [1] : vector<8x2048xf32> to vector<8xf32>
      %broadcast_in_dim3A_191 = vector.shape_cast %reduce_sum3A_190 : vector<8xf32> to vector<8x1xf32>
      %add3A_192 = arith.addf %add3A_150, %broadcast_in_dim3A_191 : vector<8x1xf32>
      %jit3A_193 = arith.constant 0.000000e+00 : f32
      %broadcast_in_dim3A_194 = vector.broadcast %jit3A_193 : f32 to vector<8x2048xf32>
      %select_n3A_195 = arith.select %eq3A_170, %get3A_180, %broadcast_in_dim3A_194 : vector<8x2048xi1>, vector<8x2048xf32>
      %reduce_sum3A_196 = arith.constant dense<0.000000e+00> : vector<8xf32>
      %reduce_sum3A_197 = vector.multi_reduction <add>, %select_n3A_195, %reduce_sum3A_196 [1] : vector<8x2048xf32> to vector<8xf32>
      %broadcast_in_dim3A_198 = vector.shape_cast %reduce_sum3A_197 : vector<8xf32> to vector<8x1xf32>
      %add3A_199 = arith.addf %add3A_157, %broadcast_in_dim3A_198 : vector<8x1xf32>
      %jit3A_200 = arith.constant 0.000000e+00 : f32
      %broadcast_in_dim3A_201 = vector.broadcast %jit3A_200 : f32 to vector<8x2048xf32>
      %select_n3A_202 = arith.select %eq3A_170, %get3A_185, %broadcast_in_dim3A_201 : vector<8x2048xi1>, vector<8x2048xf32>
      %reduce_sum3A_203 = arith.constant dense<0.000000e+00> : vector<8xf32>
      %reduce_sum3A_204 = vector.multi_reduction <add>, %select_n3A_202, %reduce_sum3A_203 [1] : vector<8x2048xf32> to vector<8xf32>
      %broadcast_in_dim3A_205 = vector.shape_cast %reduce_sum3A_204 : vector<8xf32> to vector<8x1xf32>
      %add3A_206 = arith.addf %add3A_164, %broadcast_in_dim3A_205 : vector<8x1xf32>
      %iota3A_207 = tpu.iota {dimensions = array<i32: 1>} : vector<8x2048xi32>
      %add3A_208 = arith.constant 8192 : i32
      %add3A_209 = vector.broadcast %add3A_208 : i32 to vector<8x2048xi32>
      %add3A_210 = arith.addi %iota3A_207, %add3A_209 : vector<8x2048xi32>
      %eq3A_211 = vector.broadcast %scan3A_34 : vector<8x1xi32> to vector<8x2048xi32>
      %eq3A_212 = arith.cmpi eq, %add3A_210, %eq3A_211 : vector<8x2048xi32>
      %get3A_213 = arith.constant 0 : index
      %get3A_214 = arith.constant 0 : index
      %get3A_215 = arith.constant 8192 : index
      %get3A_216 = vector.load %arg0[%get3A_213, %get3A_214, %get3A_215] : memref<8x3x16384xf32, #tpu.memory_space<vmem>>, vector<8x1x2048xf32>
      %get3A_217 = vector.shape_cast %get3A_216 : vector<8x1x2048xf32> to vector<8x2048xf32>
      %get3A_218 = arith.constant 0 : index
      %get3A_219 = arith.constant 1 : index
      %get3A_220 = arith.constant 8192 : index
      %get3A_221 = vector.load %arg0[%get3A_218, %get3A_219, %get3A_220] : memref<8x3x16384xf32, #tpu.memory_space<vmem>>, vector<8x1x2048xf32>
      %get3A_222 = vector.shape_cast %get3A_221 : vector<8x1x2048xf32> to vector<8x2048xf32>
      %get3A_223 = arith.constant 0 : index
      %get3A_224 = arith.constant 2 : index
      %get3A_225 = arith.constant 8192 : index
      %get3A_226 = vector.load %arg0[%get3A_223, %get3A_224, %get3A_225] : memref<8x3x16384xf32, #tpu.memory_space<vmem>>, vector<8x1x2048xf32>
      %get3A_227 = vector.shape_cast %get3A_226 : vector<8x1x2048xf32> to vector<8x2048xf32>
      %jit3A_228 = arith.constant 0.000000e+00 : f32
      %broadcast_in_dim3A_229 = vector.broadcast %jit3A_228 : f32 to vector<8x2048xf32>
      %select_n3A_230 = arith.select %eq3A_212, %get3A_217, %broadcast_in_dim3A_229 : vector<8x2048xi1>, vector<8x2048xf32>
      %reduce_sum3A_231 = arith.constant dense<0.000000e+00> : vector<8xf32>
      %reduce_sum3A_232 = vector.multi_reduction <add>, %select_n3A_230, %reduce_sum3A_231 [1] : vector<8x2048xf32> to vector<8xf32>
      %broadcast_in_dim3A_233 = vector.shape_cast %reduce_sum3A_232 : vector<8xf32> to vector<8x1xf32>
      %add3A_234 = arith.addf %add3A_192, %broadcast_in_dim3A_233 : vector<8x1xf32>
      %jit3A_235 = arith.constant 0.000000e+00 : f32
      %broadcast_in_dim3A_236 = vector.broadcast %jit3A_235 : f32 to vector<8x2048xf32>
      %select_n3A_237 = arith.select %eq3A_212, %get3A_222, %broadcast_in_dim3A_236 : vector<8x2048xi1>, vector<8x2048xf32>
      %reduce_sum3A_238 = arith.constant dense<0.000000e+00> : vector<8xf32>
      %reduce_sum3A_239 = vector.multi_reduction <add>, %select_n3A_237, %reduce_sum3A_238 [1] : vector<8x2048xf32> to vector<8xf32>
      %broadcast_in_dim3A_240 = vector.shape_cast %reduce_sum3A_239 : vector<8xf32> to vector<8x1xf32>
      %add3A_241 = arith.addf %add3A_199, %broadcast_in_dim3A_240 : vector<8x1xf32>
      %jit3A_242 = arith.constant 0.000000e+00 : f32
      %broadcast_in_dim3A_243 = vector.broadcast %jit3A_242 : f32 to vector<8x2048xf32>
      %select_n3A_244 = arith.select %eq3A_212, %get3A_227, %broadcast_in_dim3A_243 : vector<8x2048xi1>, vector<8x2048xf32>
      %reduce_sum3A_245 = arith.constant dense<0.000000e+00> : vector<8xf32>
      %reduce_sum3A_246 = vector.multi_reduction <add>, %select_n3A_244, %reduce_sum3A_245 [1] : vector<8x2048xf32> to vector<8xf32>
      %broadcast_in_dim3A_247 = vector.shape_cast %reduce_sum3A_246 : vector<8xf32> to vector<8x1xf32>
      %add3A_248 = arith.addf %add3A_206, %broadcast_in_dim3A_247 : vector<8x1xf32>
      %iota3A_249 = tpu.iota {dimensions = array<i32: 1>} : vector<8x2048xi32>
      %add3A_250 = arith.constant 10240 : i32
      %add3A_251 = vector.broadcast %add3A_250 : i32 to vector<8x2048xi32>
      %add3A_252 = arith.addi %iota3A_249, %add3A_251 : vector<8x2048xi32>
      %eq3A_253 = vector.broadcast %scan3A_34 : vector<8x1xi32> to vector<8x2048xi32>
      %eq3A_254 = arith.cmpi eq, %add3A_252, %eq3A_253 : vector<8x2048xi32>
      %get3A_255 = arith.constant 0 : index
      %get3A_256 = arith.constant 0 : index
      %get3A_257 = arith.constant 10240 : index
      %get3A_258 = vector.load %arg0[%get3A_255, %get3A_256, %get3A_257] : memref<8x3x16384xf32, #tpu.memory_space<vmem>>, vector<8x1x2048xf32>
      %get3A_259 = vector.shape_cast %get3A_258 : vector<8x1x2048xf32> to vector<8x2048xf32>
      %get3A_260 = arith.constant 0 : index
      %get3A_261 = arith.constant 1 : index
      %get3A_262 = arith.constant 10240 : index
      %get3A_263 = vector.load %arg0[%get3A_260, %get3A_261, %get3A_262] : memref<8x3x16384xf32, #tpu.memory_space<vmem>>, vector<8x1x2048xf32>
      %get3A_264 = vector.shape_cast %get3A_263 : vector<8x1x2048xf32> to vector<8x2048xf32>
      %get3A_265 = arith.constant 0 : index
      %get3A_266 = arith.constant 2 : index
      %get3A_267 = arith.constant 10240 : index
      %get3A_268 = vector.load %arg0[%get3A_265, %get3A_266, %get3A_267] : memref<8x3x16384xf32, #tpu.memory_space<vmem>>, vector<8x1x2048xf32>
      %get3A_269 = vector.shape_cast %get3A_268 : vector<8x1x2048xf32> to vector<8x2048xf32>
      %jit3A_270 = arith.constant 0.000000e+00 : f32
      %broadcast_in_dim3A_271 = vector.broadcast %jit3A_270 : f32 to vector<8x2048xf32>
      %select_n3A_272 = arith.select %eq3A_254, %get3A_259, %broadcast_in_dim3A_271 : vector<8x2048xi1>, vector<8x2048xf32>
      %reduce_sum3A_273 = arith.constant dense<0.000000e+00> : vector<8xf32>
      %reduce_sum3A_274 = vector.multi_reduction <add>, %select_n3A_272, %reduce_sum3A_273 [1] : vector<8x2048xf32> to vector<8xf32>
      %broadcast_in_dim3A_275 = vector.shape_cast %reduce_sum3A_274 : vector<8xf32> to vector<8x1xf32>
      %add3A_276 = arith.addf %add3A_234, %broadcast_in_dim3A_275 : vector<8x1xf32>
      %jit3A_277 = arith.constant 0.000000e+00 : f32
      %broadcast_in_dim3A_278 = vector.broadcast %jit3A_277 : f32 to vector<8x2048xf32>
      %select_n3A_279 = arith.select %eq3A_254, %get3A_264, %broadcast_in_dim3A_278 : vector<8x2048xi1>, vector<8x2048xf32>
      %reduce_sum3A_280 = arith.constant dense<0.000000e+00> : vector<8xf32>
      %reduce_sum3A_281 = vector.multi_reduction <add>, %select_n3A_279, %reduce_sum3A_280 [1] : vector<8x2048xf32> to vector<8xf32>
      %broadcast_in_dim3A_282 = vector.shape_cast %reduce_sum3A_281 : vector<8xf32> to vector<8x1xf32>
      %add3A_283 = arith.addf %add3A_241, %broadcast_in_dim3A_282 : vector<8x1xf32>
      %jit3A_284 = arith.constant 0.000000e+00 : f32
      %broadcast_in_dim3A_285 = vector.broadcast %jit3A_284 : f32 to vector<8x2048xf32>
      %select_n3A_286 = arith.select %eq3A_254, %get3A_269, %broadcast_in_dim3A_285 : vector<8x2048xi1>, vector<8x2048xf32>
      %reduce_sum3A_287 = arith.constant dense<0.000000e+00> : vector<8xf32>
      %reduce_sum3A_288 = vector.multi_reduction <add>, %select_n3A_286, %reduce_sum3A_287 [1] : vector<8x2048xf32> to vector<8xf32>
      %broadcast_in_dim3A_289 = vector.shape_cast %reduce_sum3A_288 : vector<8xf32> to vector<8x1xf32>
      %add3A_290 = arith.addf %add3A_248, %broadcast_in_dim3A_289 : vector<8x1xf32>
      %iota3A_291 = tpu.iota {dimensions = array<i32: 1>} : vector<8x2048xi32>
      %add3A_292 = arith.constant 12288 : i32
      %add3A_293 = vector.broadcast %add3A_292 : i32 to vector<8x2048xi32>
      %add3A_294 = arith.addi %iota3A_291, %add3A_293 : vector<8x2048xi32>
      %eq3A_295 = vector.broadcast %scan3A_34 : vector<8x1xi32> to vector<8x2048xi32>
      %eq3A_296 = arith.cmpi eq, %add3A_294, %eq3A_295 : vector<8x2048xi32>
      %get3A_297 = arith.constant 0 : index
      %get3A_298 = arith.constant 0 : index
      %get3A_299 = arith.constant 12288 : index
      %get3A_300 = vector.load %arg0[%get3A_297, %get3A_298, %get3A_299] : memref<8x3x16384xf32, #tpu.memory_space<vmem>>, vector<8x1x2048xf32>
      %get3A_301 = vector.shape_cast %get3A_300 : vector<8x1x2048xf32> to vector<8x2048xf32>
      %get3A_302 = arith.constant 0 : index
      %get3A_303 = arith.constant 1 : index
      %get3A_304 = arith.constant 12288 : index
      %get3A_305 = vector.load %arg0[%get3A_302, %get3A_303, %get3A_304] : memref<8x3x16384xf32, #tpu.memory_space<vmem>>, vector<8x1x2048xf32>
      %get3A_306 = vector.shape_cast %get3A_305 : vector<8x1x2048xf32> to vector<8x2048xf32>
      %get3A_307 = arith.constant 0 : index
      %get3A_308 = arith.constant 2 : index
      %get3A_309 = arith.constant 12288 : index
      %get3A_310 = vector.load %arg0[%get3A_307, %get3A_308, %get3A_309] : memref<8x3x16384xf32, #tpu.memory_space<vmem>>, vector<8x1x2048xf32>
      %get3A_311 = vector.shape_cast %get3A_310 : vector<8x1x2048xf32> to vector<8x2048xf32>
      %jit3A_312 = arith.constant 0.000000e+00 : f32
      %broadcast_in_dim3A_313 = vector.broadcast %jit3A_312 : f32 to vector<8x2048xf32>
      %select_n3A_314 = arith.select %eq3A_296, %get3A_301, %broadcast_in_dim3A_313 : vector<8x2048xi1>, vector<8x2048xf32>
      %reduce_sum3A_315 = arith.constant dense<0.000000e+00> : vector<8xf32>
      %reduce_sum3A_316 = vector.multi_reduction <add>, %select_n3A_314, %reduce_sum3A_315 [1] : vector<8x2048xf32> to vector<8xf32>
      %broadcast_in_dim3A_317 = vector.shape_cast %reduce_sum3A_316 : vector<8xf32> to vector<8x1xf32>
      %add3A_318 = arith.addf %add3A_276, %broadcast_in_dim3A_317 : vector<8x1xf32>
      %jit3A_319 = arith.constant 0.000000e+00 : f32
      %broadcast_in_dim3A_320 = vector.broadcast %jit3A_319 : f32 to vector<8x2048xf32>
      %select_n3A_321 = arith.select %eq3A_296, %get3A_306, %broadcast_in_dim3A_320 : vector<8x2048xi1>, vector<8x2048xf32>
      %reduce_sum3A_322 = arith.constant dense<0.000000e+00> : vector<8xf32>
      %reduce_sum3A_323 = vector.multi_reduction <add>, %select_n3A_321, %reduce_sum3A_322 [1] : vector<8x2048xf32> to vector<8xf32>
      %broadcast_in_dim3A_324 = vector.shape_cast %reduce_sum3A_323 : vector<8xf32> to vector<8x1xf32>
      %add3A_325 = arith.addf %add3A_283, %broadcast_in_dim3A_324 : vector<8x1xf32>
      %jit3A_326 = arith.constant 0.000000e+00 : f32
      %broadcast_in_dim3A_327 = vector.broadcast %jit3A_326 : f32 to vector<8x2048xf32>
      %select_n3A_328 = arith.select %eq3A_296, %get3A_311, %broadcast_in_dim3A_327 : vector<8x2048xi1>, vector<8x2048xf32>
      %reduce_sum3A_329 = arith.constant dense<0.000000e+00> : vector<8xf32>
      %reduce_sum3A_330 = vector.multi_reduction <add>, %select_n3A_328, %reduce_sum3A_329 [1] : vector<8x2048xf32> to vector<8xf32>
      %broadcast_in_dim3A_331 = vector.shape_cast %reduce_sum3A_330 : vector<8xf32> to vector<8x1xf32>
      %add3A_332 = arith.addf %add3A_290, %broadcast_in_dim3A_331 : vector<8x1xf32>
      %iota3A_333 = tpu.iota {dimensions = array<i32: 1>} : vector<8x2048xi32>
      %add3A_334 = arith.constant 14336 : i32
      %add3A_335 = vector.broadcast %add3A_334 : i32 to vector<8x2048xi32>
      %add3A_336 = arith.addi %iota3A_333, %add3A_335 : vector<8x2048xi32>
      %eq3A_337 = vector.broadcast %scan3A_34 : vector<8x1xi32> to vector<8x2048xi32>
      %eq3A_338 = arith.cmpi eq, %add3A_336, %eq3A_337 : vector<8x2048xi32>
      %get3A_339 = arith.constant 0 : index
      %get3A_340 = arith.constant 0 : index
      %get3A_341 = arith.constant 14336 : index
      %get3A_342 = vector.load %arg0[%get3A_339, %get3A_340, %get3A_341] : memref<8x3x16384xf32, #tpu.memory_space<vmem>>, vector<8x1x2048xf32>
      %get3A_343 = vector.shape_cast %get3A_342 : vector<8x1x2048xf32> to vector<8x2048xf32>
      %get3A_344 = arith.constant 0 : index
      %get3A_345 = arith.constant 1 : index
      %get3A_346 = arith.constant 14336 : index
      %get3A_347 = vector.load %arg0[%get3A_344, %get3A_345, %get3A_346] : memref<8x3x16384xf32, #tpu.memory_space<vmem>>, vector<8x1x2048xf32>
      %get3A_348 = vector.shape_cast %get3A_347 : vector<8x1x2048xf32> to vector<8x2048xf32>
      %get3A_349 = arith.constant 0 : index
      %get3A_350 = arith.constant 2 : index
      %get3A_351 = arith.constant 14336 : index
      %get3A_352 = vector.load %arg0[%get3A_349, %get3A_350, %get3A_351] : memref<8x3x16384xf32, #tpu.memory_space<vmem>>, vector<8x1x2048xf32>
      %get3A_353 = vector.shape_cast %get3A_352 : vector<8x1x2048xf32> to vector<8x2048xf32>
      %jit3A_354 = arith.constant 0.000000e+00 : f32
      %broadcast_in_dim3A_355 = vector.broadcast %jit3A_354 : f32 to vector<8x2048xf32>
      %select_n3A_356 = arith.select %eq3A_338, %get3A_343, %broadcast_in_dim3A_355 : vector<8x2048xi1>, vector<8x2048xf32>
      %reduce_sum3A_357 = arith.constant dense<0.000000e+00> : vector<8xf32>
      %reduce_sum3A_358 = vector.multi_reduction <add>, %select_n3A_356, %reduce_sum3A_357 [1] : vector<8x2048xf32> to vector<8xf32>
      %broadcast_in_dim3A_359 = vector.shape_cast %reduce_sum3A_358 : vector<8xf32> to vector<8x1xf32>
      %add3A_360 = arith.addf %add3A_318, %broadcast_in_dim3A_359 : vector<8x1xf32>
      %jit3A_361 = arith.constant 0.000000e+00 : f32
      %broadcast_in_dim3A_362 = vector.broadcast %jit3A_361 : f32 to vector<8x2048xf32>
      %select_n3A_363 = arith.select %eq3A_338, %get3A_348, %broadcast_in_dim3A_362 : vector<8x2048xi1>, vector<8x2048xf32>
      %reduce_sum3A_364 = arith.constant dense<0.000000e+00> : vector<8xf32>
      %reduce_sum3A_365 = vector.multi_reduction <add>, %select_n3A_363, %reduce_sum3A_364 [1] : vector<8x2048xf32> to vector<8xf32>
      %broadcast_in_dim3A_366 = vector.shape_cast %reduce_sum3A_365 : vector<8xf32> to vector<8x1xf32>
      %add3A_367 = arith.addf %add3A_325, %broadcast_in_dim3A_366 : vector<8x1xf32>
      %jit3A_368 = arith.constant 0.000000e+00 : f32
      %broadcast_in_dim3A_369 = vector.broadcast %jit3A_368 : f32 to vector<8x2048xf32>
      %select_n3A_370 = arith.select %eq3A_338, %get3A_353, %broadcast_in_dim3A_369 : vector<8x2048xi1>, vector<8x2048xf32>
      %reduce_sum3A_371 = arith.constant dense<0.000000e+00> : vector<8xf32>
      %reduce_sum3A_372 = vector.multi_reduction <add>, %select_n3A_370, %reduce_sum3A_371 [1] : vector<8x2048xf32> to vector<8xf32>
      %broadcast_in_dim3A_373 = vector.shape_cast %reduce_sum3A_372 : vector<8xf32> to vector<8x1xf32>
      %add3A_374 = arith.addf %add3A_332, %broadcast_in_dim3A_373 : vector<8x1xf32>
      %eq3A_375 = vector.broadcast %scan3A_33 : i32 to vector<8x64xi32>
      %eq3A_376 = arith.cmpi eq, %iota3A, %eq3A_375 : vector<8x64xi32>
      %add3A_377 = arith.addi %scan3A_34, %mul3A_2 : vector<8x1xi32>
      %broadcast_in_dim3A_378 = vector.shape_cast %add3A_377 : vector<8x1xi32> to vector<8x1xi32>
      %broadcast_in_dim3A_379 = vector.broadcast %broadcast_in_dim3A_378 : vector<8x1xi32> to vector<8x64xi32>
      %select_n3A_380 = arith.select %eq3A_376, %broadcast_in_dim3A_379, %scan3A_35 : vector<8x64xi1>, vector<8x64xi32>
      %broadcast_in_dim3A_381 = vector.shape_cast %add3A_360 : vector<8x1xf32> to vector<8x1xf32>
      %broadcast_in_dim3A_382 = vector.broadcast %broadcast_in_dim3A_381 : vector<8x1xf32> to vector<8x64xf32>
      %select_n3A_383 = arith.select %eq3A_376, %broadcast_in_dim3A_382, %scan3A_36 : vector<8x64xi1>, vector<8x64xf32>
      %broadcast_in_dim3A_384 = vector.shape_cast %add3A_367 : vector<8x1xf32> to vector<8x1xf32>
      %broadcast_in_dim3A_385 = vector.broadcast %broadcast_in_dim3A_384 : vector<8x1xf32> to vector<8x64xf32>
      %select_n3A_386 = arith.select %eq3A_376, %broadcast_in_dim3A_385, %scan3A_37 : vector<8x64xi1>, vector<8x64xf32>
      %broadcast_in_dim3A_387 = vector.shape_cast %add3A_374 : vector<8x1xf32> to vector<8x1xf32>
      %broadcast_in_dim3A_388 = vector.broadcast %broadcast_in_dim3A_387 : vector<8x1xf32> to vector<8x64xf32>
      %select_n3A_389 = arith.select %eq3A_376, %broadcast_in_dim3A_388, %scan3A_38 : vector<8x64xi1>, vector<8x64xf32>
      %broadcast_in_dim3A_390 = arith.constant -1.000000e+00 : f32
      %broadcast_in_dim3A_391 = vector.broadcast %broadcast_in_dim3A_390 : f32 to vector<8x1xf32>
      %broadcast_in_dim3A_392 = arith.constant 16384 : i32
      %broadcast_in_dim3A_393 = vector.broadcast %broadcast_in_dim3A_392 : i32 to vector<8x1xi32>
      %iota3A_394 = tpu.iota {dimensions = array<i32: 1>} : vector<8x2048xi32>
      %add3A_395 = arith.constant 0 : i32
      %add3A_396 = vector.broadcast %add3A_395 : i32 to vector<8x2048xi32>
      %add3A_397 = arith.addi %iota3A_394, %add3A_396 : vector<8x2048xi32>
      %get3A_398 = arith.constant 0 : index
      %get3A_399 = arith.constant 0 : index
      %get3A_400 = arith.constant 0 : index
      %get3A_401 = vector.load %arg0[%get3A_398, %get3A_399, %get3A_400] : memref<8x3x16384xf32, #tpu.memory_space<vmem>>, vector<8x1x2048xf32>
      %get3A_402 = vector.shape_cast %get3A_401 : vector<8x1x2048xf32> to vector<8x2048xf32>
      %sub3A = vector.broadcast %add3A_360 : vector<8x1xf32> to vector<8x2048xf32>
      %sub3A_403 = arith.subf %get3A_402, %sub3A : vector<8x2048xf32>
      %get3A_404 = arith.constant 0 : index
      %get3A_405 = arith.constant 1 : index
      %get3A_406 = arith.constant 0 : index
      %get3A_407 = vector.load %arg0[%get3A_404, %get3A_405, %get3A_406] : memref<8x3x16384xf32, #tpu.memory_space<vmem>>, vector<8x1x2048xf32>
      %get3A_408 = vector.shape_cast %get3A_407 : vector<8x1x2048xf32> to vector<8x2048xf32>
      %sub3A_409 = vector.broadcast %add3A_367 : vector<8x1xf32> to vector<8x2048xf32>
      %sub3A_410 = arith.subf %get3A_408, %sub3A_409 : vector<8x2048xf32>
      %get3A_411 = arith.constant 0 : index
      %get3A_412 = arith.constant 2 : index
      %get3A_413 = arith.constant 0 : index
      %get3A_414 = vector.load %arg0[%get3A_411, %get3A_412, %get3A_413] : memref<8x3x16384xf32, #tpu.memory_space<vmem>>, vector<8x1x2048xf32>
      %get3A_415 = vector.shape_cast %get3A_414 : vector<8x1x2048xf32> to vector<8x2048xf32>
      %sub3A_416 = vector.broadcast %add3A_374 : vector<8x1xf32> to vector<8x2048xf32>
      %sub3A_417 = arith.subf %get3A_415, %sub3A_416 : vector<8x2048xf32>
      %mul3A_418 = arith.mulf %sub3A_403, %sub3A_403 : vector<8x2048xf32>
      %mul3A_419 = arith.mulf %sub3A_410, %sub3A_410 : vector<8x2048xf32>
      %add3A_420 = arith.addf %mul3A_418, %mul3A_419 : vector<8x2048xf32>
      %mul3A_421 = arith.mulf %sub3A_417, %sub3A_417 : vector<8x2048xf32>
      %add3A_422 = arith.addf %add3A_420, %mul3A_421 : vector<8x2048xf32>
      %get3A_423 = arith.constant 0 : index
      %get3A_424 = arith.constant 0 : index
      %get3A_425 = vector.load %arg5[%get3A_423, %get3A_424] : memref<8x16384xf32, #tpu.memory_space<vmem>>, vector<8x2048xf32>
      %min3A = arith.minimumf %get3A_425, %add3A_422 : vector<8x2048xf32>
      %swap3A_426 = arith.constant 0 : index
      %swap3A_427 = arith.constant 0 : index
      %swap3A_428 = vector.load %arg5[%swap3A_426, %swap3A_427] : memref<8x16384xf32, #tpu.memory_space<vmem>>, vector<8x2048xf32>
      tpu.vector_store %arg5[%swap3A_426, %swap3A_427], %min3A {strides = array<i32>} : memref<8x16384xf32, #tpu.memory_space<vmem>>, vector<8x2048xf32>,
      %reduce_max3A = arith.constant dense<0xFF800000> : vector<8xf32>
      %reduce_max3A_429 = vector.multi_reduction <maximumf>, %min3A, %reduce_max3A [1] : vector<8x2048xf32> to vector<8xf32>
      %broadcast_in_dim3A_430 = vector.shape_cast %reduce_max3A_429 : vector<8xf32> to vector<8x1xf32>
      %eq3A_431 = vector.broadcast %broadcast_in_dim3A_430 : vector<8x1xf32> to vector<8x2048xf32>
      %eq3A_432 = arith.cmpf oeq, %min3A, %eq3A_431 : vector<8x2048xf32>
      %jit3A_433 = arith.constant 16384 : i32
      %broadcast_in_dim3A_434 = vector.broadcast %jit3A_433 : i32 to vector<8x2048xi32>
      %select_n3A_435 = arith.select %eq3A_432, %add3A_397, %broadcast_in_dim3A_434 : vector<8x2048xi1>, vector<8x2048xi32>
      %reduce_min3A = arith.constant dense<2147483647> : vector<8xi32>
      %reduce_min3A_436 = vector.multi_reduction <minsi>, %select_n3A_435, %reduce_min3A [1] : vector<8x2048xi32> to vector<8xi32>
      %broadcast_in_dim3A_437 = vector.shape_cast %reduce_min3A_436 : vector<8xi32> to vector<8x1xi32>
      %gt3A = arith.cmpf ogt, %broadcast_in_dim3A_430, %broadcast_in_dim3A_391 : vector<8x1xf32>
      %eq3A_438 = arith.cmpf oeq, %broadcast_in_dim3A_430, %broadcast_in_dim3A_391 : vector<8x1xf32>
      %lt3A = arith.cmpi slt, %broadcast_in_dim3A_437, %broadcast_in_dim3A_393 : vector<8x1xi32>
      %and3A = arith.andi %eq3A_438, %lt3A : vector<8x1xi1>
      %or3A = arith.ori %gt3A, %and3A : vector<8x1xi1>
      %select_n3A_439 = arith.select %or3A, %broadcast_in_dim3A_430, %broadcast_in_dim3A_391 : vector<8x1xi1>, vector<8x1xf32>
      %select_n3A_440 = arith.select %or3A, %broadcast_in_dim3A_437, %broadcast_in_dim3A_393 : vector<8x1xi1>, vector<8x1xi32>
      %iota3A_441 = tpu.iota {dimensions = array<i32: 1>} : vector<8x2048xi32>
      %add3A_442 = arith.constant 2048 : i32
      %add3A_443 = vector.broadcast %add3A_442 : i32 to vector<8x2048xi32>
      %add3A_444 = arith.addi %iota3A_441, %add3A_443 : vector<8x2048xi32>
      %get3A_445 = arith.constant 0 : index
      %get3A_446 = arith.constant 0 : index
      %get3A_447 = arith.constant 2048 : index
      %get3A_448 = vector.load %arg0[%get3A_445, %get3A_446, %get3A_447] : memref<8x3x16384xf32, #tpu.memory_space<vmem>>, vector<8x1x2048xf32>
      %get3A_449 = vector.shape_cast %get3A_448 : vector<8x1x2048xf32> to vector<8x2048xf32>
      %sub3A_450 = vector.broadcast %add3A_360 : vector<8x1xf32> to vector<8x2048xf32>
      %sub3A_451 = arith.subf %get3A_449, %sub3A_450 : vector<8x2048xf32>
      %get3A_452 = arith.constant 0 : index
      %get3A_453 = arith.constant 1 : index
      %get3A_454 = arith.constant 2048 : index
      %get3A_455 = vector.load %arg0[%get3A_452, %get3A_453, %get3A_454] : memref<8x3x16384xf32, #tpu.memory_space<vmem>>, vector<8x1x2048xf32>
      %get3A_456 = vector.shape_cast %get3A_455 : vector<8x1x2048xf32> to vector<8x2048xf32>
      %sub3A_457 = vector.broadcast %add3A_367 : vector<8x1xf32> to vector<8x2048xf32>
      %sub3A_458 = arith.subf %get3A_456, %sub3A_457 : vector<8x2048xf32>
      %get3A_459 = arith.constant 0 : index
      %get3A_460 = arith.constant 2 : index
      %get3A_461 = arith.constant 2048 : index
      %get3A_462 = vector.load %arg0[%get3A_459, %get3A_460, %get3A_461] : memref<8x3x16384xf32, #tpu.memory_space<vmem>>, vector<8x1x2048xf32>
      %get3A_463 = vector.shape_cast %get3A_462 : vector<8x1x2048xf32> to vector<8x2048xf32>
      %sub3A_464 = vector.broadcast %add3A_374 : vector<8x1xf32> to vector<8x2048xf32>
      %sub3A_465 = arith.subf %get3A_463, %sub3A_464 : vector<8x2048xf32>
      %mul3A_466 = arith.mulf %sub3A_451, %sub3A_451 : vector<8x2048xf32>
      %mul3A_467 = arith.mulf %sub3A_458, %sub3A_458 : vector<8x2048xf32>
      %add3A_468 = arith.addf %mul3A_466, %mul3A_467 : vector<8x2048xf32>
      %mul3A_469 = arith.mulf %sub3A_465, %sub3A_465 : vector<8x2048xf32>
      %add3A_470 = arith.addf %add3A_468, %mul3A_469 : vector<8x2048xf32>
      %get3A_471 = arith.constant 0 : index
      %get3A_472 = arith.constant 2048 : index
      %get3A_473 = vector.load %arg5[%get3A_471, %get3A_472] : memref<8x16384xf32, #tpu.memory_space<vmem>>, vector<8x2048xf32>
      %min3A_474 = arith.minimumf %get3A_473, %add3A_470 : vector<8x2048xf32>
      %swap3A_475 = arith.constant 0 : index
      %swap3A_476 = arith.constant 2048 : index
      %swap3A_477 = vector.load %arg5[%swap3A_475, %swap3A_476] : memref<8x16384xf32, #tpu.memory_space<vmem>>, vector<8x2048xf32>
      tpu.vector_store %arg5[%swap3A_475, %swap3A_476], %min3A_474 {strides = array<i32>} : memref<8x16384xf32, #tpu.memory_space<vmem>>, vector<8x2048xf32>,
      %reduce_max3A_478 = arith.constant dense<0xFF800000> : vector<8xf32>
      %reduce_max3A_479 = vector.multi_reduction <maximumf>, %min3A_474, %reduce_max3A_478 [1] : vector<8x2048xf32> to vector<8xf32>
      %broadcast_in_dim3A_480 = vector.shape_cast %reduce_max3A_479 : vector<8xf32> to vector<8x1xf32>
      %eq3A_481 = vector.broadcast %broadcast_in_dim3A_480 : vector<8x1xf32> to vector<8x2048xf32>
      %eq3A_482 = arith.cmpf oeq, %min3A_474, %eq3A_481 : vector<8x2048xf32>
      %jit3A_483 = arith.constant 16384 : i32
      %broadcast_in_dim3A_484 = vector.broadcast %jit3A_483 : i32 to vector<8x2048xi32>
      %select_n3A_485 = arith.select %eq3A_482, %add3A_444, %broadcast_in_dim3A_484 : vector<8x2048xi1>, vector<8x2048xi32>
      %reduce_min3A_486 = arith.constant dense<2147483647> : vector<8xi32>
      %reduce_min3A_487 = vector.multi_reduction <minsi>, %select_n3A_485, %reduce_min3A_486 [1] : vector<8x2048xi32> to vector<8xi32>
      %broadcast_in_dim3A_488 = vector.shape_cast %reduce_min3A_487 : vector<8xi32> to vector<8x1xi32>
      %gt3A_489 = arith.cmpf ogt, %broadcast_in_dim3A_480, %select_n3A_439 : vector<8x1xf32>
      %eq3A_490 = arith.cmpf oeq, %broadcast_in_dim3A_480, %select_n3A_439 : vector<8x1xf32>
      %lt3A_491 = arith.cmpi slt, %broadcast_in_dim3A_488, %select_n3A_440 : vector<8x1xi32>
      %and3A_492 = arith.andi %eq3A_490, %lt3A_491 : vector<8x1xi1>
      %or3A_493 = arith.ori %gt3A_489, %and3A_492 : vector<8x1xi1>
      %select_n3A_494 = arith.select %or3A_493, %broadcast_in_dim3A_480, %select_n3A_439 : vector<8x1xi1>, vector<8x1xf32>
      %select_n3A_495 = arith.select %or3A_493, %broadcast_in_dim3A_488, %select_n3A_440 : vector<8x1xi1>, vector<8x1xi32>
      %iota3A_496 = tpu.iota {dimensions = array<i32: 1>} : vector<8x2048xi32>
      %add3A_497 = arith.constant 4096 : i32
      %add3A_498 = vector.broadcast %add3A_497 : i32 to vector<8x2048xi32>
      %add3A_499 = arith.addi %iota3A_496, %add3A_498 : vector<8x2048xi32>
      %get3A_500 = arith.constant 0 : index
      %get3A_501 = arith.constant 0 : index
      %get3A_502 = arith.constant 4096 : index
      %get3A_503 = vector.load %arg0[%get3A_500, %get3A_501, %get3A_502] : memref<8x3x16384xf32, #tpu.memory_space<vmem>>, vector<8x1x2048xf32>
      %get3A_504 = vector.shape_cast %get3A_503 : vector<8x1x2048xf32> to vector<8x2048xf32>
      %sub3A_505 = vector.broadcast %add3A_360 : vector<8x1xf32> to vector<8x2048xf32>
      %sub3A_506 = arith.subf %get3A_504, %sub3A_505 : vector<8x2048xf32>
      %get3A_507 = arith.constant 0 : index
      %get3A_508 = arith.constant 1 : index
      %get3A_509 = arith.constant 4096 : index
      %get3A_510 = vector.load %arg0[%get3A_507, %get3A_508, %get3A_509] : memref<8x3x16384xf32, #tpu.memory_space<vmem>>, vector<8x1x2048xf32>
      %get3A_511 = vector.shape_cast %get3A_510 : vector<8x1x2048xf32> to vector<8x2048xf32>
      %sub3A_512 = vector.broadcast %add3A_367 : vector<8x1xf32> to vector<8x2048xf32>
      %sub3A_513 = arith.subf %get3A_511, %sub3A_512 : vector<8x2048xf32>
      %get3A_514 = arith.constant 0 : index
      %get3A_515 = arith.constant 2 : index
      %get3A_516 = arith.constant 4096 : index
      %get3A_517 = vector.load %arg0[%get3A_514, %get3A_515, %get3A_516] : memref<8x3x16384xf32, #tpu.memory_space<vmem>>, vector<8x1x2048xf32>
      %get3A_518 = vector.shape_cast %get3A_517 : vector<8x1x2048xf32> to vector<8x2048xf32>
      %sub3A_519 = vector.broadcast %add3A_374 : vector<8x1xf32> to vector<8x2048xf32>
      %sub3A_520 = arith.subf %get3A_518, %sub3A_519 : vector<8x2048xf32>
      %mul3A_521 = arith.mulf %sub3A_506, %sub3A_506 : vector<8x2048xf32>
      %mul3A_522 = arith.mulf %sub3A_513, %sub3A_513 : vector<8x2048xf32>
      %add3A_523 = arith.addf %mul3A_521, %mul3A_522 : vector<8x2048xf32>
      %mul3A_524 = arith.mulf %sub3A_520, %sub3A_520 : vector<8x2048xf32>
      %add3A_525 = arith.addf %add3A_523, %mul3A_524 : vector<8x2048xf32>
      %get3A_526 = arith.constant 0 : index
      %get3A_527 = arith.constant 4096 : index
      %get3A_528 = vector.load %arg5[%get3A_526, %get3A_527] : memref<8x16384xf32, #tpu.memory_space<vmem>>, vector<8x2048xf32>
      %min3A_529 = arith.minimumf %get3A_528, %add3A_525 : vector<8x2048xf32>
      %swap3A_530 = arith.constant 0 : index
      %swap3A_531 = arith.constant 4096 : index
      %swap3A_532 = vector.load %arg5[%swap3A_530, %swap3A_531] : memref<8x16384xf32, #tpu.memory_space<vmem>>, vector<8x2048xf32>
      tpu.vector_store %arg5[%swap3A_530, %swap3A_531], %min3A_529 {strides = array<i32>} : memref<8x16384xf32, #tpu.memory_space<vmem>>, vector<8x2048xf32>,
      %reduce_max3A_533 = arith.constant dense<0xFF800000> : vector<8xf32>
      %reduce_max3A_534 = vector.multi_reduction <maximumf>, %min3A_529, %reduce_max3A_533 [1] : vector<8x2048xf32> to vector<8xf32>
      %broadcast_in_dim3A_535 = vector.shape_cast %reduce_max3A_534 : vector<8xf32> to vector<8x1xf32>
      %eq3A_536 = vector.broadcast %broadcast_in_dim3A_535 : vector<8x1xf32> to vector<8x2048xf32>
      %eq3A_537 = arith.cmpf oeq, %min3A_529, %eq3A_536 : vector<8x2048xf32>
      %jit3A_538 = arith.constant 16384 : i32
      %broadcast_in_dim3A_539 = vector.broadcast %jit3A_538 : i32 to vector<8x2048xi32>
      %select_n3A_540 = arith.select %eq3A_537, %add3A_499, %broadcast_in_dim3A_539 : vector<8x2048xi1>, vector<8x2048xi32>
      %reduce_min3A_541 = arith.constant dense<2147483647> : vector<8xi32>
      %reduce_min3A_542 = vector.multi_reduction <minsi>, %select_n3A_540, %reduce_min3A_541 [1] : vector<8x2048xi32> to vector<8xi32>
      %broadcast_in_dim3A_543 = vector.shape_cast %reduce_min3A_542 : vector<8xi32> to vector<8x1xi32>
      %gt3A_544 = arith.cmpf ogt, %broadcast_in_dim3A_535, %select_n3A_494 : vector<8x1xf32>
      %eq3A_545 = arith.cmpf oeq, %broadcast_in_dim3A_535, %select_n3A_494 : vector<8x1xf32>
      %lt3A_546 = arith.cmpi slt, %broadcast_in_dim3A_543, %select_n3A_495 : vector<8x1xi32>
      %and3A_547 = arith.andi %eq3A_545, %lt3A_546 : vector<8x1xi1>
      %or3A_548 = arith.ori %gt3A_544, %and3A_547 : vector<8x1xi1>
      %select_n3A_549 = arith.select %or3A_548, %broadcast_in_dim3A_535, %select_n3A_494 : vector<8x1xi1>, vector<8x1xf32>
      %select_n3A_550 = arith.select %or3A_548, %broadcast_in_dim3A_543, %select_n3A_495 : vector<8x1xi1>, vector<8x1xi32>
      %iota3A_551 = tpu.iota {dimensions = array<i32: 1>} : vector<8x2048xi32>
      %add3A_552 = arith.constant 6144 : i32
      %add3A_553 = vector.broadcast %add3A_552 : i32 to vector<8x2048xi32>
      %add3A_554 = arith.addi %iota3A_551, %add3A_553 : vector<8x2048xi32>
      %get3A_555 = arith.constant 0 : index
      %get3A_556 = arith.constant 0 : index
      %get3A_557 = arith.constant 6144 : index
      %get3A_558 = vector.load %arg0[%get3A_555, %get3A_556, %get3A_557] : memref<8x3x16384xf32, #tpu.memory_space<vmem>>, vector<8x1x2048xf32>
      %get3A_559 = vector.shape_cast %get3A_558 : vector<8x1x2048xf32> to vector<8x2048xf32>
      %sub3A_560 = vector.broadcast %add3A_360 : vector<8x1xf32> to vector<8x2048xf32>
      %sub3A_561 = arith.subf %get3A_559, %sub3A_560 : vector<8x2048xf32>
      %get3A_562 = arith.constant 0 : index
      %get3A_563 = arith.constant 1 : index
      %get3A_564 = arith.constant 6144 : index
      %get3A_565 = vector.load %arg0[%get3A_562, %get3A_563, %get3A_564] : memref<8x3x16384xf32, #tpu.memory_space<vmem>>, vector<8x1x2048xf32>
      %get3A_566 = vector.shape_cast %get3A_565 : vector<8x1x2048xf32> to vector<8x2048xf32>
      %sub3A_567 = vector.broadcast %add3A_367 : vector<8x1xf32> to vector<8x2048xf32>
      %sub3A_568 = arith.subf %get3A_566, %sub3A_567 : vector<8x2048xf32>
      %get3A_569 = arith.constant 0 : index
      %get3A_570 = arith.constant 2 : index
      %get3A_571 = arith.constant 6144 : index
      %get3A_572 = vector.load %arg0[%get3A_569, %get3A_570, %get3A_571] : memref<8x3x16384xf32, #tpu.memory_space<vmem>>, vector<8x1x2048xf32>
      %get3A_573 = vector.shape_cast %get3A_572 : vector<8x1x2048xf32> to vector<8x2048xf32>
      %sub3A_574 = vector.broadcast %add3A_374 : vector<8x1xf32> to vector<8x2048xf32>
      %sub3A_575 = arith.subf %get3A_573, %sub3A_574 : vector<8x2048xf32>
      %mul3A_576 = arith.mulf %sub3A_561, %sub3A_561 : vector<8x2048xf32>
      %mul3A_577 = arith.mulf %sub3A_568, %sub3A_568 : vector<8x2048xf32>
      %add3A_578 = arith.addf %mul3A_576, %mul3A_577 : vector<8x2048xf32>
      %mul3A_579 = arith.mulf %sub3A_575, %sub3A_575 : vector<8x2048xf32>
      %add3A_580 = arith.addf %add3A_578, %mul3A_579 : vector<8x2048xf32>
      %get3A_581 = arith.constant 0 : index
      %get3A_582 = arith.constant 6144 : index
      %get3A_583 = vector.load %arg5[%get3A_581, %get3A_582] : memref<8x16384xf32, #tpu.memory_space<vmem>>, vector<8x2048xf32>
      %min3A_584 = arith.minimumf %get3A_583, %add3A_580 : vector<8x2048xf32>
      %swap3A_585 = arith.constant 0 : index
      %swap3A_586 = arith.constant 6144 : index
      %swap3A_587 = vector.load %arg5[%swap3A_585, %swap3A_586] : memref<8x16384xf32, #tpu.memory_space<vmem>>, vector<8x2048xf32>
      tpu.vector_store %arg5[%swap3A_585, %swap3A_586], %min3A_584 {strides = array<i32>} : memref<8x16384xf32, #tpu.memory_space<vmem>>, vector<8x2048xf32>,
      %reduce_max3A_588 = arith.constant dense<0xFF800000> : vector<8xf32>
      %reduce_max3A_589 = vector.multi_reduction <maximumf>, %min3A_584, %reduce_max3A_588 [1] : vector<8x2048xf32> to vector<8xf32>
      %broadcast_in_dim3A_590 = vector.shape_cast %reduce_max3A_589 : vector<8xf32> to vector<8x1xf32>
      %eq3A_591 = vector.broadcast %broadcast_in_dim3A_590 : vector<8x1xf32> to vector<8x2048xf32>
      %eq3A_592 = arith.cmpf oeq, %min3A_584, %eq3A_591 : vector<8x2048xf32>
      %jit3A_593 = arith.constant 16384 : i32
      %broadcast_in_dim3A_594 = vector.broadcast %jit3A_593 : i32 to vector<8x2048xi32>
      %select_n3A_595 = arith.select %eq3A_592, %add3A_554, %broadcast_in_dim3A_594 : vector<8x2048xi1>, vector<8x2048xi32>
      %reduce_min3A_596 = arith.constant dense<2147483647> : vector<8xi32>
      %reduce_min3A_597 = vector.multi_reduction <minsi>, %select_n3A_595, %reduce_min3A_596 [1] : vector<8x2048xi32> to vector<8xi32>
      %broadcast_in_dim3A_598 = vector.shape_cast %reduce_min3A_597 : vector<8xi32> to vector<8x1xi32>
      %gt3A_599 = arith.cmpf ogt, %broadcast_in_dim3A_590, %select_n3A_549 : vector<8x1xf32>
      %eq3A_600 = arith.cmpf oeq, %broadcast_in_dim3A_590, %select_n3A_549 : vector<8x1xf32>
      %lt3A_601 = arith.cmpi slt, %broadcast_in_dim3A_598, %select_n3A_550 : vector<8x1xi32>
      %and3A_602 = arith.andi %eq3A_600, %lt3A_601 : vector<8x1xi1>
      %or3A_603 = arith.ori %gt3A_599, %and3A_602 : vector<8x1xi1>
      %select_n3A_604 = arith.select %or3A_603, %broadcast_in_dim3A_590, %select_n3A_549 : vector<8x1xi1>, vector<8x1xf32>
      %select_n3A_605 = arith.select %or3A_603, %broadcast_in_dim3A_598, %select_n3A_550 : vector<8x1xi1>, vector<8x1xi32>
      %iota3A_606 = tpu.iota {dimensions = array<i32: 1>} : vector<8x2048xi32>
      %add3A_607 = arith.constant 8192 : i32
      %add3A_608 = vector.broadcast %add3A_607 : i32 to vector<8x2048xi32>
      %add3A_609 = arith.addi %iota3A_606, %add3A_608 : vector<8x2048xi32>
      %get3A_610 = arith.constant 0 : index
      %get3A_611 = arith.constant 0 : index
      %get3A_612 = arith.constant 8192 : index
      %get3A_613 = vector.load %arg0[%get3A_610, %get3A_611, %get3A_612] : memref<8x3x16384xf32, #tpu.memory_space<vmem>>, vector<8x1x2048xf32>
      %get3A_614 = vector.shape_cast %get3A_613 : vector<8x1x2048xf32> to vector<8x2048xf32>
      %sub3A_615 = vector.broadcast %add3A_360 : vector<8x1xf32> to vector<8x2048xf32>
      %sub3A_616 = arith.subf %get3A_614, %sub3A_615 : vector<8x2048xf32>
      %get3A_617 = arith.constant 0 : index
      %get3A_618 = arith.constant 1 : index
      %get3A_619 = arith.constant 8192 : index
      %get3A_620 = vector.load %arg0[%get3A_617, %get3A_618, %get3A_619] : memref<8x3x16384xf32, #tpu.memory_space<vmem>>, vector<8x1x2048xf32>
      %get3A_621 = vector.shape_cast %get3A_620 : vector<8x1x2048xf32> to vector<8x2048xf32>
      %sub3A_622 = vector.broadcast %add3A_367 : vector<8x1xf32> to vector<8x2048xf32>
      %sub3A_623 = arith.subf %get3A_621, %sub3A_622 : vector<8x2048xf32>
      %get3A_624 = arith.constant 0 : index
      %get3A_625 = arith.constant 2 : index
      %get3A_626 = arith.constant 8192 : index
      %get3A_627 = vector.load %arg0[%get3A_624, %get3A_625, %get3A_626] : memref<8x3x16384xf32, #tpu.memory_space<vmem>>, vector<8x1x2048xf32>
      %get3A_628 = vector.shape_cast %get3A_627 : vector<8x1x2048xf32> to vector<8x2048xf32>
      %sub3A_629 = vector.broadcast %add3A_374 : vector<8x1xf32> to vector<8x2048xf32>
      %sub3A_630 = arith.subf %get3A_628, %sub3A_629 : vector<8x2048xf32>
      %mul3A_631 = arith.mulf %sub3A_616, %sub3A_616 : vector<8x2048xf32>
      %mul3A_632 = arith.mulf %sub3A_623, %sub3A_623 : vector<8x2048xf32>
      %add3A_633 = arith.addf %mul3A_631, %mul3A_632 : vector<8x2048xf32>
      %mul3A_634 = arith.mulf %sub3A_630, %sub3A_630 : vector<8x2048xf32>
      %add3A_635 = arith.addf %add3A_633, %mul3A_634 : vector<8x2048xf32>
      %get3A_636 = arith.constant 0 : index
      %get3A_637 = arith.constant 8192 : index
      %get3A_638 = vector.load %arg5[%get3A_636, %get3A_637] : memref<8x16384xf32, #tpu.memory_space<vmem>>, vector<8x2048xf32>
      %min3A_639 = arith.minimumf %get3A_638, %add3A_635 : vector<8x2048xf32>
      %swap3A_640 = arith.constant 0 : index
      %swap3A_641 = arith.constant 8192 : index
      %swap3A_642 = vector.load %arg5[%swap3A_640, %swap3A_641] : memref<8x16384xf32, #tpu.memory_space<vmem>>, vector<8x2048xf32>
      tpu.vector_store %arg5[%swap3A_640, %swap3A_641], %min3A_639 {strides = array<i32>} : memref<8x16384xf32, #tpu.memory_space<vmem>>, vector<8x2048xf32>,
      %reduce_max3A_643 = arith.constant dense<0xFF800000> : vector<8xf32>
      %reduce_max3A_644 = vector.multi_reduction <maximumf>, %min3A_639, %reduce_max3A_643 [1] : vector<8x2048xf32> to vector<8xf32>
      %broadcast_in_dim3A_645 = vector.shape_cast %reduce_max3A_644 : vector<8xf32> to vector<8x1xf32>
      %eq3A_646 = vector.broadcast %broadcast_in_dim3A_645 : vector<8x1xf32> to vector<8x2048xf32>
      %eq3A_647 = arith.cmpf oeq, %min3A_639, %eq3A_646 : vector<8x2048xf32>
      %jit3A_648 = arith.constant 16384 : i32
      %broadcast_in_dim3A_649 = vector.broadcast %jit3A_648 : i32 to vector<8x2048xi32>
      %select_n3A_650 = arith.select %eq3A_647, %add3A_609, %broadcast_in_dim3A_649 : vector<8x2048xi1>, vector<8x2048xi32>
      %reduce_min3A_651 = arith.constant dense<2147483647> : vector<8xi32>
      %reduce_min3A_652 = vector.multi_reduction <minsi>, %select_n3A_650, %reduce_min3A_651 [1] : vector<8x2048xi32> to vector<8xi32>
      %broadcast_in_dim3A_653 = vector.shape_cast %reduce_min3A_652 : vector<8xi32> to vector<8x1xi32>
      %gt3A_654 = arith.cmpf ogt, %broadcast_in_dim3A_645, %select_n3A_604 : vector<8x1xf32>
      %eq3A_655 = arith.cmpf oeq, %broadcast_in_dim3A_645, %select_n3A_604 : vector<8x1xf32>
      %lt3A_656 = arith.cmpi slt, %broadcast_in_dim3A_653, %select_n3A_605 : vector<8x1xi32>
      %and3A_657 = arith.andi %eq3A_655, %lt3A_656 : vector<8x1xi1>
      %or3A_658 = arith.ori %gt3A_654, %and3A_657 : vector<8x1xi1>
      %select_n3A_659 = arith.select %or3A_658, %broadcast_in_dim3A_645, %select_n3A_604 : vector<8x1xi1>, vector<8x1xf32>
      %select_n3A_660 = arith.select %or3A_658, %broadcast_in_dim3A_653, %select_n3A_605 : vector<8x1xi1>, vector<8x1xi32>
      %iota3A_661 = tpu.iota {dimensions = array<i32: 1>} : vector<8x2048xi32>
      %add3A_662 = arith.constant 10240 : i32
      %add3A_663 = vector.broadcast %add3A_662 : i32 to vector<8x2048xi32>
      %add3A_664 = arith.addi %iota3A_661, %add3A_663 : vector<8x2048xi32>
      %get3A_665 = arith.constant 0 : index
      %get3A_666 = arith.constant 0 : index
      %get3A_667 = arith.constant 10240 : index
      %get3A_668 = vector.load %arg0[%get3A_665, %get3A_666, %get3A_667] : memref<8x3x16384xf32, #tpu.memory_space<vmem>>, vector<8x1x2048xf32>
      %get3A_669 = vector.shape_cast %get3A_668 : vector<8x1x2048xf32> to vector<8x2048xf32>
      %sub3A_670 = vector.broadcast %add3A_360 : vector<8x1xf32> to vector<8x2048xf32>
      %sub3A_671 = arith.subf %get3A_669, %sub3A_670 : vector<8x2048xf32>
      %get3A_672 = arith.constant 0 : index
      %get3A_673 = arith.constant 1 : index
      %get3A_674 = arith.constant 10240 : index
      %get3A_675 = vector.load %arg0[%get3A_672, %get3A_673, %get3A_674] : memref<8x3x16384xf32, #tpu.memory_space<vmem>>, vector<8x1x2048xf32>
      %get3A_676 = vector.shape_cast %get3A_675 : vector<8x1x2048xf32> to vector<8x2048xf32>
      %sub3A_677 = vector.broadcast %add3A_367 : vector<8x1xf32> to vector<8x2048xf32>
      %sub3A_678 = arith.subf %get3A_676, %sub3A_677 : vector<8x2048xf32>
      %get3A_679 = arith.constant 0 : index
      %get3A_680 = arith.constant 2 : index
      %get3A_681 = arith.constant 10240 : index
      %get3A_682 = vector.load %arg0[%get3A_679, %get3A_680, %get3A_681] : memref<8x3x16384xf32, #tpu.memory_space<vmem>>, vector<8x1x2048xf32>
      %get3A_683 = vector.shape_cast %get3A_682 : vector<8x1x2048xf32> to vector<8x2048xf32>
      %sub3A_684 = vector.broadcast %add3A_374 : vector<8x1xf32> to vector<8x2048xf32>
      %sub3A_685 = arith.subf %get3A_683, %sub3A_684 : vector<8x2048xf32>
      %mul3A_686 = arith.mulf %sub3A_671, %sub3A_671 : vector<8x2048xf32>
      %mul3A_687 = arith.mulf %sub3A_678, %sub3A_678 : vector<8x2048xf32>
      %add3A_688 = arith.addf %mul3A_686, %mul3A_687 : vector<8x2048xf32>
      %mul3A_689 = arith.mulf %sub3A_685, %sub3A_685 : vector<8x2048xf32>
      %add3A_690 = arith.addf %add3A_688, %mul3A_689 : vector<8x2048xf32>
      %get3A_691 = arith.constant 0 : index
      %get3A_692 = arith.constant 10240 : index
      %get3A_693 = vector.load %arg5[%get3A_691, %get3A_692] : memref<8x16384xf32, #tpu.memory_space<vmem>>, vector<8x2048xf32>
      %min3A_694 = arith.minimumf %get3A_693, %add3A_690 : vector<8x2048xf32>
      %swap3A_695 = arith.constant 0 : index
      %swap3A_696 = arith.constant 10240 : index
      %swap3A_697 = vector.load %arg5[%swap3A_695, %swap3A_696] : memref<8x16384xf32, #tpu.memory_space<vmem>>, vector<8x2048xf32>
      tpu.vector_store %arg5[%swap3A_695, %swap3A_696], %min3A_694 {strides = array<i32>} : memref<8x16384xf32, #tpu.memory_space<vmem>>, vector<8x2048xf32>,
      %reduce_max3A_698 = arith.constant dense<0xFF800000> : vector<8xf32>
      %reduce_max3A_699 = vector.multi_reduction <maximumf>, %min3A_694, %reduce_max3A_698 [1] : vector<8x2048xf32> to vector<8xf32>
      %broadcast_in_dim3A_700 = vector.shape_cast %reduce_max3A_699 : vector<8xf32> to vector<8x1xf32>
      %eq3A_701 = vector.broadcast %broadcast_in_dim3A_700 : vector<8x1xf32> to vector<8x2048xf32>
      %eq3A_702 = arith.cmpf oeq, %min3A_694, %eq3A_701 : vector<8x2048xf32>
      %jit3A_703 = arith.constant 16384 : i32
      %broadcast_in_dim3A_704 = vector.broadcast %jit3A_703 : i32 to vector<8x2048xi32>
      %select_n3A_705 = arith.select %eq3A_702, %add3A_664, %broadcast_in_dim3A_704 : vector<8x2048xi1>, vector<8x2048xi32>
      %reduce_min3A_706 = arith.constant dense<2147483647> : vector<8xi32>
      %reduce_min3A_707 = vector.multi_reduction <minsi>, %select_n3A_705, %reduce_min3A_706 [1] : vector<8x2048xi32> to vector<8xi32>
      %broadcast_in_dim3A_708 = vector.shape_cast %reduce_min3A_707 : vector<8xi32> to vector<8x1xi32>
      %gt3A_709 = arith.cmpf ogt, %broadcast_in_dim3A_700, %select_n3A_659 : vector<8x1xf32>
      %eq3A_710 = arith.cmpf oeq, %broadcast_in_dim3A_700, %select_n3A_659 : vector<8x1xf32>
      %lt3A_711 = arith.cmpi slt, %broadcast_in_dim3A_708, %select_n3A_660 : vector<8x1xi32>
      %and3A_712 = arith.andi %eq3A_710, %lt3A_711 : vector<8x1xi1>
      %or3A_713 = arith.ori %gt3A_709, %and3A_712 : vector<8x1xi1>
      %select_n3A_714 = arith.select %or3A_713, %broadcast_in_dim3A_700, %select_n3A_659 : vector<8x1xi1>, vector<8x1xf32>
      %select_n3A_715 = arith.select %or3A_713, %broadcast_in_dim3A_708, %select_n3A_660 : vector<8x1xi1>, vector<8x1xi32>
      %iota3A_716 = tpu.iota {dimensions = array<i32: 1>} : vector<8x2048xi32>
      %add3A_717 = arith.constant 12288 : i32
      %add3A_718 = vector.broadcast %add3A_717 : i32 to vector<8x2048xi32>
      %add3A_719 = arith.addi %iota3A_716, %add3A_718 : vector<8x2048xi32>
      %get3A_720 = arith.constant 0 : index
      %get3A_721 = arith.constant 0 : index
      %get3A_722 = arith.constant 12288 : index
      %get3A_723 = vector.load %arg0[%get3A_720, %get3A_721, %get3A_722] : memref<8x3x16384xf32, #tpu.memory_space<vmem>>, vector<8x1x2048xf32>
      %get3A_724 = vector.shape_cast %get3A_723 : vector<8x1x2048xf32> to vector<8x2048xf32>
      %sub3A_725 = vector.broadcast %add3A_360 : vector<8x1xf32> to vector<8x2048xf32>
      %sub3A_726 = arith.subf %get3A_724, %sub3A_725 : vector<8x2048xf32>
      %get3A_727 = arith.constant 0 : index
      %get3A_728 = arith.constant 1 : index
      %get3A_729 = arith.constant 12288 : index
      %get3A_730 = vector.load %arg0[%get3A_727, %get3A_728, %get3A_729] : memref<8x3x16384xf32, #tpu.memory_space<vmem>>, vector<8x1x2048xf32>
      %get3A_731 = vector.shape_cast %get3A_730 : vector<8x1x2048xf32> to vector<8x2048xf32>
      %sub3A_732 = vector.broadcast %add3A_367 : vector<8x1xf32> to vector<8x2048xf32>
      %sub3A_733 = arith.subf %get3A_731, %sub3A_732 : vector<8x2048xf32>
      %get3A_734 = arith.constant 0 : index
      %get3A_735 = arith.constant 2 : index
      %get3A_736 = arith.constant 12288 : index
      %get3A_737 = vector.load %arg0[%get3A_734, %get3A_735, %get3A_736] : memref<8x3x16384xf32, #tpu.memory_space<vmem>>, vector<8x1x2048xf32>
      %get3A_738 = vector.shape_cast %get3A_737 : vector<8x1x2048xf32> to vector<8x2048xf32>
      %sub3A_739 = vector.broadcast %add3A_374 : vector<8x1xf32> to vector<8x2048xf32>
      %sub3A_740 = arith.subf %get3A_738, %sub3A_739 : vector<8x2048xf32>
      %mul3A_741 = arith.mulf %sub3A_726, %sub3A_726 : vector<8x2048xf32>
      %mul3A_742 = arith.mulf %sub3A_733, %sub3A_733 : vector<8x2048xf32>
      %add3A_743 = arith.addf %mul3A_741, %mul3A_742 : vector<8x2048xf32>
      %mul3A_744 = arith.mulf %sub3A_740, %sub3A_740 : vector<8x2048xf32>
      %add3A_745 = arith.addf %add3A_743, %mul3A_744 : vector<8x2048xf32>
      %get3A_746 = arith.constant 0 : index
      %get3A_747 = arith.constant 12288 : index
      %get3A_748 = vector.load %arg5[%get3A_746, %get3A_747] : memref<8x16384xf32, #tpu.memory_space<vmem>>, vector<8x2048xf32>
      %min3A_749 = arith.minimumf %get3A_748, %add3A_745 : vector<8x2048xf32>
      %swap3A_750 = arith.constant 0 : index
      %swap3A_751 = arith.constant 12288 : index
      %swap3A_752 = vector.load %arg5[%swap3A_750, %swap3A_751] : memref<8x16384xf32, #tpu.memory_space<vmem>>, vector<8x2048xf32>
      tpu.vector_store %arg5[%swap3A_750, %swap3A_751], %min3A_749 {strides = array<i32>} : memref<8x16384xf32, #tpu.memory_space<vmem>>, vector<8x2048xf32>,
      %reduce_max3A_753 = arith.constant dense<0xFF800000> : vector<8xf32>
      %reduce_max3A_754 = vector.multi_reduction <maximumf>, %min3A_749, %reduce_max3A_753 [1] : vector<8x2048xf32> to vector<8xf32>
      %broadcast_in_dim3A_755 = vector.shape_cast %reduce_max3A_754 : vector<8xf32> to vector<8x1xf32>
      %eq3A_756 = vector.broadcast %broadcast_in_dim3A_755 : vector<8x1xf32> to vector<8x2048xf32>
      %eq3A_757 = arith.cmpf oeq, %min3A_749, %eq3A_756 : vector<8x2048xf32>
      %jit3A_758 = arith.constant 16384 : i32
      %broadcast_in_dim3A_759 = vector.broadcast %jit3A_758 : i32 to vector<8x2048xi32>
      %select_n3A_760 = arith.select %eq3A_757, %add3A_719, %broadcast_in_dim3A_759 : vector<8x2048xi1>, vector<8x2048xi32>
      %reduce_min3A_761 = arith.constant dense<2147483647> : vector<8xi32>
      %reduce_min3A_762 = vector.multi_reduction <minsi>, %select_n3A_760, %reduce_min3A_761 [1] : vector<8x2048xi32> to vector<8xi32>
      %broadcast_in_dim3A_763 = vector.shape_cast %reduce_min3A_762 : vector<8xi32> to vector<8x1xi32>
      %gt3A_764 = arith.cmpf ogt, %broadcast_in_dim3A_755, %select_n3A_714 : vector<8x1xf32>
      %eq3A_765 = arith.cmpf oeq, %broadcast_in_dim3A_755, %select_n3A_714 : vector<8x1xf32>
      %lt3A_766 = arith.cmpi slt, %broadcast_in_dim3A_763, %select_n3A_715 : vector<8x1xi32>
      %and3A_767 = arith.andi %eq3A_765, %lt3A_766 : vector<8x1xi1>
      %or3A_768 = arith.ori %gt3A_764, %and3A_767 : vector<8x1xi1>
      %select_n3A_769 = arith.select %or3A_768, %broadcast_in_dim3A_755, %select_n3A_714 : vector<8x1xi1>, vector<8x1xf32>
      %select_n3A_770 = arith.select %or3A_768, %broadcast_in_dim3A_763, %select_n3A_715 : vector<8x1xi1>, vector<8x1xi32>
      %iota3A_771 = tpu.iota {dimensions = array<i32: 1>} : vector<8x2048xi32>
      %add3A_772 = arith.constant 14336 : i32
      %add3A_773 = vector.broadcast %add3A_772 : i32 to vector<8x2048xi32>
      %add3A_774 = arith.addi %iota3A_771, %add3A_773 : vector<8x2048xi32>
      %get3A_775 = arith.constant 0 : index
      %get3A_776 = arith.constant 0 : index
      %get3A_777 = arith.constant 14336 : index
      %get3A_778 = vector.load %arg0[%get3A_775, %get3A_776, %get3A_777] : memref<8x3x16384xf32, #tpu.memory_space<vmem>>, vector<8x1x2048xf32>
      %get3A_779 = vector.shape_cast %get3A_778 : vector<8x1x2048xf32> to vector<8x2048xf32>
      %sub3A_780 = vector.broadcast %add3A_360 : vector<8x1xf32> to vector<8x2048xf32>
      %sub3A_781 = arith.subf %get3A_779, %sub3A_780 : vector<8x2048xf32>
      %get3A_782 = arith.constant 0 : index
      %get3A_783 = arith.constant 1 : index
      %get3A_784 = arith.constant 14336 : index
      %get3A_785 = vector.load %arg0[%get3A_782, %get3A_783, %get3A_784] : memref<8x3x16384xf32, #tpu.memory_space<vmem>>, vector<8x1x2048xf32>
      %get3A_786 = vector.shape_cast %get3A_785 : vector<8x1x2048xf32> to vector<8x2048xf32>
      %sub3A_787 = vector.broadcast %add3A_367 : vector<8x1xf32> to vector<8x2048xf32>
      %sub3A_788 = arith.subf %get3A_786, %sub3A_787 : vector<8x2048xf32>
      %get3A_789 = arith.constant 0 : index
      %get3A_790 = arith.constant 2 : index
      %get3A_791 = arith.constant 14336 : index
      %get3A_792 = vector.load %arg0[%get3A_789, %get3A_790, %get3A_791] : memref<8x3x16384xf32, #tpu.memory_space<vmem>>, vector<8x1x2048xf32>
      %get3A_793 = vector.shape_cast %get3A_792 : vector<8x1x2048xf32> to vector<8x2048xf32>
      %sub3A_794 = vector.broadcast %add3A_374 : vector<8x1xf32> to vector<8x2048xf32>
      %sub3A_795 = arith.subf %get3A_793, %sub3A_794 : vector<8x2048xf32>
      %mul3A_796 = arith.mulf %sub3A_781, %sub3A_781 : vector<8x2048xf32>
      %mul3A_797 = arith.mulf %sub3A_788, %sub3A_788 : vector<8x2048xf32>
      %add3A_798 = arith.addf %mul3A_796, %mul3A_797 : vector<8x2048xf32>
      %mul3A_799 = arith.mulf %sub3A_795, %sub3A_795 : vector<8x2048xf32>
      %add3A_800 = arith.addf %add3A_798, %mul3A_799 : vector<8x2048xf32>
      %get3A_801 = arith.constant 0 : index
      %get3A_802 = arith.constant 14336 : index
      %get3A_803 = vector.load %arg5[%get3A_801, %get3A_802] : memref<8x16384xf32, #tpu.memory_space<vmem>>, vector<8x2048xf32>
      %min3A_804 = arith.minimumf %get3A_803, %add3A_800 : vector<8x2048xf32>
      %swap3A_805 = arith.constant 0 : index
      %swap3A_806 = arith.constant 14336 : index
      %swap3A_807 = vector.load %arg5[%swap3A_805, %swap3A_806] : memref<8x16384xf32, #tpu.memory_space<vmem>>, vector<8x2048xf32>
      tpu.vector_store %arg5[%swap3A_805, %swap3A_806], %min3A_804 {strides = array<i32>} : memref<8x16384xf32, #tpu.memory_space<vmem>>, vector<8x2048xf32>,
      %reduce_max3A_808 = arith.constant dense<0xFF800000> : vector<8xf32>
      %reduce_max3A_809 = vector.multi_reduction <maximumf>, %min3A_804, %reduce_max3A_808 [1] : vector<8x2048xf32> to vector<8xf32>
      %broadcast_in_dim3A_810 = vector.shape_cast %reduce_max3A_809 : vector<8xf32> to vector<8x1xf32>
      %eq3A_811 = vector.broadcast %broadcast_in_dim3A_810 : vector<8x1xf32> to vector<8x2048xf32>
      %eq3A_812 = arith.cmpf oeq, %min3A_804, %eq3A_811 : vector<8x2048xf32>
      %jit3A_813 = arith.constant 16384 : i32
      %broadcast_in_dim3A_814 = vector.broadcast %jit3A_813 : i32 to vector<8x2048xi32>
      %select_n3A_815 = arith.select %eq3A_812, %add3A_774, %broadcast_in_dim3A_814 : vector<8x2048xi1>, vector<8x2048xi32>
      %reduce_min3A_816 = arith.constant dense<2147483647> : vector<8xi32>
      %reduce_min3A_817 = vector.multi_reduction <minsi>, %select_n3A_815, %reduce_min3A_816 [1] : vector<8x2048xi32> to vector<8xi32>
      %broadcast_in_dim3A_818 = vector.shape_cast %reduce_min3A_817 : vector<8xi32> to vector<8x1xi32>
      %gt3A_819 = arith.cmpf ogt, %broadcast_in_dim3A_810, %select_n3A_769 : vector<8x1xf32>
      %eq3A_820 = arith.cmpf oeq, %broadcast_in_dim3A_810, %select_n3A_769 : vector<8x1xf32>
      %lt3A_821 = arith.cmpi slt, %broadcast_in_dim3A_818, %select_n3A_770 : vector<8x1xi32>
      %and3A_822 = arith.andi %eq3A_820, %lt3A_821 : vector<8x1xi1>
      %or3A_823 = arith.ori %gt3A_819, %and3A_822 : vector<8x1xi1>
      %select_n3A_824 = arith.select %or3A_823, %broadcast_in_dim3A_818, %select_n3A_770 : vector<8x1xi1>, vector<8x1xi32>
      scf.yield %select_n3A_824, %select_n3A_380, %select_n3A_383, %select_n3A_386, %select_n3A_389 : vector<8x1xi32>, vector<8x64xi32>, vector<8x64xf32>, vector<8x64xf32>, vector<8x64xf32>
    }
    %scan3A_20 = arith.constant 64 : i32
    %swap3A_21 = arith.constant 0 : index
    %swap3A_22 = arith.constant 0 : index
    %swap3A_23 = vector.load %arg1[%swap3A_21, %swap3A_22] : memref<8x64xi32, #tpu.memory_space<vmem>>, vector<8x64xi32>
    tpu.vector_store %arg1[%swap3A_21, %swap3A_22], %scan3A_19#1 {strides = array<i32>} : memref<8x64xi32, #tpu.memory_space<vmem>>, vector<8x64xi32>,
    %swap3A_24 = arith.constant 0 : index
    %swap3A_25 = arith.constant 0 : index
    %swap3A_26 = vector.load %arg2[%swap3A_24, %swap3A_25] : memref<8x64xf32, #tpu.memory_space<vmem>>, vector<8x64xf32>
    tpu.vector_store %arg2[%swap3A_24, %swap3A_25], %scan3A_19#2 {strides = array<i32>} : memref<8x64xf32, #tpu.memory_space<vmem>>, vector<8x64xf32>,
    %swap3A_27 = arith.constant 0 : index
    %swap3A_28 = arith.constant 0 : index
    %swap3A_29 = vector.load %arg3[%swap3A_27, %swap3A_28] : memref<8x64xf32, #tpu.memory_space<vmem>>, vector<8x64xf32>
    tpu.vector_store %arg3[%swap3A_27, %swap3A_28], %scan3A_19#3 {strides = array<i32>} : memref<8x64xf32, #tpu.memory_space<vmem>>, vector<8x64xf32>,
    %swap3A_30 = arith.constant 0 : index
    %swap3A_31 = arith.constant 0 : index
    %swap3A_32 = vector.load %arg4[%swap3A_30, %swap3A_31] : memref<8x64xf32, #tpu.memory_space<vmem>>, vector<8x64xf32>
    tpu.vector_store %arg4[%swap3A_30, %swap3A_31], %scan3A_19#4 {strides = array<i32>} : memref<8x64xf32, #tpu.memory_space<vmem>>, vector<8x64xf32>,
    return
  }
}

module attributes {stable_mosaic.version = 14 : i64} {
  func.func @_bq_body(%arg0: i32, %arg1: memref<1x8x16384xf32, #tpu.memory_space<vmem>>, %arg2: memref<1x64x3xf32, #tpu.memory_space<vmem>>, %arg3: memref<1x3x64xf32, #tpu.memory_space<vmem>>, %arg4: memref<1x64x1xi32, #tpu.memory_space<vmem>>, %arg5: memref<1x64x8xi32, #tpu.memory_space<vmem>>, %arg6: memref<1x3x64xf32, #tpu.memory_space<vmem>>, %arg7: memref<1x3x64xf32, #tpu.memory_space<vmem>>, %arg8: memref<1x3x64xf32, #tpu.memory_space<vmem>>) attributes {dimension_semantics = [#tpu.dimension_semantics<arbitrary>], iteration_bounds = array<i64: 8>, scalar_prefetch = 0 : i64, scratch_operands = 0 : i64, tpu.core_type = #tpu.core_type<tc>, window_params = [{transform_indices = @transform_0, window_bounds = array<i64: 1, 8, 16384>}, {transform_indices = @transform_1, window_bounds = array<i64: 1, 64, 3>}, {transform_indices = @transform_2, window_bounds = array<i64: 1, 3, 64>}, {transform_indices = @transform_3, window_bounds = array<i64: 1, 64, 1>}, {transform_indices = @transform_4, window_bounds = array<i64: 1, 64, 8>}, {transform_indices = @transform_5, window_bounds = array<i64: 1, 3, 64>}, {transform_indices = @transform_6, window_bounds = array<i64: 1, 3, 64>}, {transform_indices = @transform_7, window_bounds = array<i64: 1, 3, 64>}]} {
    %get3A = arith.constant 0 : index
    %get3A_0 = arith.constant 0 : index
    %get3A_1 = arith.constant 0 : index
    %get3A_2 = vector.load %arg1[%get3A, %get3A_0, %get3A_1] : memref<1x8x16384xf32, #tpu.memory_space<vmem>>, vector<1x1x16384xf32>
    %get3A_3 = vector.shape_cast %get3A_2 : vector<1x1x16384xf32> to vector<1x16384xf32>
    %get3A_4 = arith.constant 0 : index
    %get3A_5 = arith.constant 1 : index
    %get3A_6 = arith.constant 0 : index
    %get3A_7 = vector.load %arg1[%get3A_4, %get3A_5, %get3A_6] : memref<1x8x16384xf32, #tpu.memory_space<vmem>>, vector<1x1x16384xf32>
    %get3A_8 = vector.shape_cast %get3A_7 : vector<1x1x16384xf32> to vector<1x16384xf32>
    %get3A_9 = arith.constant 0 : index
    %get3A_10 = arith.constant 2 : index
    %get3A_11 = arith.constant 0 : index
    %get3A_12 = vector.load %arg1[%get3A_9, %get3A_10, %get3A_11] : memref<1x8x16384xf32, #tpu.memory_space<vmem>>, vector<1x1x16384xf32>
    %get3A_13 = vector.shape_cast %get3A_12 : vector<1x1x16384xf32> to vector<1x16384xf32>
    %get3A_14 = arith.constant 0 : index
    %get3A_15 = arith.constant 0 : index
    %get3A_16 = arith.constant 0 : index
    %get3A_17 = vector.load %arg2[%get3A_14, %get3A_15, %get3A_16] : memref<1x64x3xf32, #tpu.memory_space<vmem>>, vector<1x64x1xf32>
    %get3A_18 = vector.shape_cast %get3A_17 : vector<1x64x1xf32> to vector<64x1xf32>
    %get3A_19 = arith.constant 0 : index
    %get3A_20 = arith.constant 0 : index
    %get3A_21 = arith.constant 1 : index
    %get3A_22 = vector.load %arg2[%get3A_19, %get3A_20, %get3A_21] : memref<1x64x3xf32, #tpu.memory_space<vmem>>, vector<1x64x1xf32>
    %get3A_23 = vector.shape_cast %get3A_22 : vector<1x64x1xf32> to vector<64x1xf32>
    %get3A_24 = arith.constant 0 : index
    %get3A_25 = arith.constant 0 : index
    %get3A_26 = arith.constant 2 : index
    %get3A_27 = vector.load %arg2[%get3A_24, %get3A_25, %get3A_26] : memref<1x64x3xf32, #tpu.memory_space<vmem>>, vector<1x64x1xf32>
    %get3A_28 = vector.shape_cast %get3A_27 : vector<1x64x1xf32> to vector<64x1xf32>
    %sub3A = vector.broadcast %get3A_18 : vector<64x1xf32> to vector<64x16384xf32>
    %sub3A_29 = vector.broadcast %get3A_3 : vector<1x16384xf32> to vector<64x16384xf32>
    %sub3A_30 = arith.subf %sub3A, %sub3A_29 : vector<64x16384xf32>
    %sub3A_31 = vector.broadcast %get3A_23 : vector<64x1xf32> to vector<64x16384xf32>
    %sub3A_32 = vector.broadcast %get3A_8 : vector<1x16384xf32> to vector<64x16384xf32>
    %sub3A_33 = arith.subf %sub3A_31, %sub3A_32 : vector<64x16384xf32>
    %sub3A_34 = vector.broadcast %get3A_28 : vector<64x1xf32> to vector<64x16384xf32>
    %sub3A_35 = vector.broadcast %get3A_13 : vector<1x16384xf32> to vector<64x16384xf32>
    %sub3A_36 = arith.subf %sub3A_34, %sub3A_35 : vector<64x16384xf32>
    %mul3A = arith.mulf %sub3A_30, %sub3A_30 : vector<64x16384xf32>
    %mul3A_37 = arith.mulf %sub3A_33, %sub3A_33 : vector<64x16384xf32>
    %add3A = arith.addf %mul3A, %mul3A_37 : vector<64x16384xf32>
    %mul3A_38 = arith.mulf %sub3A_36, %sub3A_36 : vector<64x16384xf32>
    %add3A_39 = arith.addf %add3A, %mul3A_38 : vector<64x16384xf32>
    %lt3A = arith.constant 1.600000e+01 : f32
    %lt3A_40 = vector.broadcast %lt3A : f32 to vector<64x16384xf32>
    %lt3A_41 = arith.cmpf olt, %add3A_39, %lt3A_40 : vector<64x16384xf32>
    %iota3A = tpu.iota {dimensions = array<i32: 1>} : vector<64x16384xi32>
    %convert_element_type3A = arith.extui %lt3A_41 : vector<64x16384xi1> to vector<64x16384xi32>
    %reduce_sum3A = arith.constant dense<0> : vector<64xi32>
    %reduce_sum3A_42 = vector.multi_reduction <add>, %convert_element_type3A, %reduce_sum3A [1] : vector<64x16384xi32> to vector<64xi32>
    %broadcast_in_dim3A = vector.shape_cast %reduce_sum3A_42 : vector<64xi32> to vector<64x1xi32>
    %jit3A = arith.constant 1073741824 : i32
    %broadcast_in_dim3A_43 = vector.broadcast %jit3A : i32 to vector<64x16384xi32>
    %select_n3A = arith.select %lt3A_41, %iota3A, %broadcast_in_dim3A_43 : vector<64x16384xi1>, vector<64x16384xi32>
    %reduce_min3A = arith.constant dense<2147483647> : vector<64xi32>
    %reduce_min3A_44 = vector.multi_reduction <minsi>, %select_n3A, %reduce_min3A [1] : vector<64x16384xi32> to vector<64xi32>
    %broadcast_in_dim3A_45 = vector.shape_cast %reduce_min3A_44 : vector<64xi32> to vector<64x1xi32>
    %eq3A = vector.broadcast %broadcast_in_dim3A_45 : vector<64x1xi32> to vector<64x16384xi32>
    %eq3A_46 = arith.cmpi eq, %select_n3A, %eq3A : vector<64x16384xi32>
    %jit3A_47 = arith.constant 1073741824 : i32
    %broadcast_in_dim3A_48 = vector.broadcast %jit3A_47 : i32 to vector<64x16384xi32>
    %select_n3A_49 = arith.select %eq3A_46, %broadcast_in_dim3A_48, %select_n3A : vector<64x16384xi1>, vector<64x16384xi32>
    %reduce_min3A_50 = arith.constant dense<2147483647> : vector<64xi32>
    %reduce_min3A_51 = vector.multi_reduction <minsi>, %select_n3A_49, %reduce_min3A_50 [1] : vector<64x16384xi32> to vector<64xi32>
    %broadcast_in_dim3A_52 = vector.shape_cast %reduce_min3A_51 : vector<64xi32> to vector<64x1xi32>
    %eq3A_53 = vector.broadcast %broadcast_in_dim3A_52 : vector<64x1xi32> to vector<64x16384xi32>
    %eq3A_54 = arith.cmpi eq, %select_n3A_49, %eq3A_53 : vector<64x16384xi32>
    %jit3A_55 = arith.constant 1073741824 : i32
    %broadcast_in_dim3A_56 = vector.broadcast %jit3A_55 : i32 to vector<64x16384xi32>
    %select_n3A_57 = arith.select %eq3A_54, %broadcast_in_dim3A_56, %select_n3A_49 : vector<64x16384xi1>, vector<64x16384xi32>
    %reduce_min3A_58 = arith.constant dense<2147483647> : vector<64xi32>
    %reduce_min3A_59 = vector.multi_reduction <minsi>, %select_n3A_57, %reduce_min3A_58 [1] : vector<64x16384xi32> to vector<64xi32>
    %broadcast_in_dim3A_60 = vector.shape_cast %reduce_min3A_59 : vector<64xi32> to vector<64x1xi32>
    %eq3A_61 = vector.broadcast %broadcast_in_dim3A_60 : vector<64x1xi32> to vector<64x16384xi32>
    %eq3A_62 = arith.cmpi eq, %select_n3A_57, %eq3A_61 : vector<64x16384xi32>
    %jit3A_63 = arith.constant 1073741824 : i32
    %broadcast_in_dim3A_64 = vector.broadcast %jit3A_63 : i32 to vector<64x16384xi32>
    %select_n3A_65 = arith.select %eq3A_62, %broadcast_in_dim3A_64, %select_n3A_57 : vector<64x16384xi1>, vector<64x16384xi32>
    %reduce_min3A_66 = arith.constant dense<2147483647> : vector<64xi32>
    %reduce_min3A_67 = vector.multi_reduction <minsi>, %select_n3A_65, %reduce_min3A_66 [1] : vector<64x16384xi32> to vector<64xi32>
    %broadcast_in_dim3A_68 = vector.shape_cast %reduce_min3A_67 : vector<64xi32> to vector<64x1xi32>
    %eq3A_69 = vector.broadcast %broadcast_in_dim3A_68 : vector<64x1xi32> to vector<64x16384xi32>
    %eq3A_70 = arith.cmpi eq, %select_n3A_65, %eq3A_69 : vector<64x16384xi32>
    %jit3A_71 = arith.constant 1073741824 : i32
    %broadcast_in_dim3A_72 = vector.broadcast %jit3A_71 : i32 to vector<64x16384xi32>
    %select_n3A_73 = arith.select %eq3A_70, %broadcast_in_dim3A_72, %select_n3A_65 : vector<64x16384xi1>, vector<64x16384xi32>
    %reduce_min3A_74 = arith.constant dense<2147483647> : vector<64xi32>
    %reduce_min3A_75 = vector.multi_reduction <minsi>, %select_n3A_73, %reduce_min3A_74 [1] : vector<64x16384xi32> to vector<64xi32>
    %broadcast_in_dim3A_76 = vector.shape_cast %reduce_min3A_75 : vector<64xi32> to vector<64x1xi32>
    %eq3A_77 = vector.broadcast %broadcast_in_dim3A_76 : vector<64x1xi32> to vector<64x16384xi32>
    %eq3A_78 = arith.cmpi eq, %select_n3A_73, %eq3A_77 : vector<64x16384xi32>
    %jit3A_79 = arith.constant 1073741824 : i32
    %broadcast_in_dim3A_80 = vector.broadcast %jit3A_79 : i32 to vector<64x16384xi32>
    %select_n3A_81 = arith.select %eq3A_78, %broadcast_in_dim3A_80, %select_n3A_73 : vector<64x16384xi1>, vector<64x16384xi32>
    %reduce_min3A_82 = arith.constant dense<2147483647> : vector<64xi32>
    %reduce_min3A_83 = vector.multi_reduction <minsi>, %select_n3A_81, %reduce_min3A_82 [1] : vector<64x16384xi32> to vector<64xi32>
    %broadcast_in_dim3A_84 = vector.shape_cast %reduce_min3A_83 : vector<64xi32> to vector<64x1xi32>
    %eq3A_85 = vector.broadcast %broadcast_in_dim3A_84 : vector<64x1xi32> to vector<64x16384xi32>
    %eq3A_86 = arith.cmpi eq, %select_n3A_81, %eq3A_85 : vector<64x16384xi32>
    %jit3A_87 = arith.constant 1073741824 : i32
    %broadcast_in_dim3A_88 = vector.broadcast %jit3A_87 : i32 to vector<64x16384xi32>
    %select_n3A_89 = arith.select %eq3A_86, %broadcast_in_dim3A_88, %select_n3A_81 : vector<64x16384xi1>, vector<64x16384xi32>
    %reduce_min3A_90 = arith.constant dense<2147483647> : vector<64xi32>
    %reduce_min3A_91 = vector.multi_reduction <minsi>, %select_n3A_89, %reduce_min3A_90 [1] : vector<64x16384xi32> to vector<64xi32>
    %broadcast_in_dim3A_92 = vector.shape_cast %reduce_min3A_91 : vector<64xi32> to vector<64x1xi32>
    %eq3A_93 = vector.broadcast %broadcast_in_dim3A_92 : vector<64x1xi32> to vector<64x16384xi32>
    %eq3A_94 = arith.cmpi eq, %select_n3A_89, %eq3A_93 : vector<64x16384xi32>
    %jit3A_95 = arith.constant 1073741824 : i32
    %broadcast_in_dim3A_96 = vector.broadcast %jit3A_95 : i32 to vector<64x16384xi32>
    %select_n3A_97 = arith.select %eq3A_94, %broadcast_in_dim3A_96, %select_n3A_89 : vector<64x16384xi1>, vector<64x16384xi32>
    %reduce_min3A_98 = arith.constant dense<2147483647> : vector<64xi32>
    %reduce_min3A_99 = vector.multi_reduction <minsi>, %select_n3A_97, %reduce_min3A_98 [1] : vector<64x16384xi32> to vector<64xi32>
    %broadcast_in_dim3A_100 = vector.shape_cast %reduce_min3A_99 : vector<64xi32> to vector<64x1xi32>
    %eq3A_101 = vector.broadcast %broadcast_in_dim3A_100 : vector<64x1xi32> to vector<64x16384xi32>
    %eq3A_102 = arith.cmpi eq, %select_n3A_97, %eq3A_101 : vector<64x16384xi32>
    %jit3A_103 = arith.constant 1073741824 : i32
    %broadcast_in_dim3A_104 = vector.broadcast %jit3A_103 : i32 to vector<64x16384xi32>
    %select_n3A_105 = arith.select %eq3A_102, %broadcast_in_dim3A_104, %select_n3A_97 : vector<64x16384xi1>, vector<64x16384xi32>
    %ne3A = arith.cmpi ne, %select_n3A_105, %select_n3A : vector<64x16384xi32>
    %jit3A_106 = arith.constant 1.000000e+00 : f32
    %jit3A_107 = arith.constant 0.000000e+00 : f32
    %broadcast_in_dim3A_108 = vector.broadcast %jit3A_106 : f32 to vector<64x16384xf32>
    %broadcast_in_dim3A_109 = vector.broadcast %jit3A_107 : f32 to vector<64x16384xf32>
    %select_n3A_110 = arith.select %ne3A, %broadcast_in_dim3A_108, %broadcast_in_dim3A_109 : vector<64x16384xi1>, vector<64x16384xf32>
    %gt3A = arith.constant 0 : i32
    %gt3A_111 = vector.broadcast %gt3A : i32 to vector<64x1xi32>
    %gt3A_112 = arith.cmpi sgt, %broadcast_in_dim3A, %gt3A_111 : vector<64x1xi32>
    %jit3A_113 = arith.constant 0 : i32
    %broadcast_in_dim3A_114 = vector.broadcast %jit3A_113 : i32 to vector<64x1xi32>
    %select_n3A_115 = arith.select %gt3A_112, %broadcast_in_dim3A_45, %broadcast_in_dim3A_114 : vector<64x1xi1>, vector<64x1xi32>
    %min3A = arith.constant 8 : i32
    %min3A_116 = vector.broadcast %min3A : i32 to vector<64x1xi32>
    %min3A_117 = arith.minsi %broadcast_in_dim3A, %min3A_116 : vector<64x1xi32>
    %sub3A_118 = arith.constant 8 : i32
    %sub3A_119 = vector.broadcast %sub3A_118 : i32 to vector<64x1xi32>
    %sub3A_120 = arith.subi %sub3A_119, %min3A_117 : vector<64x1xi32>
    %convert_element_type3A_121 = arith.sitofp %sub3A_120 : vector<64x1xi32> to vector<64x1xf32>
    %eq3A_122 = vector.broadcast %select_n3A_115 : vector<64x1xi32> to vector<64x16384xi32>
    %eq3A_123 = arith.cmpi eq, %iota3A, %eq3A_122 : vector<64x16384xi32>
    %jit3A_124 = arith.constant 0.000000e+00 : f32
    %broadcast_in_dim3A_125 = vector.shape_cast %convert_element_type3A_121 : vector<64x1xf32> to vector<64x1xf32>
    %broadcast_in_dim3A_126 = vector.broadcast %broadcast_in_dim3A_125 : vector<64x1xf32> to vector<64x16384xf32>
    %broadcast_in_dim3A_127 = vector.broadcast %jit3A_124 : f32 to vector<64x16384xf32>
    %select_n3A_128 = arith.select %eq3A_123, %broadcast_in_dim3A_126, %broadcast_in_dim3A_127 : vector<64x16384xi1>, vector<64x16384xf32>
    %add3A_129 = arith.addf %select_n3A_110, %select_n3A_128 : vector<64x16384xf32>
    %mul3A_130 = arith.constant 16384 : i32
    %mul3A_131 = arith.muli %arg0, %mul3A_130 : i32
    %gt3A_132 = arith.constant 0 : i32
    %gt3A_133 = vector.broadcast %gt3A_132 : i32 to vector<64x1xi32>
    %gt3A_134 = arith.cmpi sgt, %broadcast_in_dim3A, %gt3A_133 : vector<64x1xi32>
    %select_n3A_135 = arith.select %gt3A_134, %broadcast_in_dim3A_45, %select_n3A_115 : vector<64x1xi1>, vector<64x1xi32>
    %add3A_136 = vector.broadcast %mul3A_131 : i32 to vector<64x1xi32>
    %add3A_137 = arith.addi %select_n3A_135, %add3A_136 : vector<64x1xi32>
    %swap3A = arith.constant 0 : index
    %swap3A_138 = arith.constant 0 : index
    %swap3A_139 = arith.constant 0 : index
    %swap3A_140 = vector.load %arg5[%swap3A, %swap3A_138, %swap3A_139] : memref<1x64x8xi32, #tpu.memory_space<vmem>>, vector<1x64x1xi32>
    %swap3A_141 = vector.shape_cast %swap3A_140 : vector<1x64x1xi32> to vector<64x1xi32>
    %swap3A_142 = vector.shape_cast %add3A_137 : vector<64x1xi32> to vector<1x64x1xi32>
    tpu.vector_store %arg5[%swap3A, %swap3A_138, %swap3A_139], %swap3A_142 {strides = array<i32>} : memref<1x64x8xi32, #tpu.memory_space<vmem>>, vector<1x64x1xi32>,
    %gt3A_143 = arith.constant 1 : i32
    %gt3A_144 = vector.broadcast %gt3A_143 : i32 to vector<64x1xi32>
    %gt3A_145 = arith.cmpi sgt, %broadcast_in_dim3A, %gt3A_144 : vector<64x1xi32>
    %select_n3A_146 = arith.select %gt3A_145, %broadcast_in_dim3A_52, %select_n3A_115 : vector<64x1xi1>, vector<64x1xi32>
    %add3A_147 = vector.broadcast %mul3A_131 : i32 to vector<64x1xi32>
    %add3A_148 = arith.addi %select_n3A_146, %add3A_147 : vector<64x1xi32>
    %swap3A_149 = arith.constant 0 : index
    %swap3A_150 = arith.constant 0 : index
    %swap3A_151 = arith.constant 1 : index
    %swap3A_152 = vector.load %arg5[%swap3A_149, %swap3A_150, %swap3A_151] : memref<1x64x8xi32, #tpu.memory_space<vmem>>, vector<1x64x1xi32>
    %swap3A_153 = vector.shape_cast %swap3A_152 : vector<1x64x1xi32> to vector<64x1xi32>
    %swap3A_154 = vector.shape_cast %add3A_148 : vector<64x1xi32> to vector<1x64x1xi32>
    tpu.vector_store %arg5[%swap3A_149, %swap3A_150, %swap3A_151], %swap3A_154 {strides = array<i32>} : memref<1x64x8xi32, #tpu.memory_space<vmem>>, vector<1x64x1xi32>,
    %gt3A_155 = arith.constant 2 : i32
    %gt3A_156 = vector.broadcast %gt3A_155 : i32 to vector<64x1xi32>
    %gt3A_157 = arith.cmpi sgt, %broadcast_in_dim3A, %gt3A_156 : vector<64x1xi32>
    %select_n3A_158 = arith.select %gt3A_157, %broadcast_in_dim3A_60, %select_n3A_115 : vector<64x1xi1>, vector<64x1xi32>
    %add3A_159 = vector.broadcast %mul3A_131 : i32 to vector<64x1xi32>
    %add3A_160 = arith.addi %select_n3A_158, %add3A_159 : vector<64x1xi32>
    %swap3A_161 = arith.constant 0 : index
    %swap3A_162 = arith.constant 0 : index
    %swap3A_163 = arith.constant 2 : index
    %swap3A_164 = vector.load %arg5[%swap3A_161, %swap3A_162, %swap3A_163] : memref<1x64x8xi32, #tpu.memory_space<vmem>>, vector<1x64x1xi32>
    %swap3A_165 = vector.shape_cast %swap3A_164 : vector<1x64x1xi32> to vector<64x1xi32>
    %swap3A_166 = vector.shape_cast %add3A_160 : vector<64x1xi32> to vector<1x64x1xi32>
    tpu.vector_store %arg5[%swap3A_161, %swap3A_162, %swap3A_163], %swap3A_166 {strides = array<i32>} : memref<1x64x8xi32, #tpu.memory_space<vmem>>, vector<1x64x1xi32>,
    %gt3A_167 = arith.constant 3 : i32
    %gt3A_168 = vector.broadcast %gt3A_167 : i32 to vector<64x1xi32>
    %gt3A_169 = arith.cmpi sgt, %broadcast_in_dim3A, %gt3A_168 : vector<64x1xi32>
    %select_n3A_170 = arith.select %gt3A_169, %broadcast_in_dim3A_68, %select_n3A_115 : vector<64x1xi1>, vector<64x1xi32>
    %add3A_171 = vector.broadcast %mul3A_131 : i32 to vector<64x1xi32>
    %add3A_172 = arith.addi %select_n3A_170, %add3A_171 : vector<64x1xi32>
    %swap3A_173 = arith.constant 0 : index
    %swap3A_174 = arith.constant 0 : index
    %swap3A_175 = arith.constant 3 : index
    %swap3A_176 = vector.load %arg5[%swap3A_173, %swap3A_174, %swap3A_175] : memref<1x64x8xi32, #tpu.memory_space<vmem>>, vector<1x64x1xi32>
    %swap3A_177 = vector.shape_cast %swap3A_176 : vector<1x64x1xi32> to vector<64x1xi32>
    %swap3A_178 = vector.shape_cast %add3A_172 : vector<64x1xi32> to vector<1x64x1xi32>
    tpu.vector_store %arg5[%swap3A_173, %swap3A_174, %swap3A_175], %swap3A_178 {strides = array<i32>} : memref<1x64x8xi32, #tpu.memory_space<vmem>>, vector<1x64x1xi32>,
    %gt3A_179 = arith.constant 4 : i32
    %gt3A_180 = vector.broadcast %gt3A_179 : i32 to vector<64x1xi32>
    %gt3A_181 = arith.cmpi sgt, %broadcast_in_dim3A, %gt3A_180 : vector<64x1xi32>
    %select_n3A_182 = arith.select %gt3A_181, %broadcast_in_dim3A_76, %select_n3A_115 : vector<64x1xi1>, vector<64x1xi32>
    %add3A_183 = vector.broadcast %mul3A_131 : i32 to vector<64x1xi32>
    %add3A_184 = arith.addi %select_n3A_182, %add3A_183 : vector<64x1xi32>
    %swap3A_185 = arith.constant 0 : index
    %swap3A_186 = arith.constant 0 : index
    %swap3A_187 = arith.constant 4 : index
    %swap3A_188 = vector.load %arg5[%swap3A_185, %swap3A_186, %swap3A_187] : memref<1x64x8xi32, #tpu.memory_space<vmem>>, vector<1x64x1xi32>
    %swap3A_189 = vector.shape_cast %swap3A_188 : vector<1x64x1xi32> to vector<64x1xi32>
    %swap3A_190 = vector.shape_cast %add3A_184 : vector<64x1xi32> to vector<1x64x1xi32>
    tpu.vector_store %arg5[%swap3A_185, %swap3A_186, %swap3A_187], %swap3A_190 {strides = array<i32>} : memref<1x64x8xi32, #tpu.memory_space<vmem>>, vector<1x64x1xi32>,
    %gt3A_191 = arith.constant 5 : i32
    %gt3A_192 = vector.broadcast %gt3A_191 : i32 to vector<64x1xi32>
    %gt3A_193 = arith.cmpi sgt, %broadcast_in_dim3A, %gt3A_192 : vector<64x1xi32>
    %select_n3A_194 = arith.select %gt3A_193, %broadcast_in_dim3A_84, %select_n3A_115 : vector<64x1xi1>, vector<64x1xi32>
    %add3A_195 = vector.broadcast %mul3A_131 : i32 to vector<64x1xi32>
    %add3A_196 = arith.addi %select_n3A_194, %add3A_195 : vector<64x1xi32>
    %swap3A_197 = arith.constant 0 : index
    %swap3A_198 = arith.constant 0 : index
    %swap3A_199 = arith.constant 5 : index
    %swap3A_200 = vector.load %arg5[%swap3A_197, %swap3A_198, %swap3A_199] : memref<1x64x8xi32, #tpu.memory_space<vmem>>, vector<1x64x1xi32>
    %swap3A_201 = vector.shape_cast %swap3A_200 : vector<1x64x1xi32> to vector<64x1xi32>
    %swap3A_202 = vector.shape_cast %add3A_196 : vector<64x1xi32> to vector<1x64x1xi32>
    tpu.vector_store %arg5[%swap3A_197, %swap3A_198, %swap3A_199], %swap3A_202 {strides = array<i32>} : memref<1x64x8xi32, #tpu.memory_space<vmem>>, vector<1x64x1xi32>,
    %gt3A_203 = arith.constant 6 : i32
    %gt3A_204 = vector.broadcast %gt3A_203 : i32 to vector<64x1xi32>
    %gt3A_205 = arith.cmpi sgt, %broadcast_in_dim3A, %gt3A_204 : vector<64x1xi32>
    %select_n3A_206 = arith.select %gt3A_205, %broadcast_in_dim3A_92, %select_n3A_115 : vector<64x1xi1>, vector<64x1xi32>
    %add3A_207 = vector.broadcast %mul3A_131 : i32 to vector<64x1xi32>
    %add3A_208 = arith.addi %select_n3A_206, %add3A_207 : vector<64x1xi32>
    %swap3A_209 = arith.constant 0 : index
    %swap3A_210 = arith.constant 0 : index
    %swap3A_211 = arith.constant 6 : index
    %swap3A_212 = vector.load %arg5[%swap3A_209, %swap3A_210, %swap3A_211] : memref<1x64x8xi32, #tpu.memory_space<vmem>>, vector<1x64x1xi32>
    %swap3A_213 = vector.shape_cast %swap3A_212 : vector<1x64x1xi32> to vector<64x1xi32>
    %swap3A_214 = vector.shape_cast %add3A_208 : vector<64x1xi32> to vector<1x64x1xi32>
    tpu.vector_store %arg5[%swap3A_209, %swap3A_210, %swap3A_211], %swap3A_214 {strides = array<i32>} : memref<1x64x8xi32, #tpu.memory_space<vmem>>, vector<1x64x1xi32>,
    %gt3A_215 = arith.constant 7 : i32
    %gt3A_216 = vector.broadcast %gt3A_215 : i32 to vector<64x1xi32>
    %gt3A_217 = arith.cmpi sgt, %broadcast_in_dim3A, %gt3A_216 : vector<64x1xi32>
    %select_n3A_218 = arith.select %gt3A_217, %broadcast_in_dim3A_100, %select_n3A_115 : vector<64x1xi1>, vector<64x1xi32>
    %add3A_219 = vector.broadcast %mul3A_131 : i32 to vector<64x1xi32>
    %add3A_220 = arith.addi %select_n3A_218, %add3A_219 : vector<64x1xi32>
    %swap3A_221 = arith.constant 0 : index
    %swap3A_222 = arith.constant 0 : index
    %swap3A_223 = arith.constant 7 : index
    %swap3A_224 = vector.load %arg5[%swap3A_221, %swap3A_222, %swap3A_223] : memref<1x64x8xi32, #tpu.memory_space<vmem>>, vector<1x64x1xi32>
    %swap3A_225 = vector.shape_cast %swap3A_224 : vector<1x64x1xi32> to vector<64x1xi32>
    %swap3A_226 = vector.shape_cast %add3A_220 : vector<64x1xi32> to vector<1x64x1xi32>
    tpu.vector_store %arg5[%swap3A_221, %swap3A_222, %swap3A_223], %swap3A_226 {strides = array<i32>} : memref<1x64x8xi32, #tpu.memory_space<vmem>>, vector<1x64x1xi32>,
    %get3A_227 = arith.constant 0 : index
    %get3A_228 = arith.constant 0 : index
    %get3A_229 = arith.constant 0 : index
    %get3A_230 = vector.load %arg1[%get3A_227, %get3A_228, %get3A_229] : memref<1x8x16384xf32, #tpu.memory_space<vmem>>, vector<1x8x16384xf32>
    %get3A_231 = vector.shape_cast %get3A_230 : vector<1x8x16384xf32> to vector<8x16384xf32>
    %dot_general3A = arith.constant dense<0.000000e+00> : vector<8x64xf32>
    %dot_general3A_232 = tpu.matmul %get3A_231, %add3A_129, %dot_general3A {dimension_numbers = #tpu.dot_dimension_numbers<[1], [1], [0], [0], [0, 0, 1, 0], [], []>, transpose_lhs_hint = false} : vector<8x16384xf32>, vector<64x16384xf32>, vector<8x64xf32> -> vector<8x64xf32>
    %mul3A_233 = arith.constant 1.250000e-01 : f32
    %mul3A_234 = vector.broadcast %mul3A_233 : f32 to vector<8x64xf32>
    %mul3A_235 = arith.mulf %dot_general3A_232, %mul3A_234 : vector<8x64xf32>
    %slice3A = vector.extract_strided_slice %mul3A_235 {offsets = [0, 0], sizes = [3, 64], strides = [1, 1]} : vector<8x64xf32> to vector<3x64xf32>
    %get3A_236 = arith.constant 0 : index
    %get3A_237 = arith.constant 0 : index
    %get3A_238 = arith.constant 0 : index
    %get3A_239 = vector.load %arg3[%get3A_236, %get3A_237, %get3A_238] : memref<1x3x64xf32, #tpu.memory_space<vmem>>, vector<1x3x64xf32>
    %get3A_240 = vector.shape_cast %get3A_239 : vector<1x3x64xf32> to vector<3x64xf32>
    %sub3A_241 = arith.subf %slice3A, %get3A_240 : vector<3x64xf32>
    %swap3A_242 = arith.constant 0 : index
    %swap3A_243 = arith.constant 0 : index
    %swap3A_244 = arith.constant 0 : index
    %swap3A_245 = vector.load %arg6[%swap3A_242, %swap3A_243, %swap3A_244] : memref<1x3x64xf32, #tpu.memory_space<vmem>>, vector<1x3x64xf32>
    %swap3A_246 = vector.shape_cast %swap3A_245 : vector<1x3x64xf32> to vector<3x64xf32>
    %swap3A_247 = vector.shape_cast %sub3A_241 : vector<3x64xf32> to vector<1x3x64xf32>
    tpu.vector_store %arg6[%swap3A_242, %swap3A_243, %swap3A_244], %swap3A_247 {strides = array<i32>} : memref<1x3x64xf32, #tpu.memory_space<vmem>>, vector<1x3x64xf32>,
    %slice3A_248 = vector.extract_strided_slice %mul3A_235 {offsets = [3, 0], sizes = [3, 64], strides = [1, 1]} : vector<8x64xf32> to vector<3x64xf32>
    %swap3A_249 = arith.constant 0 : index
    %swap3A_250 = arith.constant 0 : index
    %swap3A_251 = arith.constant 0 : index
    %swap3A_252 = vector.load %arg7[%swap3A_249, %swap3A_250, %swap3A_251] : memref<1x3x64xf32, #tpu.memory_space<vmem>>, vector<1x3x64xf32>
    %swap3A_253 = vector.shape_cast %swap3A_252 : vector<1x3x64xf32> to vector<3x64xf32>
    %swap3A_254 = vector.shape_cast %slice3A_248 : vector<3x64xf32> to vector<1x3x64xf32>
    tpu.vector_store %arg7[%swap3A_249, %swap3A_250, %swap3A_251], %swap3A_254 {strides = array<i32>} : memref<1x3x64xf32, #tpu.memory_space<vmem>>, vector<1x3x64xf32>,
    %get3A_255 = arith.constant 0 : index
    %get3A_256 = arith.constant 0 : index
    %get3A_257 = arith.constant 0 : index
    %get3A_258 = vector.load %arg4[%get3A_255, %get3A_256, %get3A_257] : memref<1x64x1xi32, #tpu.memory_space<vmem>>, vector<1x64x1xi32>
    %get3A_259 = vector.shape_cast %get3A_258 : vector<1x64x1xi32> to vector<64x1xi32>
    %sub3A_260 = vector.broadcast %mul3A_131 : i32 to vector<64x1xi32>
    %sub3A_261 = arith.subi %get3A_259, %sub3A_260 : vector<64x1xi32>
    %eq3A_262 = vector.broadcast %sub3A_261 : vector<64x1xi32> to vector<64x16384xi32>
    %eq3A_263 = arith.cmpi eq, %iota3A, %eq3A_262 : vector<64x16384xi32>
    %convert_element_type3A_264 = arith.extui %eq3A_263 : vector<64x16384xi1> to vector<64x16384xi32>
    %convert_element_type3A_265 = arith.sitofp %convert_element_type3A_264 : vector<64x16384xi32> to vector<64x16384xf32>
    %dot_general3A_266 = arith.constant dense<0.000000e+00> : vector<8x64xf32>
    %dot_general3A_267 = tpu.matmul %get3A_231, %convert_element_type3A_265, %dot_general3A_266 {dimension_numbers = #tpu.dot_dimension_numbers<[1], [1], [0], [0], [0, 0, 1, 0], [], []>, transpose_lhs_hint = false} : vector<8x16384xf32>, vector<64x16384xf32>, vector<8x64xf32> -> vector<8x64xf32>
    %slice3A_268 = vector.extract_strided_slice %dot_general3A_267 {offsets = [3, 0], sizes = [3, 64], strides = [1, 1]} : vector<8x64xf32> to vector<3x64xf32>
    %swap3A_269 = arith.constant 0 : index
    %swap3A_270 = arith.constant 0 : index
    %swap3A_271 = arith.constant 0 : index
    %swap3A_272 = vector.load %arg8[%swap3A_269, %swap3A_270, %swap3A_271] : memref<1x3x64xf32, #tpu.memory_space<vmem>>, vector<1x3x64xf32>
    %swap3A_273 = vector.shape_cast %swap3A_272 : vector<1x3x64xf32> to vector<3x64xf32>
    %swap3A_274 = vector.shape_cast %slice3A_268 : vector<3x64xf32> to vector<1x3x64xf32>
    tpu.vector_store %arg8[%swap3A_269, %swap3A_270, %swap3A_271], %swap3A_274 {strides = array<i32>} : memref<1x3x64xf32, #tpu.memory_space<vmem>>, vector<1x3x64xf32>,
    return
  }
  func.func @transform_0(%arg0: i32) -> (i32, i32, i32) {
    %c0_i32 = arith.constant 0 : i32
    %c0_i32_0 = arith.constant 0 : i32
    %c0_i32_1 = arith.constant 0 : i32
    return %arg0, %c0_i32, %c0_i32_0 : i32, i32, i32
  }
  func.func @transform_1(%arg0: i32) -> (i32, i32, i32) {
    %c0_i32 = arith.constant 0 : i32
    %c0_i32_0 = arith.constant 0 : i32
    %c0_i32_1 = arith.constant 0 : i32
    return %arg0, %c0_i32, %c0_i32_0 : i32, i32, i32
  }
  func.func @transform_2(%arg0: i32) -> (i32, i32, i32) {
    %c0_i32 = arith.constant 0 : i32
    %c0_i32_0 = arith.constant 0 : i32
    %c0_i32_1 = arith.constant 0 : i32
    return %arg0, %c0_i32, %c0_i32_0 : i32, i32, i32
  }
  func.func @transform_3(%arg0: i32) -> (i32, i32, i32) {
    %c0_i32 = arith.constant 0 : i32
    %c0_i32_0 = arith.constant 0 : i32
    %c0_i32_1 = arith.constant 0 : i32
    return %arg0, %c0_i32, %c0_i32_0 : i32, i32, i32
  }
  func.func @transform_4(%arg0: i32) -> (i32, i32, i32) {
    %c0_i32 = arith.constant 0 : i32
    %c0_i32_0 = arith.constant 0 : i32
    %c0_i32_1 = arith.constant 0 : i32
    return %arg0, %c0_i32, %c0_i32_0 : i32, i32, i32
  }
  func.func @transform_5(%arg0: i32) -> (i32, i32, i32) {
    %c0_i32 = arith.constant 0 : i32
    %c0_i32_0 = arith.constant 0 : i32
    %c0_i32_1 = arith.constant 0 : i32
    return %arg0, %c0_i32, %c0_i32_0 : i32, i32, i32
  }
  func.func @transform_6(%arg0: i32) -> (i32, i32, i32) {
    %c0_i32 = arith.constant 0 : i32
    %c0_i32_0 = arith.constant 0 : i32
    %c0_i32_1 = arith.constant 0 : i32
    return %arg0, %c0_i32, %c0_i32_0 : i32, i32, i32
  }
  func.func @transform_7(%arg0: i32) -> (i32, i32, i32) {
    %c0_i32 = arith.constant 0 : i32
    %c0_i32_0 = arith.constant 0 : i32
    %c0_i32_1 = arith.constant 0 : i32
    return %arg0, %c0_i32, %c0_i32_0 : i32, i32, i32
  }
}

module attributes {stable_mosaic.version = 14 : i64} {
  func.func @_attn_body(%arg0: i32, %arg1: memref<1x64x256xf32, #tpu.memory_space<vmem>>, %arg2: memref<1x64x256xf32, #tpu.memory_space<vmem>>, %arg3: memref<1x64x3xf32, #tpu.memory_space<vmem>>, %arg4: memref<1x64x3xf32, #tpu.memory_space<vmem>>, %arg5: memref<1x64x3xf32, #tpu.memory_space<vmem>>, %arg6: memref<1x64x3xf32, #tpu.memory_space<vmem>>, %arg7: memref<256x256xf32, #tpu.memory_space<vmem>>, %arg8: memref<256x256xf32, #tpu.memory_space<vmem>>, %arg9: memref<1x256xf32, #tpu.memory_space<vmem>>, %arg10: memref<1x256xf32, #tpu.memory_space<vmem>>, %arg11: memref<1x256xf32, #tpu.memory_space<vmem>>, %arg12: memref<1x256xf32, #tpu.memory_space<vmem>>, %arg13: memref<1x64x256xf32, #tpu.memory_space<vmem>>, %arg14: memref<1x64x3xf32, #tpu.memory_space<vmem>>, %arg15: memref<1x64x3xf32, #tpu.memory_space<vmem>>) attributes {dimension_semantics = [#tpu.dimension_semantics<arbitrary>], iteration_bounds = array<i64: 8>, scalar_prefetch = 0 : i64, scratch_operands = 0 : i64, tpu.core_type = #tpu.core_type<tc>, window_params = [{transform_indices = @transform_0, window_bounds = array<i64: 1, 64, 256>}, {transform_indices = @transform_1, window_bounds = array<i64: 1, 64, 256>}, {transform_indices = @transform_2, window_bounds = array<i64: 1, 64, 3>}, {transform_indices = @transform_3, window_bounds = array<i64: 1, 64, 3>}, {transform_indices = @transform_4, window_bounds = array<i64: 1, 64, 3>}, {transform_indices = @transform_5, window_bounds = array<i64: 1, 64, 3>}, {pipeline_mode = #tpu.pipeline_mode<synchronous>, transform_indices = @transform_6, window_bounds = array<i64: 256, 256>}, {pipeline_mode = #tpu.pipeline_mode<synchronous>, transform_indices = @transform_7, window_bounds = array<i64: 256, 256>}, {pipeline_mode = #tpu.pipeline_mode<synchronous>, transform_indices = @transform_8, window_bounds = array<i64: 1, 256>}, {pipeline_mode = #tpu.pipeline_mode<synchronous>, transform_indices = @transform_9, window_bounds = array<i64: 1, 256>}, {pipeline_mode = #tpu.pipeline_mode<synchronous>, transform_indices = @transform_10, window_bounds = array<i64: 1, 256>}, {pipeline_mode = #tpu.pipeline_mode<synchronous>, transform_indices = @transform_11, window_bounds = array<i64: 1, 256>}, {transform_indices = @transform_12, window_bounds = array<i64: 1, 64, 256>}, {transform_indices = @transform_13, window_bounds = array<i64: 1, 64, 3>}, {transform_indices = @transform_14, window_bounds = array<i64: 1, 64, 3>}]} {
    %get3A = arith.constant 0 : index
    %get3A_0 = arith.constant 0 : index
    %get3A_1 = arith.constant 0 : index
    %get3A_2 = vector.load %arg1[%get3A, %get3A_0, %get3A_1] : memref<1x64x256xf32, #tpu.memory_space<vmem>>, vector<1x64x256xf32>
    %get3A_3 = vector.shape_cast %get3A_2 : vector<1x64x256xf32> to vector<64x256xf32>
    %get3A_4 = arith.constant 0 : index
    %get3A_5 = arith.constant 0 : index
    %get3A_6 = arith.constant 0 : index
    %get3A_7 = vector.load %arg2[%get3A_4, %get3A_5, %get3A_6] : memref<1x64x256xf32, #tpu.memory_space<vmem>>, vector<1x64x256xf32>
    %get3A_8 = vector.shape_cast %get3A_7 : vector<1x64x256xf32> to vector<64x256xf32>
    %sub3A = arith.subf %get3A_8, %get3A_3 : vector<64x256xf32>
    %get3A_9 = arith.constant 0 : index
    %get3A_10 = arith.constant 0 : index
    %get3A_11 = vector.load %arg11[%get3A_9, %get3A_10] : memref<1x256xf32, #tpu.memory_space<vmem>>, vector<1x256xf32>
    %get3A_12 = arith.constant 0 : index
    %get3A_13 = arith.constant 0 : index
    %get3A_14 = vector.load %arg12[%get3A_12, %get3A_13] : memref<1x256xf32, #tpu.memory_space<vmem>>, vector<1x256xf32>
    %reduce_sum3A = arith.constant dense<0.000000e+00> : vector<64xf32>
    %reduce_sum3A_15 = vector.multi_reduction <add>, %get3A_3, %reduce_sum3A [1] : vector<64x256xf32> to vector<64xf32>
    %broadcast_in_dim3A = vector.shape_cast %reduce_sum3A_15 : vector<64xf32> to vector<64x1xf32>
    %div3A = arith.constant 2.560000e+02 : f32
    %div3A_16 = vector.broadcast %div3A : f32 to vector<64x1xf32>
    %div3A_17 = arith.divf %broadcast_in_dim3A, %div3A_16 : vector<64x1xf32>
    %sub3A_18 = vector.broadcast %div3A_17 : vector<64x1xf32> to vector<64x256xf32>
    %sub3A_19 = arith.subf %get3A_3, %sub3A_18 : vector<64x256xf32>
    %integer_pow3A = arith.mulf %sub3A_19, %sub3A_19 : vector<64x256xf32>
    %reduce_sum3A_20 = arith.constant dense<0.000000e+00> : vector<64xf32>
    %reduce_sum3A_21 = vector.multi_reduction <add>, %integer_pow3A, %reduce_sum3A_20 [1] : vector<64x256xf32> to vector<64xf32>
    %broadcast_in_dim3A_22 = vector.shape_cast %reduce_sum3A_21 : vector<64xf32> to vector<64x1xf32>
    %div3A_23 = arith.constant 2.560000e+02 : f32
    %div3A_24 = vector.broadcast %div3A_23 : f32 to vector<64x1xf32>
    %div3A_25 = arith.divf %broadcast_in_dim3A_22, %div3A_24 : vector<64x1xf32>
    %sub3A_26 = vector.broadcast %div3A_17 : vector<64x1xf32> to vector<64x256xf32>
    %sub3A_27 = arith.subf %get3A_3, %sub3A_26 : vector<64x256xf32>
    %add3A = arith.constant 9.99999974E-6 : f32
    %add3A_28 = vector.broadcast %add3A : f32 to vector<64x1xf32>
    %add3A_29 = arith.addf %div3A_25, %add3A_28 : vector<64x1xf32>
    %sqrt3A = math.sqrt %add3A_29 : vector<64x1xf32>
    %div3A_30 = vector.broadcast %sqrt3A : vector<64x1xf32> to vector<64x256xf32>
    %div3A_31 = arith.divf %sub3A_27, %div3A_30 : vector<64x256xf32>
    %mul3A = vector.broadcast %get3A_11 : vector<1x256xf32> to vector<64x256xf32>
    %mul3A_32 = arith.mulf %div3A_31, %mul3A : vector<64x256xf32>
    %add3A_33 = vector.broadcast %get3A_14 : vector<1x256xf32> to vector<64x256xf32>
    %add3A_34 = arith.addf %mul3A_32, %add3A_33 : vector<64x256xf32>
    %get3A_35 = arith.constant 0 : index
    %get3A_36 = arith.constant 0 : index
    %get3A_37 = vector.load %arg9[%get3A_35, %get3A_36] : memref<1x256xf32, #tpu.memory_space<vmem>>, vector<1x256xf32>
    %get3A_38 = arith.constant 0 : index
    %get3A_39 = arith.constant 0 : index
    %get3A_40 = vector.load %arg10[%get3A_38, %get3A_39] : memref<1x256xf32, #tpu.memory_space<vmem>>, vector<1x256xf32>
    %reduce_sum3A_41 = arith.constant dense<0.000000e+00> : vector<64xf32>
    %reduce_sum3A_42 = vector.multi_reduction <add>, %sub3A, %reduce_sum3A_41 [1] : vector<64x256xf32> to vector<64xf32>
    %broadcast_in_dim3A_43 = vector.shape_cast %reduce_sum3A_42 : vector<64xf32> to vector<64x1xf32>
    %div3A_44 = arith.constant 2.560000e+02 : f32
    %div3A_45 = vector.broadcast %div3A_44 : f32 to vector<64x1xf32>
    %div3A_46 = arith.divf %broadcast_in_dim3A_43, %div3A_45 : vector<64x1xf32>
    %sub3A_47 = vector.broadcast %div3A_46 : vector<64x1xf32> to vector<64x256xf32>
    %sub3A_48 = arith.subf %sub3A, %sub3A_47 : vector<64x256xf32>
    %integer_pow3A_49 = arith.mulf %sub3A_48, %sub3A_48 : vector<64x256xf32>
    %reduce_sum3A_50 = arith.constant dense<0.000000e+00> : vector<64xf32>
    %reduce_sum3A_51 = vector.multi_reduction <add>, %integer_pow3A_49, %reduce_sum3A_50 [1] : vector<64x256xf32> to vector<64xf32>
    %broadcast_in_dim3A_52 = vector.shape_cast %reduce_sum3A_51 : vector<64xf32> to vector<64x1xf32>
    %div3A_53 = arith.constant 2.560000e+02 : f32
    %div3A_54 = vector.broadcast %div3A_53 : f32 to vector<64x1xf32>
    %div3A_55 = arith.divf %broadcast_in_dim3A_52, %div3A_54 : vector<64x1xf32>
    %sub3A_56 = vector.broadcast %div3A_46 : vector<64x1xf32> to vector<64x256xf32>
    %sub3A_57 = arith.subf %sub3A, %sub3A_56 : vector<64x256xf32>
    %add3A_58 = arith.constant 9.99999974E-6 : f32
    %add3A_59 = vector.broadcast %add3A_58 : f32 to vector<64x1xf32>
    %add3A_60 = arith.addf %div3A_55, %add3A_59 : vector<64x1xf32>
    %sqrt3A_61 = math.sqrt %add3A_60 : vector<64x1xf32>
    %div3A_62 = vector.broadcast %sqrt3A_61 : vector<64x1xf32> to vector<64x256xf32>
    %div3A_63 = arith.divf %sub3A_57, %div3A_62 : vector<64x256xf32>
    %mul3A_64 = vector.broadcast %get3A_37 : vector<1x256xf32> to vector<64x256xf32>
    %mul3A_65 = arith.mulf %div3A_63, %mul3A_64 : vector<64x256xf32>
    %add3A_66 = vector.broadcast %get3A_40 : vector<1x256xf32> to vector<64x256xf32>
    %add3A_67 = arith.addf %mul3A_65, %add3A_66 : vector<64x256xf32>
    %get3A_68 = arith.constant 0 : index
    %get3A_69 = arith.constant 0 : index
    %get3A_70 = vector.load %arg7[%get3A_68, %get3A_69] : memref<256x256xf32, #tpu.memory_space<vmem>>, vector<256x256xf32>
    %dot_general3A = arith.constant dense<0.000000e+00> : vector<64x256xf32>
    %dot_general3A_71 = tpu.matmul %add3A_67, %get3A_70, %dot_general3A {dimension_numbers = #tpu.dot_dimension_numbers<[1], [0], [0], [1], [0, 0, 1, 1], [], []>, transpose_lhs_hint = false} : vector<64x256xf32>, vector<256x256xf32>, vector<64x256xf32> -> vector<64x256xf32>
    %get3A_72 = arith.constant 0 : index
    %get3A_73 = arith.constant 0 : index
    %get3A_74 = vector.load %arg8[%get3A_72, %get3A_73] : memref<256x256xf32, #tpu.memory_space<vmem>>, vector<256x256xf32>
    %dot_general3A_75 = arith.constant dense<0.000000e+00> : vector<64x256xf32>
    %dot_general3A_76 = tpu.matmul %add3A_34, %get3A_74, %dot_general3A_75 {dimension_numbers = #tpu.dot_dimension_numbers<[1], [0], [0], [1], [0, 0, 1, 1], [], []>, transpose_lhs_hint = false} : vector<64x256xf32>, vector<256x256xf32>, vector<64x256xf32> -> vector<64x256xf32>
    %dot_general3A_77 = arith.constant dense<0.000000e+00> : vector<64x64xf32>
    %dot_general3A_78 = tpu.matmul %dot_general3A_71, %dot_general3A_76, %dot_general3A_77 {dimension_numbers = #tpu.dot_dimension_numbers<[1], [1], [0], [0], [0, 0, 1, 0], [], []>, transpose_lhs_hint = false} : vector<64x256xf32>, vector<64x256xf32>, vector<64x64xf32> -> vector<64x64xf32>
    %reduce_max3A = arith.constant dense<0xFF800000> : vector<64xf32>
    %reduce_max3A_79 = vector.multi_reduction <maximumf>, %dot_general3A_78, %reduce_max3A [1] : vector<64x64xf32> to vector<64xf32>
    %broadcast_in_dim3A_80 = vector.shape_cast %reduce_max3A_79 : vector<64xf32> to vector<64x1xf32>
    %sub3A_81 = vector.broadcast %broadcast_in_dim3A_80 : vector<64x1xf32> to vector<64x64xf32>
    %sub3A_82 = arith.subf %dot_general3A_78, %sub3A_81 : vector<64x64xf32>
    %exp3A = math.exp %sub3A_82 : vector<64x64xf32>
    %reduce_sum3A_83 = arith.constant dense<0.000000e+00> : vector<64xf32>
    %reduce_sum3A_84 = vector.multi_reduction <add>, %exp3A, %reduce_sum3A_83 [1] : vector<64x64xf32> to vector<64xf32>
    %broadcast_in_dim3A_85 = vector.shape_cast %reduce_sum3A_84 : vector<64xf32> to vector<64x1xf32>
    %div3A_86 = vector.broadcast %broadcast_in_dim3A_85 : vector<64x1xf32> to vector<64x64xf32>
    %div3A_87 = arith.divf %exp3A, %div3A_86 : vector<64x64xf32>
    %get3A_88 = arith.constant 0 : index
    %get3A_89 = arith.constant 0 : index
    %get3A_90 = arith.constant 0 : index
    %get3A_91 = vector.load %arg3[%get3A_88, %get3A_89, %get3A_90] : memref<1x64x3xf32, #tpu.memory_space<vmem>>, vector<1x64x3xf32>
    %get3A_92 = vector.shape_cast %get3A_91 : vector<1x64x3xf32> to vector<64x3xf32>
    %dot_general3A_93 = arith.constant dense<0.000000e+00> : vector<64x3xf32>
    %dot_general3A_94 = tpu.matmul %div3A_87, %get3A_92, %dot_general3A_93 {dimension_numbers = #tpu.dot_dimension_numbers<[1], [0], [0], [1], [0, 0, 1, 1], [], []>, transpose_lhs_hint = false} : vector<64x64xf32>, vector<64x3xf32>, vector<64x3xf32> -> vector<64x3xf32>
    %get3A_95 = arith.constant 0 : index
    %get3A_96 = arith.constant 0 : index
    %get3A_97 = arith.constant 0 : index
    %get3A_98 = vector.load %arg4[%get3A_95, %get3A_96, %get3A_97] : memref<1x64x3xf32, #tpu.memory_space<vmem>>, vector<1x64x3xf32>
    %get3A_99 = vector.shape_cast %get3A_98 : vector<1x64x3xf32> to vector<64x3xf32>
    %dot_general3A_100 = arith.constant dense<0.000000e+00> : vector<64x3xf32>
    %dot_general3A_101 = tpu.matmul %div3A_87, %get3A_99, %dot_general3A_100 {dimension_numbers = #tpu.dot_dimension_numbers<[1], [0], [0], [1], [0, 0, 1, 1], [], []>, transpose_lhs_hint = false} : vector<64x64xf32>, vector<64x3xf32>, vector<64x3xf32> -> vector<64x3xf32>
    %add3A_102 = arith.addf %get3A_3, %sub3A : vector<64x256xf32>
    %swap3A = arith.constant 0 : index
    %swap3A_103 = arith.constant 0 : index
    %swap3A_104 = arith.constant 0 : index
    %swap3A_105 = vector.load %arg13[%swap3A, %swap3A_103, %swap3A_104] : memref<1x64x256xf32, #tpu.memory_space<vmem>>, vector<1x64x256xf32>
    %swap3A_106 = vector.shape_cast %swap3A_105 : vector<1x64x256xf32> to vector<64x256xf32>
    %swap3A_107 = vector.shape_cast %add3A_102 : vector<64x256xf32> to vector<1x64x256xf32>
    tpu.vector_store %arg13[%swap3A, %swap3A_103, %swap3A_104], %swap3A_107 {strides = array<i32>} : memref<1x64x256xf32, #tpu.memory_space<vmem>>, vector<1x64x256xf32>,
    %get3A_108 = arith.constant 0 : index
    %get3A_109 = arith.constant 0 : index
    %get3A_110 = arith.constant 0 : index
    %get3A_111 = vector.load %arg5[%get3A_108, %get3A_109, %get3A_110] : memref<1x64x3xf32, #tpu.memory_space<vmem>>, vector<1x64x3xf32>
    %get3A_112 = vector.shape_cast %get3A_111 : vector<1x64x3xf32> to vector<64x3xf32>
    %add3A_113 = arith.addf %get3A_112, %dot_general3A_94 : vector<64x3xf32>
    %swap3A_114 = arith.constant 0 : index
    %swap3A_115 = arith.constant 0 : index
    %swap3A_116 = arith.constant 0 : index
    %swap3A_117 = vector.load %arg14[%swap3A_114, %swap3A_115, %swap3A_116] : memref<1x64x3xf32, #tpu.memory_space<vmem>>, vector<1x64x3xf32>
    %swap3A_118 = vector.shape_cast %swap3A_117 : vector<1x64x3xf32> to vector<64x3xf32>
    %swap3A_119 = vector.shape_cast %add3A_113 : vector<64x3xf32> to vector<1x64x3xf32>
    tpu.vector_store %arg14[%swap3A_114, %swap3A_115, %swap3A_116], %swap3A_119 {strides = array<i32>} : memref<1x64x3xf32, #tpu.memory_space<vmem>>, vector<1x64x3xf32>,
    %get3A_120 = arith.constant 0 : index
    %get3A_121 = arith.constant 0 : index
    %get3A_122 = arith.constant 0 : index
    %get3A_123 = vector.load %arg6[%get3A_120, %get3A_121, %get3A_122] : memref<1x64x3xf32, #tpu.memory_space<vmem>>, vector<1x64x3xf32>
    %get3A_124 = vector.shape_cast %get3A_123 : vector<1x64x3xf32> to vector<64x3xf32>
    %add3A_125 = arith.addf %get3A_124, %dot_general3A_101 : vector<64x3xf32>
    %swap3A_126 = arith.constant 0 : index
    %swap3A_127 = arith.constant 0 : index
    %swap3A_128 = arith.constant 0 : index
    %swap3A_129 = vector.load %arg15[%swap3A_126, %swap3A_127, %swap3A_128] : memref<1x64x3xf32, #tpu.memory_space<vmem>>, vector<1x64x3xf32>
    %swap3A_130 = vector.shape_cast %swap3A_129 : vector<1x64x3xf32> to vector<64x3xf32>
    %swap3A_131 = vector.shape_cast %add3A_125 : vector<64x3xf32> to vector<1x64x3xf32>
    tpu.vector_store %arg15[%swap3A_126, %swap3A_127, %swap3A_128], %swap3A_131 {strides = array<i32>} : memref<1x64x3xf32, #tpu.memory_space<vmem>>, vector<1x64x3xf32>,
    return
  }
  func.func @transform_0(%arg0: i32) -> (i32, i32, i32) {
    %c0_i32 = arith.constant 0 : i32
    %c0_i32_0 = arith.constant 0 : i32
    %c0_i32_1 = arith.constant 0 : i32
    return %arg0, %c0_i32, %c0_i32_0 : i32, i32, i32
  }
  func.func @transform_1(%arg0: i32) -> (i32, i32, i32) {
    %c0_i32 = arith.constant 0 : i32
    %c0_i32_0 = arith.constant 0 : i32
    %c0_i32_1 = arith.constant 0 : i32
    return %arg0, %c0_i32, %c0_i32_0 : i32, i32, i32
  }
  func.func @transform_2(%arg0: i32) -> (i32, i32, i32) {
    %c0_i32 = arith.constant 0 : i32
    %c0_i32_0 = arith.constant 0 : i32
    %c0_i32_1 = arith.constant 0 : i32
    return %arg0, %c0_i32, %c0_i32_0 : i32, i32, i32
  }
  func.func @transform_3(%arg0: i32) -> (i32, i32, i32) {
    %c0_i32 = arith.constant 0 : i32
    %c0_i32_0 = arith.constant 0 : i32
    %c0_i32_1 = arith.constant 0 : i32
    return %arg0, %c0_i32, %c0_i32_0 : i32, i32, i32
  }
  func.func @transform_4(%arg0: i32) -> (i32, i32, i32) {
    %c0_i32 = arith.constant 0 : i32
    %c0_i32_0 = arith.constant 0 : i32
    %c0_i32_1 = arith.constant 0 : i32
    return %arg0, %c0_i32, %c0_i32_0 : i32, i32, i32
  }
  func.func @transform_5(%arg0: i32) -> (i32, i32, i32) {
    %c0_i32 = arith.constant 0 : i32
    %c0_i32_0 = arith.constant 0 : i32
    %c0_i32_1 = arith.constant 0 : i32
    return %arg0, %c0_i32, %c0_i32_0 : i32, i32, i32
  }
  func.func @transform_6(%arg0: i32) -> (i32, i32) {
    %c0_i32 = arith.constant 0 : i32
    %c0_i32_0 = arith.constant 0 : i32
    %c0_i32_1 = arith.constant 0 : i32
    return %c0_i32, %c0_i32_0 : i32, i32
  }
  func.func @transform_7(%arg0: i32) -> (i32, i32) {
    %c0_i32 = arith.constant 0 : i32
    %c0_i32_0 = arith.constant 0 : i32
    %c0_i32_1 = arith.constant 0 : i32
    return %c0_i32, %c0_i32_0 : i32, i32
  }
  func.func @transform_8(%arg0: i32) -> (i32, i32) {
    %c0_i32 = arith.constant 0 : i32
    %c0_i32_0 = arith.constant 0 : i32
    %c0_i32_1 = arith.constant 0 : i32
    return %c0_i32, %c0_i32_0 : i32, i32
  }
  func.func @transform_9(%arg0: i32) -> (i32, i32) {
    %c0_i32 = arith.constant 0 : i32
    %c0_i32_0 = arith.constant 0 : i32
    %c0_i32_1 = arith.constant 0 : i32
    return %c0_i32, %c0_i32_0 : i32, i32
  }
  func.func @transform_10(%arg0: i32) -> (i32, i32) {
    %c0_i32 = arith.constant 0 : i32
    %c0_i32_0 = arith.constant 0 : i32
    %c0_i32_1 = arith.constant 0 : i32
    return %c0_i32, %c0_i32_0 : i32, i32
  }
  func.func @transform_11(%arg0: i32) -> (i32, i32) {
    %c0_i32 = arith.constant 0 : i32
    %c0_i32_0 = arith.constant 0 : i32
    %c0_i32_1 = arith.constant 0 : i32
    return %c0_i32, %c0_i32_0 : i32, i32
  }
  func.func @transform_12(%arg0: i32) -> (i32, i32, i32) {
    %c0_i32 = arith.constant 0 : i32
    %c0_i32_0 = arith.constant 0 : i32
    %c0_i32_1 = arith.constant 0 : i32
    return %arg0, %c0_i32, %c0_i32_0 : i32, i32, i32
  }
  func.func @transform_13(%arg0: i32) -> (i32, i32, i32) {
    %c0_i32 = arith.constant 0 : i32
    %c0_i32_0 = arith.constant 0 : i32
    %c0_i32_1 = arith.constant 0 : i32
    return %arg0, %c0_i32, %c0_i32_0 : i32, i32, i32
  }
  func.func @transform_14(%arg0: i32) -> (i32, i32, i32) {
    %c0_i32 = arith.constant 0 : i32
    %c0_i32_0 = arith.constant 0 : i32
    %c0_i32_1 = arith.constant 0 : i32
    return %arg0, %c0_i32, %c0_i32_0 : i32, i32, i32
  }
}

</mosaic_0001>

<sc_bundles>
// kernel: kernel.6.cloned.1.call-start
scs
__scs_entry_jumppad:
0x0: {  	(pc) =	sbr.rel $0x88, $3  }
0x1: {  	(tag) =	ssettag $0x0;
	lr =	simm.s32 $0x1  }
0x2: {  	[smem:$0x3F98] =	sst lr;
	_ =	strace $0xD0000000  }
0x3: {  	_ = 	snop  }
0x4: {  	_ = 	snop  }
0x5: {  	_ = 	snop  }
0x6: {  	_ = 	snop  }
0x7: {  	_ = 	snop  }
__scs_overlays_trampoline_lowered:
0x8: {  	[smem:$0x3FA7] =	sst s0  }
0x9: {  	[smem:$0x3FA8] =	sst s1  }
0xa: {  	[smem:$0x3FA9] =	sst s2  }
0xb: {  	[smem:$0x3FAA] =	sst s3  }
0xc: {  	[smem:$0x3FAB] =	sst s4  }
0xd: {  	[smem:$0x3FAC] =	sst s5  }
0xe: {  	[smem:$0x3FAD] =	sst s6  }
0xf: {  	[smem:$0x3FAE] =	sst s7  }
0x10: {  	[smem:$0x3FAF] =	sst s8  }
0x11: {  	[smem:$0x3FB0] =	sst s9;
	s0 =	simm.s32 @!p0 $0x0  }
0x12: {  	s1 =	sld [smem:$0x3F96];
	s0 =	simm.s32 @p0 $0x1  }
0x13: {  	[smem:$0x3FB1] =	sst s0;
	s0 =	simm.s32 @!p1 $0x0  }
0x14: {  	s2 =	sld [smem:$0x3F95];
	s0 =	simm.s32 @p1 $0x1  }
0x15: {  	[smem:$0x3FB2] =	sst s0;
	s0 =	simm.s32 @!p2 $0x0  }
0x16: {  	s3 =	sld [smem:$0x3FDB];
	s0 =	simm.s32 @p2 $0x1  }
0x17: {  	s4 =	simm.s32 $0x1BF5;
	[smem:$0x3FB4] =	sst s0  }
0x18: {  	s0 =	sld [smem:$0x3F97];
	_ =	swait.ge [sflag:s4], $0x0  }
0x19: {  	s7 =	sld [smem:$0x3F98]  }
0x1a: {  	s8 =	sadd.s32 $0xFFFFE003, lr  }
0x1b: {  	s9 =	sadd.s32 $0xFFFFFEF7, lr;
	s5 =	simm.s32 $0xFFFFFFFF;
	p2 =	slt.u32 s8, $0xFFFFF086  }
0x1c: {  	p1 =	slt.u32 s9, $0xF7A;
	s5 =	simm.s32 @!p2 $0x0  }
0x1d: {  	s5 =	simm.s32 @p1 $0x1;
	p0 =	seq.s32 s7, s2  }
0x1e: {  	s7 =	smul.u32 @!p0 $0xF7A, s2;
	p2 =	seq.s32 @!p0 s5, $0x0  }
0x1f: {  	s9 =	smul.u32 $0xF7A, s1;
	s8 =	simm.s32 @!p0 $0x1BF5;
	p2 =	por !p2, p0  }
0x20: {  	[sflag:s8] =	ssyncset.s32 @!p0 $0xFFFFF086;
	s6 =	sadd.s32 @!p0 s3, s7;
	s7 =	simm.s32 @!p0 $0x108  }
0x21: {  	s3 =	sadd.s32 s3, s9;
	s6 =	sadd.s32 @!p0 $0x88, s6;
	s7 =	simm.s32 @p2 $0x1082  }
0x22: {  	[simem:s7], [sflag:s8] =	dma.local @!p0 [hbm:s6], $0xF7A  }
0x23: {  	s9 =	sor.u32 $0xD0000000, s2;
	s6 =	simm.s32 $0x108;
	_ =	swait.ge @!p0 [sflag:s8], $0x0  }
0x24: {  	s3 =	sadd.s32 $0x88, s3;
	s6 =	simm.s32 @!p1 $0x1082;
	[sflag:s4] =	ssyncset.s32 $0xFFFFF086  }
0x25: {  	[simem:s6], [sflag:s4] =	dma.local [hbm:s3], $0xF7A  }
0x26: {  	[smem:$0x3F98] =	sst s1;
	(tag) =	ssettag s2;
	_ =	strace s9  }
0x27: {  	s1 =	sld [smem:$0x3FA8]  }
0x28: {  	s2 =	sld [smem:$0x3FA9]  }
0x29: {  	s4 =	sld [smem:$0x3FAB]  }
0x2a: {  	p0 =	seq.s32 s5, $0x0;
	s5 =	sld [smem:$0x3FAC]  }
0x2b: {  	s6 =	sld [smem:$0x3FAD]  }
0x2c: {  	s7 =	sld [smem:$0x3FAE]  }
0x2d: {  	s3 =	simm.s32 $0x108;
	s8 =	sld [smem:$0x3FAF]  }
0x2e: {  	s3 =	simm.s32 @!p0 $0x1082;
	s9 =	sld [smem:$0x3FB0]  }
0x2f: {  	lr =	sadd.s32 s0, s3;
	s0 =	sld [smem:$0x3FA7]  }
0x30: {  	s3 =	sld [smem:$0x3FAA]  }
0x31: {  	[smem:$0x3FB3] =	sst s10  }
0x32: {  	s10 =	sld [smem:$0x3FB1];
	_ =	sdelay $0x3  }
0x33: {  	p0 =	seq.s32 s10, $0x1;
	s10 =	sld [smem:$0x3FB3];
	_ =	sdelay $0x3  }
0x34: {  	[smem:$0x3FB3] =	sst s10  }
0x35: {  	s10 =	sld [smem:$0x3FB2];
	_ =	sdelay $0x3  }
0x36: {  	p1 =	seq.s32 s10, $0x1;
	s10 =	sld [smem:$0x3FB3];
	_ =	sdelay $0x3  }
0x37: {  	[smem:$0x3FB3] =	sst s10  }
0x38: {  	s10 =	sld [smem:$0x3FB4]  }
0x39: {  	_ = 	snop;
	(pc) =	sbr.ind lr, $3  }
0x3a: {  	_ = 	snop  }
0x3b: {  	_ = 	snop  }
0x3c: {  	p2 =	seq.s32 s10, $0x1;
	s10 =	sld [smem:$0x3FB3]  }
0x3d: {  	_ =	shalt  }
0x3e: {  	_ =	shalt  }
0x3f: {  	_ =	shalt  }
0x40: {  	_ =	shalt  }
0x41: {  	_ =	shalt  }
0x42: {  	_ =	shalt  }
0x43: {  	_ =	shalt  }
0x44: {  	_ =	shalt  }
0x45: {  	_ =	shalt  }
0x46: {  	_ =	shalt  }
0x47: {  	_ =	shalt  }
0x48: {  	_ =	shalt  }
0x49: {  	_ =	shalt  }
0x4a: {  	_ =	shalt  }
0x4b: {  	_ =	shalt  }
0x4c: {  	_ =	shalt  }
0x4d: {  	_ =	shalt  }
0x4e: {  	_ =	shalt  }
0x4f: {  	_ =	shalt  }
0x50: {  	_ =	shalt  }
0x51: {  	_ =	shalt  }
0x52: {  	_ =	shalt  }
0x53: {  	_ =	shalt  }
0x54: {  	_ =	shalt  }
0x55: {  	_ =	shalt  }
0x56: {  	_ =	shalt  }
0x57: {  	_ =	shalt  }
0x58: {  	_ =	shalt  }
0x59: {  	_ =	shalt  }
0x5a: {  	_ =	shalt  }
0x5b: {  	_ =	shalt  }
0x5c: {  	_ =	shalt  }
0x5d: {  	_ =	shalt  }
0x5e: {  	_ =	shalt  }
0x5f: {  	_ =	shalt  }
0x60: {  	_ =	shalt  }
0x61: {  	_ =	shalt  }
0x62: {  	_ =	shalt  }
0x63: {  	_ =	shalt  }
0x64: {  	_ =	shalt  }
0x65: {  	_ =	shalt  }
0x66: {  	_ =	shalt  }
0x67: {  	_ =	shalt  }
0x68: {  	_ =	shalt  }
0x69: {  	_ =	shalt  }
0x6a: {  	_ =	shalt  }
0x6b: {  	_ =	shalt  }
0x6c: {  	_ =	shalt  }
0x6d: {  	_ =	shalt  }
0x6e: {  	_ =	shalt  }
0x6f: {  	_ =	shalt  }
0x70: {  	_ =	shalt  }
0x71: {  	_ =	shalt  }
0x72: {  	_ =	shalt  }
0x73: {  	_ =	shalt  }
0x74: {  	_ =	shalt  }
0x75: {  	_ =	shalt  }
0x76: {  	_ =	shalt  }
0x77: {  	_ =	shalt  }
0x78: {  	_ =	shalt  }
0x79: {  	_ =	shalt  }
0x7a: {  	_ =	shalt  }
0x7b: {  	_ =	shalt  }
0x7c: {  	_ =	shalt  }
0x7d: {  	_ =	shalt  }
0x7e: {  	_ =	shalt  }
0x7f: {  	_ =	shalt  }
0x80: {  	_ =	shalt  }
0x81: {  	_ =	shalt  }
0x82: {  	_ =	shalt  }
0x83: {  	_ =	shalt  }
0x84: {  	_ =	shalt  }
0x85: {  	_ =	shalt  }
0x86: {  	_ =	shalt  }
0x87: {  	_ =	shalt  }
.Lfunc_end0:
.L_simem_size_0:
called_computation_lowered:
.L_overlay_start_0:
0x88: {  	s2 =	sld [smem:$0x3FD9]  }
0x89: {  	s3 =	sld [smem:$0x3FFE];
	_ =	sdelay $0x1  }
0x8a: {  	s1 =	srdreg.scid  }
0x8b: {  	s0 =	sand.u32 $0x1, s1  }
0x8c: {  	s14 =	sshll.u32 s0, $0xA;
	s2 =	sadd.s32 s3, s2  }
0x8d: {  	s2 =	sadd.s32 s2, s14  }
0x8e: {  	[smem:$0x3FBF] =	sst s2  }
0x8f: {  	_ = 	snop  }
0x90: {  	s2 =	sld [smem:$0x3FD0];
	_ =	sdelay $0x2  }
0x91: {  	s4 =	simm.s32 $0xA;
	s5 =	simm.s32 $0x10;
	s15 =	sld [smem:$0x3FC8]  }
0x92: {  	[smem:s5], [sflag:s4] =	dma.local [hbm:s2], $0x1  }
0x93: {  	_ =	swait.eq [sflag:s4], $0x1  }
0x94: {  	[sflag:s4] =	ssyncset.done $0x0  }
0x95: {  	s16 =	sld [smem:$0x10];
	[sflag:s4] =	ssyncadd.s32 $0xFFFFFFFF  }
0x96: {  	s17 =	sld [smem:$0x12];
	(tm) =	ssettm $0x1  }
0x97: {  	s18 =	sld [smem:$0x3FFB];
	_ =	sdelay $0x3  }
0x98: {  	_ =	strace s18  }
0x99: {  	s5 =	sld [smem:$0x3FFC];
	_ =	sdelay $0x3  }
0x9a: {  	_ =	strace s5  }
0x9b: {  	s5 =	sld [smem:$0x3FFD];
	_ =	sdelay $0x3  }
0x9c: {  	_ =	strace s5  }
0x9d: {  	_ =	strace $0x8FFFFFFF  }
0x9e: {  	s19 =	sld [smem:$0x3FDB];
	_ =	sdelay $0x1  }
0x9f: {  	s6 =	simm.s32 $_scs_section_size  }
0xa0: {  	s7 =	simm.s32 $_size__tile_overlayer_lowered;
	s8 =	simm.s32 $_tile_overlayer_lowered  }
0xa1: {  	s22 =	simm.s32 $0x1BFF;
	s21 =	sshll.u32 s8, $0x1;
	s5 =	sadd.s32 s6, s19  }
0xa2: {  	s9 =	simm.s32 $0x0;
	s20 =	sshll.u32 s7, $0x1;
	s7 =	sadd.s32 s21, s5  }
0xa3: {  	[timem:s9], [sflag:s22] =	dma.local [hbm:s7], s20  }
0xa4: {  	_ =	swait.ge [sflag:s22], s20  }
0xa5: {  	s6 =	ssub.s32 $0x0, s20;
	[sflag:s22] =	ssyncset.done $0x0  }
0xa6: {  	[sflag:s22] =	ssyncadd.s32 s6;
	_ =	sdelay $0x1  }
0xa7: {  	s23 =	simm.s32 $0x1B8B  }
0xa8: {  	_ =	swait.ge [sflag:s23], $0x1  }
0xa9: {  	[sflag:s23] =	ssyncset.done $0x0  }
0xaa: {  	s25 =	simm.s32 $0x1B8E;
	s24 =	sld [smem:$0x3FFE];
	[sflag:s23] =	ssyncadd.s32 $0xFFFFFFFF  }
0xab: {  	s26 =	simm.s32 $execute0_lowered;
	[smem:$0x3FD2] =	sst s25  }
0xac: {  	s7 =	sshll.u32 s26, $0x1;
	_ =	strace $0x80000046;
	[dreg:$0x1] =	wrdreg $0xFFFFFFFF  }
0xad: {  	s28 =	simm.s32 $_size_execute0_lowered;
	s5 =	sadd.s32 s5, s7;
	[dreg:$0x0] =	wrdreg $0x0  }
0xae: {  	s7 =	sshll.u32 s28, $0x1;
	[dreg:$0x2] =	wrdreg s5  }
0xaf: {  	[dreg:$0x3] =	wrdreg s7  }
0xb0: {  	[dreg:$0x4] =	wrdreg $0xC0  }
0xb1: {  	_ =	task [dreg:s9], $0x5FFFF  }
0xb2: {  	[dreg:$0x1] =	wrdreg $0xFFFFFFFF  }
0xb3: {  	[dreg:$0x0] =	wrdreg $0x60  }
0xb4: {  	[dreg:$0x2] =	wrdreg s15  }
0xb5: {  	[dreg:$0x3] =	wrdreg s17  }
0xb6: {  	[dreg:$0x4] =	wrdreg s24  }
0xb7: {  	[dreg:$0x5] =	wrdreg s16  }
0xb8: {  	[dreg:$0x6] =	wrdreg $0x9  }
0xb9: {  	_ =	task.clear_ibuf [dreg:s9], $0x7FFFF;
	_ =	strace $0x90000046  }
0xba: {  	s29 =	simm.s32 $0x9;
	_ =	strace $0x80000048  }
0xbb: {  	_ =	swait.ge [sflag:s29], $0x1  }
0xbc: {  	[sflag:s29] =	ssyncadd.s32 $0xFFFFFFFF  }
0xbd: {  	_ =	strace $0x90000048  }
0xbe: {  	_ =	sfence  }
0xbf: {  	s30 =	sld [smem:$0x0];
	_ =	sdelay $0x2  }
0xc0: {  	s31 =	sshll.u32 s1, $0xD;
	s1 =	sshrl.u32 s1, $0x2  }
0xc1: {  	s3 =	sand.u32 $0x4000, s31;
	s1 =	sadd.s32 s1, s30  }
0xc2: {  	s0 =	sor.u32 s3, s0;
	s1 =	sshll.u32 s1, $0x11  }
0xc3: {  	s0 =	sor.u32 s1, s0  }
0xc4: {  	s0 =	sadd.s32 $0x8F2B, s0  }
0xc5: {  	[sflag:s0] =	ssyncadd.remote.s32 $0x1  }
0xc6: {  	_ =	sfence.sel $0xFFFF  }
0xc7: {  	[dreg:$0x0] =	wrdreg $0xFFFFFFFF;
	(pc) =	sbr.abs _section_cstart, $3  }
0xc8: {  	[dreg:$0x1] =	wrdreg $0xFFFFFFFF  }
0xc9: {  	_ =	task.clear_ibuf [dreg:s9], $0x2FFFF;
	_ =	strace $0x9FFFFFFF  }
0xca: {  	(tm) =	ssettm $0x7FFFFFFF  }
0xcb: {  	_ =	shalt  }
tec
execute0_lowered:
.L_overlay_start_1:
0x0: {  	(tag) =	ssettag $0x1  }
0x1: {  	s1 =	rddreg [dreg:$0x0]  }
0x2: {  	s0 =	rddreg [dreg:$0x1]  }
0x3: {  	s2 =	rddreg [dreg:$0x2]  }
0x4: {  	s7 =	rddreg [dreg:$0x3]  }
0x5: {  	s4 =	srdreg.scid;
	s5 =	stileid.u32;
	s3 =	simm.s32 $0x0  }
0x6: {  	s16 =	simm.s32 $0x3900;
	s17 =	simm.s32 $0x4100;
	s18 =	simm.s32 $0x4900  }
0x7: {  	s19 =	simm.s32 $0x5100;
	s20 =	simm.s32 $0x5900;
	s21 =	simm.s32 $0x6100  }
0x8: {  	s22 =	simm.s32 $0x6900;
	s23 =	simm.s32 $0x7100;
	s24 =	simm.s32 $0x7900  }
0x9: {  	s25 =	simm.s32 $0x8100;
	s26 =	simm.s32 $0x8900;
	s28 =	simm.s32 $0x100  }
0xa: {  	s29 =	simm.s32 $0x900;
	s30 =	simm.s32 $0x1;
	s31 =	simm.s32 $0x2  }
0xb: {  	s4 =	sand.u32 $0x1, s4;
	s5 =	sshll.u32 s5, $0x1;
	[smem:$0x7FF] =	sst s3  }
0xc: {  	s5 =	sor.u32 s4, s5;
	_ =	strace $0x80000047;
	s4 =	ssub.s32 $0x2, s4  }
0xd: {  	s6 =	sshll.u32 s5, $0x4;
	s8 =	sshll.u32 s5, $0x9;
	s9 =	sshrl.u32 s4, $0x1  }
0xe: {  	s5 =	sshll.u32 s5, $0x1;
	s6 =	sadd.s32 s6, s2;
	s2 =	sadd.s32 s8, s2  }
0xf: {  	v2 =	vlaneseq.u32;
	s9 =	ssub.s32 s4, s9;
	s4 =	sadd.s32 s0, s5;
	s7 =	sadd.s32 s7, s8  }
0x10: {  	vm0 =	vmmov $0xffff;
	v1 =	vshrl.u32 v2, $0x3;
	s0 =	simm.s32 $0x9100;
	s5 =	sadd.s32 $0x2000, s6;
	s6 =	sadd.s32 $0x2200, s2  }
0x11: {  	v0 =	vand.u32 $0x7, v2;
	v2 =	vor.u32 $0x8, v2;
	v1 =	vmul.u32 $0x8, v1;
	s8 =	smax.u32 s9, $0x1;
	s9 =	simm.s32 $0x3;
	s2 =	simm.s32 $0x0  }
.LBB2_1:
0x12: {  	[tilespmem:s3], [sflag:$0x3] =	stream.linear.gather [hbm4b:s4+s3], $0x10, $0x38;
	[tilespmem:$0xA100] =	vst v63  }
0x13: {  	_ =	swait.ge [sflag:s9], $0x10  }
0x14: {  	[sflag:s9] =	ssyncset.done $0x0  }
0x15: {  	s10 =	simm.s32 $0x80;
	[sflag:s9] =	ssyncadd.s32 $0xFFFFFFF0  }
0x16: {  	[tilespmem:s10], [sflag:$0x3] =	stream.linear.gather [hbm4b:s5+s3], $0x80, $0x38;
	[tilespmem:$0xA100] =	vst v63  }
0x17: {  	_ =	swait.ge [sflag:s9], $0x80  }
0x18: {  	[sflag:s9] =	ssyncset.done $0x0  }
0x19: {  	[sflag:s9] =	ssyncadd.s32 $0xFFFFFF80  }
0x1a: {  	v3 =	vld [tilespmem:$0x80];
	_ =	sdelay $0x4  }
0x1b: {  	v4 =	vshll.u32 v3, $0x1  }
0x1c: {  	v3 =	vand.u32 $0x7, v3;
	v4 =	vand.u32 $0xFFFFFFF0, v4  }
0x1d: {  	v3 =	vor.u32 v3, v4  }
0x1e: {  	v4 =	vperm.xlane v3, v0;
	_ =	sdelay $0x1  }
0x1f: {  	v3 =	vperm.xlane v3, v2;
	v4 =	vadd.s32 v1, v4;
	_ =	sdelay $0x1  }
0x20: {  	v3 =	vadd.s32 v1, v3;
	_ =	sdelay $0x1  }
0x21: {  	s11 =	simm.s32 $0x1100  }
0x22: {  	[tilespmem:s11], [sflag:$0x1] =	stream.indirect_vreg.gather [hbm4b:s1+s3], $0x80, v4, vm0, $0xb8;
	[tilespmem:$0xA100] =	vst v63  }
0x23: {  	s12 =	simm.s32 $0x1900  }
0x24: {  	[tilespmem:s12], [sflag:$0x1] =	stream.indirect_vreg.gather [hbm4b:s1+s3], $0x80, v3, vm0, $0xb8;
	[tilespmem:$0xA100] =	vst v63  }
0x25: {  	v3 =	vld [tilespmem:$0x90];
	_ =	sdelay $0x4  }
0x26: {  	v4 =	vshll.u32 v3, $0x1  }
0x27: {  	v3 =	vand.u32 $0x7, v3;
	v4 =	vand.u32 $0xFFFFFFF0, v4  }
0x28: {  	v3 =	vor.u32 v3, v4  }
0x29: {  	v4 =	vperm.xlane v3, v0;
	_ =	sdelay $0x1  }
0x2a: {  	v3 =	vperm.xlane v3, v2;
	v4 =	vadd.s32 v1, v4;
	_ =	sdelay $0x1  }
0x2b: {  	v3 =	vadd.s32 v1, v3;
	_ =	sdelay $0x1  }
0x2c: {  	s13 =	simm.s32 $0x2100  }
0x2d: {  	[tilespmem:s13], [sflag:$0x1] =	stream.indirect_vreg.gather [hbm4b:s1+s3], $0x80, v4, vm0, $0xb8;
	[tilespmem:$0xA100] =	vst v63  }
0x2e: {  	s14 =	simm.s32 $0x2900  }
0x2f: {  	[tilespmem:s14], [sflag:$0x1] =	stream.indirect_vreg.gather [hbm4b:s1+s3], $0x80, v3, vm0, $0xb8;
	[tilespmem:$0xA100] =	vst v63  }
0x30: {  	v3 =	vld [tilespmem:$0xA0];
	_ =	sdelay $0x4  }
0x31: {  	v4 =	vshll.u32 v3, $0x1  }
0x32: {  	v3 =	vand.u32 $0x7, v3;
	v4 =	vand.u32 $0xFFFFFFF0, v4  }
0x33: {  	v3 =	vor.u32 v3, v4  }
0x34: {  	v4 =	vperm.xlane v3, v0;
	_ =	sdelay $0x1  }
0x35: {  	v3 =	vperm.xlane v3, v2;
	v4 =	vadd.s32 v1, v4;
	_ =	sdelay $0x1  }
0x36: {  	v3 =	vadd.s32 v1, v3;
	_ =	sdelay $0x1  }
0x37: {  	s15 =	simm.s32 $0x3100  }
0x38: {  	[tilespmem:s15], [sflag:$0x1] =	stream.indirect_vreg.gather [hbm4b:s1+s3], $0x80, v4, vm0, $0xb8;
	[tilespmem:$0xA100] =	vst v63  }
0x39: {  	_ = 	snop  }
0x3a: {  	[tilespmem:s16], [sflag:$0x1] =	stream.indirect_vreg.gather [hbm4b:s1+s3], $0x80, v3, vm0, $0xb8;
	[tilespmem:$0xA100] =	vst v63  }
0x3b: {  	v3 =	vld [tilespmem:$0xB0];
	_ =	sdelay $0x4  }
0x3c: {  	v4 =	vshll.u32 v3, $0x1  }
0x3d: {  	v3 =	vand.u32 $0x7, v3;
	v4 =	vand.u32 $0xFFFFFFF0, v4  }
0x3e: {  	v3 =	vor.u32 v3, v4  }
0x3f: {  	v4 =	vperm.xlane v3, v0;
	_ =	sdelay $0x1  }
0x40: {  	v3 =	vperm.xlane v3, v2;
	v4 =	vadd.s32 v1, v4;
	_ =	sdelay $0x1  }
0x41: {  	v3 =	vadd.s32 v1, v3;
	_ =	sdelay $0x2  }
0x42: {  	[tilespmem:s17], [sflag:$0x1] =	stream.indirect_vreg.gather [hbm4b:s1+s3], $0x80, v4, vm0, $0xb8;
	[tilespmem:$0xA100] =	vst v63  }
0x43: {  	_ = 	snop  }
0x44: {  	[tilespmem:s18], [sflag:$0x1] =	stream.indirect_vreg.gather [hbm4b:s1+s3], $0x80, v3, vm0, $0xb8;
	[tilespmem:$0xA100] =	vst v63  }
0x45: {  	v3 =	vld [tilespmem:$0xC0];
	_ =	sdelay $0x4  }
0x46: {  	v4 =	vshll.u32 v3, $0x1  }
0x47: {  	v3 =	vand.u32 $0x7, v3;
	v4 =	vand.u32 $0xFFFFFFF0, v4  }
0x48: {  	v3 =	vor.u32 v3, v4  }
0x49: {  	v4 =	vperm.xlane v3, v0;
	_ =	sdelay $0x1  }
0x4a: {  	v3 =	vperm.xlane v3, v2;
	v4 =	vadd.s32 v1, v4;
	_ =	sdelay $0x1  }
0x4b: {  	v3 =	vadd.s32 v1, v3;
	_ =	sdelay $0x2  }
0x4c: {  	[tilespmem:s19], [sflag:$0x1] =	stream.indirect_vreg.gather [hbm4b:s1+s3], $0x80, v4, vm0, $0xb8;
	[tilespmem:$0xA100] =	vst v63  }
0x4d: {  	_ = 	snop  }
0x4e: {  	[tilespmem:s20], [sflag:$0x1] =	stream.indirect_vreg.gather [hbm4b:s1+s3], $0x80, v3, vm0, $0xb8;
	[tilespmem:$0xA100] =	vst v63  }
0x4f: {  	v3 =	vld [tilespmem:$0xD0];
	_ =	sdelay $0x4  }
0x50: {  	v4 =	vshll.u32 v3, $0x1  }
0x51: {  	v3 =	vand.u32 $0x7, v3;
	v4 =	vand.u32 $0xFFFFFFF0, v4  }
0x52: {  	v3 =	vor.u32 v3, v4  }
0x53: {  	v4 =	vperm.xlane v3, v0;
	_ =	sdelay $0x1  }
0x54: {  	v3 =	vperm.xlane v3, v2;
	v4 =	vadd.s32 v1, v4;
	_ =	sdelay $0x1  }
0x55: {  	v3 =	vadd.s32 v1, v3;
	_ =	sdelay $0x2  }
0x56: {  	[tilespmem:s21], [sflag:$0x1] =	stream.indirect_vreg.gather [hbm4b:s1+s3], $0x80, v4, vm0, $0xb8;
	[tilespmem:$0xA100] =	vst v63  }
0x57: {  	_ = 	snop  }
0x58: {  	[tilespmem:s22], [sflag:$0x1] =	stream.indirect_vreg.gather [hbm4b:s1+s3], $0x80, v3, vm0, $0xb8;
	[tilespmem:$0xA100] =	vst v63  }
0x59: {  	v3 =	vld [tilespmem:$0xE0];
	_ =	sdelay $0x4  }
0x5a: {  	v4 =	vshll.u32 v3, $0x1  }
0x5b: {  	v3 =	vand.u32 $0x7, v3;
	v4 =	vand.u32 $0xFFFFFFF0, v4  }
0x5c: {  	v3 =	vor.u32 v3, v4  }
0x5d: {  	v4 =	vperm.xlane v3, v0;
	_ =	sdelay $0x1  }
0x5e: {  	v3 =	vperm.xlane v3, v2;
	v4 =	vadd.s32 v1, v4;
	_ =	sdelay $0x1  }
0x5f: {  	v3 =	vadd.s32 v1, v3;
	_ =	sdelay $0x2  }
0x60: {  	[tilespmem:s23], [sflag:$0x1] =	stream.indirect_vreg.gather [hbm4b:s1+s3], $0x80, v4, vm0, $0xb8;
	[tilespmem:$0xA100] =	vst v63  }
0x61: {  	_ = 	snop  }
0x62: {  	[tilespmem:s24], [sflag:$0x1] =	stream.indirect_vreg.gather [hbm4b:s1+s3], $0x80, v3, vm0, $0xb8;
	[tilespmem:$0xA100] =	vst v63  }
0x63: {  	v3 =	vld [tilespmem:$0xF0];
	_ =	sdelay $0x4  }
0x64: {  	v4 =	vshll.u32 v3, $0x1  }
0x65: {  	v3 =	vand.u32 $0x7, v3;
	v4 =	vand.u32 $0xFFFFFFF0, v4  }
0x66: {  	v3 =	vor.u32 v3, v4  }
0x67: {  	v4 =	vperm.xlane v3, v0;
	_ =	sdelay $0x1  }
0x68: {  	v3 =	vperm.xlane v3, v2;
	v4 =	vadd.s32 v1, v4;
	_ =	sdelay $0x1  }
0x69: {  	v3 =	vadd.s32 v1, v3;
	_ =	sdelay $0x2  }
0x6a: {  	[tilespmem:s25], [sflag:$0x1] =	stream.indirect_vreg.gather [hbm4b:s1+s3], $0x80, v4, vm0, $0xb8;
	[tilespmem:$0xA100] =	vst v63  }
0x6b: {  	_ = 	snop  }
0x6c: {  	[tilespmem:s26], [sflag:$0x1] =	stream.indirect_vreg.gather [hbm4b:s1+s3], $0x80, v3, vm0, $0xb8;
	[tilespmem:$0xA100] =	vst v63  }
0x6d: {  	v3 =	vld [tilespmem:$0x0];
	_ =	sdelay $0x4  }
0x6e: {  	v4 =	vshll.u32 v3, $0x1  }
0x6f: {  	v3 =	vand.u32 $0x7, v3;
	v4 =	vand.u32 $0xFFFFFFF0, v4  }
0x70: {  	v3 =	vor.u32 v3, v4  }
0x71: {  	v4 =	vperm.xlane v3, v0;
	_ =	sdelay $0x1  }
0x72: {  	v3 =	vperm.xlane v3, v2;
	v4 =	vadd.s32 v1, v4;
	_ =	sdelay $0x1  }
0x73: {  	v3 =	vadd.s32 v1, v3;
	_ =	sdelay $0x2  }
0x74: {  	[tilespmem:s28], [sflag:$0x2] =	stream.indirect_vreg.gather [hbm4b:s1+s3], $0x80, v4, vm0, $0xb8;
	[tilespmem:$0xA100] =	vst v63  }
0x75: {  	_ = 	snop  }
0x76: {  	[tilespmem:s29], [sflag:$0x2] =	stream.indirect_vreg.gather [hbm4b:s1+s3], $0x80, v3, vm0, $0xb8;
	[tilespmem:$0xA100] =	vst v63  }
0x77: {  	_ =	swait.ge [sflag:s30], $0x8000  }
0x78: {  	[sflag:s30] =	ssyncset.done $0x0  }
0x79: {  	s10 =	simm.s32 $0x1500;
	[sflag:s30] =	ssyncadd.s32 $0xFFFF8000  }
0x7a: {  	v3 =	vld [tilespmem:s10+$0xFFFFFC80]  }
0x7b: {  	v4 =	vld [tilespmem:s10+$0xFFFFFC00]  }
0x7c: {  	v5 =	vld [tilespmem:s10+$0xFFFFFD00]  }
0x7d: {  	v6 =	vld [tilespmem:s10+$0xFFFFFD80]  }
0x7e: {  	v7 =	vld [tilespmem:s10+$0xFFFFFE00]  }
0x7f: {  	v8 =	vld [tilespmem:s10+$0xFFFFFE80]  }
0x80: {  	v3 =	vmax.f32 v4, v3;
	v4 =	vld [tilespmem:s10+$0xFFFFFF00]  }
0x81: {  	v9 =	vld [tilespmem:s10+$0xFFFFFF80];
	v3 =	vmax.f32 v3, v5  }
0x82: {  	v3 =	vmax.f32 v3, v6  }
0x83: {  	v3 =	vmax.f32 v3, v7  }
0x84: {  	v3 =	vmax.f32 v3, v8  }
0x85: {  	s11 =	sand.u32 $0x800, s3;
	s12 =	sand.u32 $0x380, s3;
	v3 =	vmax.f32 v3, v4  }
0x86: {  	s11 =	sor.u32 s12, s11;
	v3 =	vmax.f32 v3, v9  }
0x87: {  	[tilespmem:s11+$0x9100] =	vst v3  }
0x88: {  	v3 =	vld [tilespmem:s10+$0xFFFFFC10]  }
0x89: {  	v4 =	vld [tilespmem:s10+$0xFFFFFC90]  }
0x8a: {  	v5 =	vld [tilespmem:s10+$0xFFFFFD10]  }
0x8b: {  	v6 =	vld [tilespmem:s10+$0xFFFFFD90]  }
0x8c: {  	v7 =	vld [tilespmem:s10+$0xFFFFFE10]  }
0x8d: {  	v8 =	vld [tilespmem:s10+$0xFFFFFE90]  }
0x8e: {  	v3 =	vmax.f32 v3, v4;
	v4 =	vld [tilespmem:s10+$0xFFFFFF10]  }
0x8f: {  	v3 =	vmax.f32 v3, v5;
	v5 =	vld [tilespmem:s10+$0xFFFFFF90]  }
0x90: {  	v3 =	vmax.f32 v3, v6  }
0x91: {  	v3 =	vmax.f32 v3, v7  }
0x92: {  	v3 =	vmax.f32 v3, v8  }
0x93: {  	v3 =	vmax.f32 v3, v4  }
0x94: {  	v3 =	vmax.f32 v3, v5  }
0x95: {  	[tilespmem:s11+$0x9110] =	vst v3  }
0x96: {  	v3 =	vld [tilespmem:s10+$0xFFFFFC20]  }
0x97: {  	v4 =	vld [tilespmem:s10+$0xFFFFFCA0]  }
0x98: {  	v5 =	vld [tilespmem:s10+$0xFFFFFD20]  }
0x99: {  	v6 =	vld [tilespmem:s10+$0xFFFFFDA0]  }
0x9a: {  	v7 =	vld [tilespmem:s10+$0xFFFFFE20]  }
0x9b: {  	v8 =	vld [tilespmem:s10+$0xFFFFFEA0]  }
0x9c: {  	v3 =	vmax.f32 v3, v4;
	v4 =	vld [tilespmem:s10+$0xFFFFFF20]  }
0x9d: {  	v3 =	vmax.f32 v3, v5;
	v5 =	vld [tilespmem:s10+$0xFFFFFFA0]  }
0x9e: {  	v3 =	vmax.f32 v3, v6  }
0x9f: {  	v3 =	vmax.f32 v3, v7  }
0xa0: {  	v3 =	vmax.f32 v3, v8  }
0xa1: {  	v3 =	vmax.f32 v3, v4  }
0xa2: {  	v3 =	vmax.f32 v3, v5  }
0xa3: {  	[tilespmem:s11+$0x9120] =	vst v3  }
0xa4: {  	v3 =	vld [tilespmem:s10+$0xFFFFFC30]  }
0xa5: {  	v4 =	vld [tilespmem:s10+$0xFFFFFCB0]  }
0xa6: {  	v5 =	vld [tilespmem:s10+$0xFFFFFD30]  }
0xa7: {  	v6 =	vld [tilespmem:s10+$0xFFFFFDB0]  }
0xa8: {  	v7 =	vld [tilespmem:s10+$0xFFFFFE30]  }
0xa9: {  	v8 =	vld [tilespmem:s10+$0xFFFFFEB0]  }
0xaa: {  	v3 =	vmax.f32 v3, v4;
	v4 =	vld [tilespmem:s10+$0xFFFFFF30]  }
0xab: {  	v61 =	vld [tilespmem:s10+$0xFFFFFFB0];
	v3 =	vmax.f32 v3, v5  }
0xac: {  	v3 =	vmax.f32 v3, v6  }
0xad: {  	v3 =	vmax.f32 v3, v7  }
0xae: {  	v3 =	vmax.f32 v3, v8  }
0xaf: {  	v3 =	vmax.f32 v3, v4  }
0xb0: {  	v3 =	vmax.f32 v3, v61  }
0xb1: {  	[tilespmem:s11+$0x9130] =	vst v3  }
0xb2: {  	v3 =	vld [tilespmem:s10+$0xFFFFFCC0]  }
0xb3: {  	v4 =	vld [tilespmem:s10+$0xFFFFFC40]  }
0xb4: {  	v5 =	vld [tilespmem:s10+$0xFFFFFD40]  }
0xb5: {  	v6 =	vld [tilespmem:s10+$0xFFFFFDC0]  }
0xb6: {  	v7 =	vld [tilespmem:s10+$0xFFFFFE40]  }
0xb7: {  	v8 =	vld [tilespmem:s10+$0xFFFFFEC0]  }
0xb8: {  	v3 =	vmax.f32 v4, v3;
	v4 =	vld [tilespmem:s10+$0xFFFFFF40]  }
0xb9: {  	v3 =	vmax.f32 v3, v5;
	v5 =	vld [tilespmem:s10+$0xFFFFFFC0]  }
0xba: {  	v3 =	vmax.f32 v3, v6  }
0xbb: {  	v3 =	vmax.f32 v3, v7  }
0xbc: {  	v3 =	vmax.f32 v3, v8  }
0xbd: {  	v3 =	vmax.f32 v3, v4  }
0xbe: {  	v3 =	vmax.f32 v3, v5  }
0xbf: {  	[tilespmem:s11+$0x9140] =	vst v3  }
0xc0: {  	v3 =	vld [tilespmem:s10+$0xFFFFFC50]  }
0xc1: {  	v4 =	vld [tilespmem:s10+$0xFFFFFCD0]  }
0xc2: {  	v5 =	vld [tilespmem:s10+$0xFFFFFD50]  }
0xc3: {  	v6 =	vld [tilespmem:s10+$0xFFFFFDD0]  }
0xc4: {  	v7 =	vld [tilespmem:s10+$0xFFFFFE50]  }
0xc5: {  	v8 =	vld [tilespmem:s10+$0xFFFFFED0]  }
0xc6: {  	v3 =	vmax.f32 v3, v4;
	v4 =	vld [tilespmem:s10+$0xFFFFFF50]  }
0xc7: {  	v3 =	vmax.f32 v3, v5;
	v5 =	vld [tilespmem:s10+$0xFFFFFFD0]  }
0xc8: {  	v3 =	vmax.f32 v3, v6  }
0xc9: {  	v3 =	vmax.f32 v3, v7  }
0xca: {  	v3 =	vmax.f32 v3, v8  }
0xcb: {  	v3 =	vmax.f32 v3, v4  }
0xcc: {  	v3 =	vmax.f32 v3, v5  }
0xcd: {  	[tilespmem:s11+$0x9150] =	vst v3  }
0xce: {  	v3 =	vld [tilespmem:s10+$0xFFFFFCE0]  }
0xcf: {  	v4 =	vld [tilespmem:s10+$0xFFFFFC60]  }
0xd0: {  	v5 =	vld [tilespmem:s10+$0xFFFFFD60]  }
0xd1: {  	v6 =	vld [tilespmem:s10+$0xFFFFFDE0]  }
0xd2: {  	v7 =	vld [tilespmem:s10+$0xFFFFFE60]  }
0xd3: {  	v8 =	vld [tilespmem:s10+$0xFFFFFEE0]  }
0xd4: {  	v62 =	vld [tilespmem:s10+$0xFFFFFF60];
	v3 =	vmax.f32 v4, v3  }
0xd5: {  	v4 =	vld [tilespmem:s10+$0xFFFFFFE0];
	v3 =	vmax.f32 v3, v5  }
0xd6: {  	v3 =	vmax.f32 v3, v6  }
0xd7: {  	v3 =	vmax.f32 v3, v7  }
0xd8: {  	v3 =	vmax.f32 v3, v8  }
0xd9: {  	v3 =	vmax.f32 v3, v62  }
0xda: {  	v3 =	vmax.f32 v3, v4  }
0xdb: {  	[tilespmem:s11+$0x9160] =	vst v3  }
0xdc: {  	v3 =	vld [tilespmem:s10+$0xFFFFFC70]  }
0xdd: {  	v4 =	vld [tilespmem:s10+$0xFFFFFCF0]  }
0xde: {  	v5 =	vld [tilespmem:s10+$0xFFFFFD70]  }
0xdf: {  	v6 =	vld [tilespmem:s10+$0xFFFFFDF0]  }
0xe0: {  	v7 =	vld [tilespmem:s10+$0xFFFFFE70]  }
0xe1: {  	v8 =	vld [tilespmem:s10+$0xFFFFFEF0]  }
0xe2: {  	v3 =	vmax.f32 v3, v4;
	v4 =	vld [tilespmem:s10+$0xFFFFFF70]  }
0xe3: {  	v3 =	vmax.f32 v3, v5;
	v5 =	vld [tilespmem:s10+$0xFFFFFFF0]  }
0xe4: {  	v3 =	vmax.f32 v3, v6  }
0xe5: {  	v3 =	vmax.f32 v3, v7  }
0xe6: {  	v3 =	vmax.f32 v3, v8  }
0xe7: {  	v3 =	vmax.f32 v3, v4  }
0xe8: {  	v3 =	vmax.f32 v3, v5  }
0xe9: {  	[tilespmem:s11+$0x9170] =	vst v3  }
0xea: {  	v3 =	vld [tilespmem:s10+$0x0]  }
0xeb: {  	v4 =	vld [tilespmem:s10+$0x80]  }
0xec: {  	v5 =	vld [tilespmem:s10+$0x100]  }
0xed: {  	v6 =	vld [tilespmem:s10+$0x180]  }
0xee: {  	v7 =	vld [tilespmem:s10+$0x200]  }
0xef: {  	v8 =	vld [tilespmem:s10+$0x280]  }
0xf0: {  	v3 =	vmax.f32 v3, v4;
	v4 =	vld [tilespmem:s10+$0x300]  }
0xf1: {  	v3 =	vmax.f32 v3, v5;
	v5 =	vld [tilespmem:s10+$0x380]  }
0xf2: {  	v3 =	vmax.f32 v3, v6  }
0xf3: {  	v3 =	vmax.f32 v3, v7  }
0xf4: {  	v3 =	vmax.f32 v3, v8  }
0xf5: {  	v3 =	vmax.f32 v3, v4  }
0xf6: {  	v3 =	vmax.f32 v3, v5  }
0xf7: {  	[tilespmem:s11+$0x9500] =	vst v3  }
0xf8: {  	v3 =	vld [tilespmem:s10+$0x90]  }
0xf9: {  	v4 =	vld [tilespmem:s10+$0x10]  }
0xfa: {  	v5 =	vld [tilespmem:s10+$0x110]  }
0xfb: {  	v6 =	vld [tilespmem:s10+$0x190]  }
0xfc: {  	v7 =	vld [tilespmem:s10+$0x210]  }
0xfd: {  	v8 =	vld [tilespmem:s10+$0x290]  }
0xfe: {  	v63 =	vld [tilespmem:s10+$0x310];
	v3 =	vmax.f32 v4, v3  }
0xff: {  	v4 =	vld [tilespmem:s10+$0x390];
	v3 =	vmax.f32 v3, v5  }
0x100: {  	v3 =	vmax.f32 v3, v6  }
0x101: {  	v3 =	vmax.f32 v3, v7  }
0x102: {  	v3 =	vmax.f32 v3, v8  }
0x103: {  	v3 =	vmax.f32 v3, v63  }
0x104: {  	v3 =	vmax.f32 v3, v4  }
0x105: {  	[tilespmem:s11+$0x9510] =	vst v3  }
0x106: {  	v3 =	vld [tilespmem:s10+$0x20]  }
0x107: {  	v4 =	vld [tilespmem:s10+$0xA0]  }
0x108: {  	v5 =	vld [tilespmem:s10+$0x120]  }
0x109: {  	v6 =	vld [tilespmem:s10+$0x1A0]  }
0x10a: {  	v7 =	vld [tilespmem:s10+$0x220]  }
0x10b: {  	v8 =	vld [tilespmem:s10+$0x2A0]  }
0x10c: {  	v3 =	vmax.f32 v3, v4;
	v4 =	vld [tilespmem:s10+$0x320]  }
0x10d: {  	v3 =	vmax.f32 v3, v5;
	v5 =	vld [tilespmem:s10+$0x3A0]  }
0x10e: {  	v3 =	vmax.f32 v3, v6  }
0x10f: {  	v3 =	vmax.f32 v3, v7  }
0x110: {  	v3 =	vmax.f32 v3, v8  }
0x111: {  	v3 =	vmax.f32 v3, v4  }
0x112: {  	v3 =	vmax.f32 v3, v5  }
0x113: {  	[tilespmem:s11+$0x9520] =	vst v3  }
0x114: {  	v3 =	vld [tilespmem:s10+$0x30]  }
0x115: {  	v4 =	vld [tilespmem:s10+$0xB0]  }
0x116: {  	v5 =	vld [tilespmem:s10+$0x130]  }
0x117: {  	v6 =	vld [tilespmem:s10+$0x1B0]  }
0x118: {  	v7 =	vld [tilespmem:s10+$0x230]  }
0x119: {  	v8 =	vld [tilespmem:s10+$0x2B0]  }
0x11a: {  	v3 =	vmax.f32 v3, v4;
	v4 =	vld [tilespmem:s10+$0x330]  }
0x11b: {  	v3 =	vmax.f32 v3, v5;
	v5 =	vld [tilespmem:s10+$0x3B0]  }
0x11c: {  	v3 =	vmax.f32 v3, v6  }
0x11d: {  	v3 =	vmax.f32 v3, v7  }
0x11e: {  	v3 =	vmax.f32 v3, v8  }
0x11f: {  	v3 =	vmax.f32 v3, v4  }
0x120: {  	v3 =	vmax.f32 v3, v5  }
0x121: {  	[tilespmem:s11+$0x9530] =	vst v3  }
0x122: {  	v3 =	vld [tilespmem:s10+$0x40]  }
0x123: {  	v4 =	vld [tilespmem:s10+$0xC0]  }
0x124: {  	v5 =	vld [tilespmem:s10+$0x140]  }
0x125: {  	v6 =	vld [tilespmem:s10+$0x1C0]  }
0x126: {  	v7 =	vld [tilespmem:s10+$0x240]  }
0x127: {  	v8 =	vld [tilespmem:s10+$0x2C0]  }
0x128: {  	v3 =	vmax.f32 v3, v4;
	v4 =	vld [tilespmem:s10+$0x340]  }
0x129: {  	v3 =	vmax.f32 v3, v5;
	v5 =	vld [tilespmem:s10+$0x3C0]  }
0x12a: {  	v3 =	vmax.f32 v3, v6  }
0x12b: {  	v3 =	vmax.f32 v3, v7  }
0x12c: {  	v3 =	vmax.f32 v3, v8  }
0x12d: {  	v3 =	vmax.f32 v3, v4  }
0x12e: {  	v3 =	vmax.f32 v3, v5  }
0x12f: {  	[tilespmem:s11+$0x9540] =	vst v3  }
0x130: {  	v3 =	vld [tilespmem:s10+$0x50]  }
0x131: {  	v4 =	vld [tilespmem:s10+$0xD0]  }
0x132: {  	v5 =	vld [tilespmem:s10+$0x150]  }
0x133: {  	v6 =	vld [tilespmem:s10+$0x1D0]  }
0x134: {  	v7 =	vld [tilespmem:s10+$0x250]  }
0x135: {  	v8 =	vld [tilespmem:s10+$0x2D0]  }
0x136: {  	v3 =	vmax.f32 v3, v4;
	v4 =	vld [tilespmem:s10+$0x350]  }
0x137: {  	v3 =	vmax.f32 v3, v5;
	v5 =	vld [tilespmem:s10+$0x3D0]  }
0x138: {  	v3 =	vmax.f32 v3, v6  }
0x139: {  	v3 =	vmax.f32 v3, v7  }
0x13a: {  	v3 =	vmax.f32 v3, v8  }
0x13b: {  	v3 =	vmax.f32 v3, v4  }
0x13c: {  	v3 =	vmax.f32 v3, v5  }
0x13d: {  	[tilespmem:s11+$0x9550] =	vst v3  }
0x13e: {  	v3 =	vld [tilespmem:s10+$0x60]  }
0x13f: {  	v6 =	vld [tilespmem:s10+$0xE0]  }
0x140: {  	v5 =	vld [tilespmem:s10+$0x160]  }
0x141: {  	s12 =	simm.s32 $0x100;
	s13 =	simm.s32 $0x0;
	s14 =	simm.s32 $0x1500;
	v4 =	vld [tilespmem:s10+$0x1E0]  }
.LBB2_2:
0x142: {  	p0 =	sne.s32 s12, $0xF00;
	v7 =	vld [tilespmem:s10+$0x260];
	s13 =	sadd.s32 $0x80, s13;
	s14 =	sadd.s32 $0x800, s14  }
0x143: {  	s15 =	smov.u32 s12;
	s12 =	sadd.s32 $0x100, s12;
	v8 =	vld [tilespmem:s10+$0x2E0]  }
0x144: {  	v3 =	vmax.f32 v3, v6;
	v6 =	vld [tilespmem:s10+$0x360]  }
0x145: {  	v3 =	vmax.f32 v3, v5;
	v5 =	vld [tilespmem:s10+$0x3E0]  }
0x146: {  	v3 =	vmax.f32 v3, v4  }
0x147: {  	v3 =	vmax.f32 v3, v7  }
0x148: {  	v3 =	vmax.f32 v3, v8  }
0x149: {  	v3 =	vmax.f32 v3, v6  }
0x14a: {  	v3 =	vmax.f32 v3, v5  }
0x14b: {  	[tilespmem:s11+$0x9560] =	vst v3  }
0x14c: {  	v3 =	vld [tilespmem:s10+$0x70]  }
0x14d: {  	v4 =	vld [tilespmem:s10+$0xF0]  }
0x14e: {  	v5 =	vld [tilespmem:s10+$0x170]  }
0x14f: {  	v6 =	vld [tilespmem:s10+$0x1F0]  }
0x150: {  	v7 =	vld [tilespmem:s10+$0x270]  }
0x151: {  	v8 =	vld [tilespmem:s10+$0x2F0]  }
0x152: {  	v3 =	vmax.f32 v3, v4;
	v4 =	vld [tilespmem:s10+$0x370]  }
0x153: {  	v3 =	vmax.f32 v3, v5;
	v5 =	vld [tilespmem:s10+$0x3F0];
	s10 =	smov.u32 s14  }
0x154: {  	v3 =	vmax.f32 v3, v6  }
0x155: {  	v3 =	vmax.f32 v3, v7  }
0x156: {  	v3 =	vmax.f32 v3, v8  }
0x157: {  	v3 =	vmax.f32 v3, v4  }
0x158: {  	v3 =	vmax.f32 v3, v5  }
0x159: {  	[tilespmem:s11+$0x9570] =	vst v3  }
0x15a: {  	v3 =	vld [tilespmem:s14+$0xFFFFFD00]  }
0x15b: {  	v4 =	vld [tilespmem:s14+$0xFFFFFC80]  }
0x15c: {  	v5 =	vld [tilespmem:s14+$0xFFFFFD80]  }
0x15d: {  	v6 =	vld [tilespmem:s14+$0xFFFFFC00]  }
0x15e: {  	v7 =	vld [tilespmem:s14+$0xFFFFFF80]  }
0x15f: {  	v8 =	vld [tilespmem:s14+$0xFFFFFE00];
	_ =	sdelay $0x1  }
0x160: {  	v9 =	vld [tilespmem:s14+$0xFFFFFE80]  }
0x161: {  	v4 =	vmax.f32 v6, v4;
	v6 =	vld [tilespmem:s14+$0xFFFFFF00]  }
0x162: {  	v3 =	vmax.f32 v4, v3  }
0x163: {  	v3 =	vmax.f32 v3, v5  }
0x164: {  	v3 =	vmax.f32 v3, v8  }
0x165: {  	v3 =	vmax.f32 v3, v9  }
0x166: {  	s11 =	sand.u32 $0x800, s15;
	s15 =	sand.u32 $0x380, s13;
	v3 =	vmax.f32 v3, v6  }
0x167: {  	s11 =	sor.u32 s15, s11;
	v3 =	vmax.f32 v3, v7  }
0x168: {  	[tilespmem:s11+$0x9100] =	vst v3  }
0x169: {  	v3 =	vld [tilespmem:s14+$0xFFFFFC10]  }
0x16a: {  	v4 =	vld [tilespmem:s14+$0xFFFFFC90]  }
0x16b: {  	v5 =	vld [tilespmem:s14+$0xFFFFFD10]  }
0x16c: {  	v6 =	vld [tilespmem:s14+$0xFFFFFD90]  }
0x16d: {  	v7 =	vld [tilespmem:s14+$0xFFFFFE10]  }
0x16e: {  	v8 =	vld [tilespmem:s14+$0xFFFFFE90]  }
0x16f: {  	v3 =	vmax.f32 v3, v4;
	v4 =	vld [tilespmem:s14+$0xFFFFFF10]  }
0x170: {  	v3 =	vmax.f32 v3, v5;
	v5 =	vld [tilespmem:s14+$0xFFFFFF90]  }
0x171: {  	v3 =	vmax.f32 v3, v6  }
0x172: {  	v3 =	vmax.f32 v3, v7  }
0x173: {  	v3 =	vmax.f32 v3, v8  }
0x174: {  	v3 =	vmax.f32 v3, v4  }
0x175: {  	v3 =	vmax.f32 v3, v5  }
0x176: {  	[tilespmem:s11+$0x9110] =	vst v3  }
0x177: {  	v3 =	vld [tilespmem:s14+$0xFFFFFC20]  }
0x178: {  	v4 =	vld [tilespmem:s14+$0xFFFFFCA0]  }
0x179: {  	v5 =	vld [tilespmem:s14+$0xFFFFFD20]  }
0x17a: {  	v6 =	vld [tilespmem:s14+$0xFFFFFDA0]  }
0x17b: {  	v7 =	vld [tilespmem:s14+$0xFFFFFE20]  }
0x17c: {  	v8 =	vld [tilespmem:s14+$0xFFFFFEA0]  }
0x17d: {  	v3 =	vmax.f32 v3, v4;
	v4 =	vld [tilespmem:s14+$0xFFFFFF20]  }
0x17e: {  	v3 =	vmax.f32 v3, v5;
	v5 =	vld [tilespmem:s14+$0xFFFFFFA0]  }
0x17f: {  	v3 =	vmax.f32 v3, v6  }
0x180: {  	v3 =	vmax.f32 v3, v7  }
0x181: {  	v3 =	vmax.f32 v3, v8  }
0x182: {  	v3 =	vmax.f32 v3, v4  }
0x183: {  	v3 =	vmax.f32 v3, v5  }
0x184: {  	[tilespmem:s11+$0x9120] =	vst v3  }
0x185: {  	v3 =	vld [tilespmem:s14+$0xFFFFFDB0]  }
0x186: {  	v4 =	vld [tilespmem:s14+$0xFFFFFC30]  }
0x187: {  	v5 =	vld [tilespmem:s14+$0xFFFFFCB0]  }
0x188: {  	v6 =	vld [tilespmem:s14+$0xFFFFFD30]  }
0x189: {  	v7 =	vld [tilespmem:s14+$0xFFFFFFB0]  }
0x18a: {  	v8 =	vld [tilespmem:s14+$0xFFFFFE30]  }
0x18b: {  	v9 =	vld [tilespmem:s14+$0xFFFFFEB0]  }
0x18c: {  	v4 =	vmax.f32 v4, v5;
	v5 =	vld [tilespmem:s14+$0xFFFFFF30]  }
0x18d: {  	v4 =	vmax.f32 v4, v6  }
0x18e: {  	v3 =	vmax.f32 v4, v3  }
0x18f: {  	v3 =	vmax.f32 v3, v8  }
0x190: {  	v3 =	vmax.f32 v3, v9  }
0x191: {  	v3 =	vmax.f32 v3, v5  }
0x192: {  	v3 =	vmax.f32 v3, v7  }
0x193: {  	[tilespmem:s11+$0x9130] =	vst v3  }
0x194: {  	v3 =	vld [tilespmem:s14+$0xFFFFFCC0]  }
0x195: {  	v4 =	vld [tilespmem:s14+$0xFFFFFC40]  }
0x196: {  	v5 =	vld [tilespmem:s14+$0xFFFFFD40]  }
0x197: {  	v6 =	vld [tilespmem:s14+$0xFFFFFDC0]  }
0x198: {  	v7 =	vld [tilespmem:s14+$0xFFFFFE40]  }
0x199: {  	v8 =	vld [tilespmem:s14+$0xFFFFFEC0]  }
0x19a: {  	v3 =	vmax.f32 v4, v3;
	v4 =	vld [tilespmem:s14+$0xFFFFFF40]  }
0x19b: {  	v3 =	vmax.f32 v3, v5;
	v5 =	vld [tilespmem:s14+$0xFFFFFFC0]  }
0x19c: {  	v3 =	vmax.f32 v3, v6  }
0x19d: {  	v3 =	vmax.f32 v3, v7  }
0x19e: {  	v3 =	vmax.f32 v3, v8  }
0x19f: {  	v3 =	vmax.f32 v3, v4  }
0x1a0: {  	v3 =	vmax.f32 v3, v5  }
0x1a1: {  	[tilespmem:s11+$0x9140] =	vst v3  }
0x1a2: {  	v3 =	vld [tilespmem:s14+$0xFFFFFC50]  }
0x1a3: {  	v4 =	vld [tilespmem:s14+$0xFFFFFCD0]  }
0x1a4: {  	v5 =	vld [tilespmem:s14+$0xFFFFFD50]  }
0x1a5: {  	v6 =	vld [tilespmem:s14+$0xFFFFFDD0]  }
0x1a6: {  	v7 =	vld [tilespmem:s14+$0xFFFFFE50]  }
0x1a7: {  	v8 =	vld [tilespmem:s14+$0xFFFFFED0]  }
0x1a8: {  	v3 =	vmax.f32 v3, v4;
	v4 =	vld [tilespmem:s14+$0xFFFFFF50]  }
0x1a9: {  	v3 =	vmax.f32 v3, v5;
	v5 =	vld [tilespmem:s14+$0xFFFFFFD0]  }
0x1aa: {  	v3 =	vmax.f32 v3, v6  }
0x1ab: {  	v3 =	vmax.f32 v3, v7  }
0x1ac: {  	v3 =	vmax.f32 v3, v8  }
0x1ad: {  	v3 =	vmax.f32 v3, v4  }
0x1ae: {  	v3 =	vmax.f32 v3, v5  }
0x1af: {  	[tilespmem:s11+$0x9150] =	vst v3  }
0x1b0: {  	v3 =	vld [tilespmem:s14+$0xFFFFFCE0]  }
0x1b1: {  	v4 =	vld [tilespmem:s14+$0xFFFFFD60]  }
0x1b2: {  	v5 =	vld [tilespmem:s14+$0xFFFFFC60]  }
0x1b3: {  	v6 =	vld [tilespmem:s14+$0xFFFFFDE0]  }
0x1b4: {  	v7 =	vld [tilespmem:s14+$0xFFFFFE60]  }
0x1b5: {  	v8 =	vld [tilespmem:s14+$0xFFFFFF60]  }
0x1b6: {  	v9 =	vld [tilespmem:s14+$0xFFFFFEE0]  }
0x1b7: {  	v3 =	vmax.f32 v5, v3  }
0x1b8: {  	v3 =	vmax.f32 v3, v4;
	v4 =	vld [tilespmem:s14+$0xFFFFFFE0]  }
0x1b9: {  	v3 =	vmax.f32 v3, v6  }
0x1ba: {  	v3 =	vmax.f32 v3, v7  }
0x1bb: {  	v3 =	vmax.f32 v3, v9  }
0x1bc: {  	v3 =	vmax.f32 v3, v8  }
0x1bd: {  	v3 =	vmax.f32 v3, v4  }
0x1be: {  	[tilespmem:s11+$0x9160] =	vst v3  }
0x1bf: {  	v3 =	vld [tilespmem:s14+$0xFFFFFC70]  }
0x1c0: {  	v4 =	vld [tilespmem:s14+$0xFFFFFCF0]  }
0x1c1: {  	v5 =	vld [tilespmem:s14+$0xFFFFFD70]  }
0x1c2: {  	v6 =	vld [tilespmem:s14+$0xFFFFFDF0]  }
0x1c3: {  	v7 =	vld [tilespmem:s14+$0xFFFFFE70]  }
0x1c4: {  	v8 =	vld [tilespmem:s14+$0xFFFFFEF0]  }
0x1c5: {  	v3 =	vmax.f32 v3, v4;
	v4 =	vld [tilespmem:s14+$0xFFFFFF70]  }
0x1c6: {  	v3 =	vmax.f32 v3, v5;
	v5 =	vld [tilespmem:s14+$0xFFFFFFF0]  }
0x1c7: {  	v3 =	vmax.f32 v3, v6  }
0x1c8: {  	v3 =	vmax.f32 v3, v7  }
0x1c9: {  	v3 =	vmax.f32 v3, v8  }
0x1ca: {  	v3 =	vmax.f32 v3, v4  }
0x1cb: {  	v3 =	vmax.f32 v3, v5  }
0x1cc: {  	[tilespmem:s11+$0x9170] =	vst v3  }
0x1cd: {  	v3 =	vld [tilespmem:s14+$0x0]  }
0x1ce: {  	v4 =	vld [tilespmem:s14+$0x80]  }
0x1cf: {  	v5 =	vld [tilespmem:s14+$0x100]  }
0x1d0: {  	v6 =	vld [tilespmem:s14+$0x180]  }
0x1d1: {  	v7 =	vld [tilespmem:s14+$0x200]  }
0x1d2: {  	v8 =	vld [tilespmem:s14+$0x280]  }
0x1d3: {  	v3 =	vmax.f32 v3, v4;
	v4 =	vld [tilespmem:s14+$0x300]  }
0x1d4: {  	v3 =	vmax.f32 v3, v5;
	v5 =	vld [tilespmem:s14+$0x380]  }
0x1d5: {  	v3 =	vmax.f32 v3, v6  }
0x1d6: {  	v3 =	vmax.f32 v3, v7  }
0x1d7: {  	v3 =	vmax.f32 v3, v8  }
0x1d8: {  	v3 =	vmax.f32 v3, v4  }
0x1d9: {  	v3 =	vmax.f32 v3, v5  }
0x1da: {  	[tilespmem:s11+$0x9500] =	vst v3  }
0x1db: {  	v3 =	vld [tilespmem:s14+$0x190]  }
0x1dc: {  	v4 =	vld [tilespmem:s14+$0x90]  }
0x1dd: {  	v5 =	vld [tilespmem:s14+$0x10]  }
0x1de: {  	v6 =	vld [tilespmem:s14+$0x110]  }
0x1df: {  	v7 =	vld [tilespmem:s14+$0x210]  }
0x1e0: {  	v8 =	vld [tilespmem:s14+$0x290]  }
0x1e1: {  	v9 =	vld [tilespmem:s14+$0x310]  }
0x1e2: {  	v4 =	vmax.f32 v5, v4;
	v5 =	vld [tilespmem:s14+$0x390]  }
0x1e3: {  	v4 =	vmax.f32 v4, v6  }
0x1e4: {  	v3 =	vmax.f32 v4, v3  }
0x1e5: {  	v3 =	vmax.f32 v3, v7  }
0x1e6: {  	v3 =	vmax.f32 v3, v8  }
0x1e7: {  	v3 =	vmax.f32 v3, v9  }
0x1e8: {  	v3 =	vmax.f32 v3, v5  }
0x1e9: {  	[tilespmem:s11+$0x9510] =	vst v3  }
0x1ea: {  	v3 =	vld [tilespmem:s14+$0x20]  }
0x1eb: {  	v4 =	vld [tilespmem:s14+$0xA0]  }
0x1ec: {  	v5 =	vld [tilespmem:s14+$0x120]  }
0x1ed: {  	v6 =	vld [tilespmem:s14+$0x1A0]  }
0x1ee: {  	v7 =	vld [tilespmem:s14+$0x220]  }
0x1ef: {  	v8 =	vld [tilespmem:s14+$0x2A0]  }
0x1f0: {  	v3 =	vmax.f32 v3, v4;
	v4 =	vld [tilespmem:s14+$0x320]  }
0x1f1: {  	v3 =	vmax.f32 v3, v5;
	v5 =	vld [tilespmem:s14+$0x3A0]  }
0x1f2: {  	v3 =	vmax.f32 v3, v6  }
0x1f3: {  	v3 =	vmax.f32 v3, v7  }
0x1f4: {  	v3 =	vmax.f32 v3, v8  }
0x1f5: {  	v3 =	vmax.f32 v3, v4  }
0x1f6: {  	v3 =	vmax.f32 v3, v5  }
0x1f7: {  	[tilespmem:s11+$0x9520] =	vst v3  }
0x1f8: {  	v3 =	vld [tilespmem:s14+$0x30]  }
0x1f9: {  	v4 =	vld [tilespmem:s14+$0xB0]  }
0x1fa: {  	v5 =	vld [tilespmem:s14+$0x130]  }
0x1fb: {  	v6 =	vld [tilespmem:s14+$0x1B0]  }
0x1fc: {  	v7 =	vld [tilespmem:s14+$0x230]  }
0x1fd: {  	v8 =	vld [tilespmem:s14+$0x2B0]  }
0x1fe: {  	v3 =	vmax.f32 v3, v4;
	v4 =	vld [tilespmem:s14+$0x330]  }
0x1ff: {  	v3 =	vmax.f32 v3, v5;
	v5 =	vld [tilespmem:s14+$0x3B0]  }
0x200: {  	v3 =	vmax.f32 v3, v6  }
0x201: {  	v3 =	vmax.f32 v3, v7  }
0x202: {  	v3 =	vmax.f32 v3, v8  }
0x203: {  	v3 =	vmax.f32 v3, v4  }
0x204: {  	v3 =	vmax.f32 v3, v5  }
0x205: {  	[tilespmem:s11+$0x9530] =	vst v3  }
0x206: {  	v3 =	vld [tilespmem:s14+$0x40]  }
0x207: {  	v4 =	vld [tilespmem:s14+$0xC0]  }
0x208: {  	v5 =	vld [tilespmem:s14+$0x140]  }
0x209: {  	v6 =	vld [tilespmem:s14+$0x1C0]  }
0x20a: {  	v7 =	vld [tilespmem:s14+$0x240]  }
0x20b: {  	v8 =	vld [tilespmem:s14+$0x2C0]  }
0x20c: {  	v3 =	vmax.f32 v3, v4;
	v4 =	vld [tilespmem:s14+$0x340]  }
0x20d: {  	v3 =	vmax.f32 v3, v5;
	v5 =	vld [tilespmem:s14+$0x3C0]  }
0x20e: {  	v3 =	vmax.f32 v3, v6  }
0x20f: {  	v3 =	vmax.f32 v3, v7  }
0x210: {  	v3 =	vmax.f32 v3, v8  }
0x211: {  	v3 =	vmax.f32 v3, v4  }
0x212: {  	v3 =	vmax.f32 v3, v5  }
0x213: {  	[tilespmem:s11+$0x9540] =	vst v3  }
0x214: {  	v3 =	vld [tilespmem:s14+$0x50]  }
0x215: {  	v4 =	vld [tilespmem:s14+$0xD0]  }
0x216: {  	v5 =	vld [tilespmem:s14+$0x150]  }
0x217: {  	v6 =	vld [tilespmem:s14+$0x1D0]  }
0x218: {  	v7 =	vld [tilespmem:s14+$0x250]  }
0x219: {  	v8 =	vld [tilespmem:s14+$0x2D0]  }
0x21a: {  	v3 =	vmax.f32 v3, v4;
	v4 =	vld [tilespmem:s14+$0x350]  }
0x21b: {  	v3 =	vmax.f32 v3, v5;
	v5 =	vld [tilespmem:s14+$0x3D0]  }
0x21c: {  	v3 =	vmax.f32 v3, v6  }
0x21d: {  	v3 =	vmax.f32 v3, v7  }
0x21e: {  	v3 =	vmax.f32 v3, v8  }
0x21f: {  	v3 =	vmax.f32 v3, v4  }
0x220: {  	v3 =	vmax.f32 v3, v5  }
.Ltmp0:
0x221: {  	[tilespmem:s11+$0x9550] =	vst v3;
	(pc) =	sbr.rel @p0 .LBB2_2-.Ltmp0, $4  }
0x222: {  	v3 =	vld [tilespmem:s14+$0x60]  }
0x223: {  	v6 =	vld [tilespmem:s14+$0xE0]  }
0x224: {  	v5 =	vld [tilespmem:s14+$0x160]  }
0x225: {  	v4 =	vld [tilespmem:s14+$0x1E0]  }
0x226: {  	v7 =	vld [tilespmem:s10+$0x260]  }
0x227: {  	v8 =	vld [tilespmem:s10+$0x2E0]  }
0x228: {  	v55 =	vld [tilespmem:s10+$0x360];
	v3 =	vmax.f32 v3, v6  }
0x229: {  	v56 =	vld [tilespmem:s10+$0x3E0];
	v3 =	vmax.f32 v3, v5  }
0x22a: {  	v3 =	vmax.f32 v3, v4  }
0x22b: {  	v3 =	vmax.f32 v3, v7  }
0x22c: {  	v3 =	vmax.f32 v3, v8  }
0x22d: {  	v3 =	vmax.f32 v3, v55  }
0x22e: {  	v3 =	vmax.f32 v3, v56  }
0x22f: {  	[tilespmem:s11+$0x9560] =	vst v3  }
0x230: {  	v3 =	vld [tilespmem:s10+$0x70]  }
0x231: {  	v57 =	vld [tilespmem:s10+$0xF0]  }
0x232: {  	v58 =	vld [tilespmem:s10+$0x170]  }
0x233: {  	v59 =	vld [tilespmem:s10+$0x1F0]  }
0x234: {  	v60 =	vld [tilespmem:s10+$0x270]  }
0x235: {  	v61 =	vld [tilespmem:s10+$0x2F0]  }
0x236: {  	v62 =	vld [tilespmem:s10+$0x370];
	v3 =	vmax.f32 v3, v57  }
0x237: {  	v63 =	vld [tilespmem:s10+$0x3F0];
	v3 =	vmax.f32 v3, v58  }
0x238: {  	v3 =	vmax.f32 v3, v59  }
0x239: {  	v3 =	vmax.f32 v3, v60  }
0x23a: {  	v3 =	vmax.f32 v3, v61  }
0x23b: {  	v3 =	vmax.f32 v3, v62  }
0x23c: {  	v3 =	vmax.f32 v3, v63  }
0x23d: {  	[tilespmem:s11+$0x9570] =	vst v3  }
0x23e: {  	_ =	swait.ge [sflag:s31], $0x1000  }
0x23f: {  	[sflag:s31] =	ssyncset.done $0x0  }
0x240: {  	[sflag:s31] =	ssyncadd.s32 $0xFFFFF000  }
0x241: {  	[hbm4b:s6+s3] =	stream.linear.scatter [tilespmem:s0], [sflag:$0x3], $0x1000, $0x38;
	[tilespmem:$0xA100] =	vst v63  }
0x242: {  	s2 =	sadd.s32 $0x1, s2;
	_ =	swait.ge [sflag:s9], $0x1000  }
0x243: {  	p0 =	sne.s32 s2, s8;
	[sflag:s9] =	ssyncset.done $0x0  }
.Ltmp1:
0x244: {  	[sflag:s9] =	ssyncadd.s32 $0xFFFFF000;
	(pc) =	sbr.rel @p0 .LBB2_1-.Ltmp1, $4  }
0x245: {  	[hbm4b:s7+s3] =	stream.linear.scatter [tilespmem:s28], [sflag:$0x3], $0x1000, $0x38;
	[tilespmem:$0xA100] =	vst v63  }
0x246: {  	_ =	swait.ge [sflag:s9], $0x1000  }
0x247: {  	[sflag:s9] =	ssyncset.done $0x0  }
0x248: {  	[sflag:s9] =	ssyncadd.s32 $0xFFFFF000  }
0x249: {  	_ =	sfence.sel $0x180000  }
0x24a: {  	[bflag:$0x0] =	sbarrier.arrive $0xFFFF  }
0x24b: {  	_ =	strace $0x90000047  }
0x24c: {  	s0 =	stileid.u32;
	[bflag:$0x2] =	sbarrier.arrive $0xFFFF  }
0x24d: {  	p0 =	sne.s32 s0, $0x0;
	s0 =	rddreg [dreg:$0x4]  }
0x24e: {  	s0 =	sadd.s32 @!p0 $0x100000, s0  }
0x24f: {  	[sflag:s0] =	ssyncadd.tile.s32 @!p0 $0x1;
	_ =	shalt  }
.Lfunc_end2:
_tile_overlayer_lowered:
.L_overlay_start_2:
0x250: {  	(tag) =	ssettag $0x2  }
0x251: {  	s0 =	rddreg [dreg:$0x0];
	s2 =	stileid.u32  }
0x252: {  	s1 =	rddreg [dreg:$0x1];
	p0 =	sne.s32 s2, $0x0  }
0x253: {  	s3 =	rddreg [dreg:$0x2];
	[bflag:$0x3] =	sbarrier.arrive $0xFFFF;
	s2 =	simm.s32 @!p0 $0x1C03  }
0x254: {  	[timem:s3], [sflag:s2] =	dma.local @!p0 [hbm:s0], s1  }
0x255: {  	s0 =	simm.s32 @!p0 $0x3  }
0x256: {  	_ =	swait.ge @!p0 [sflag:s0], s1  }
0x257: {  	s1 =	ssub.s32 @!p0 $0x0, s1;
	[sflag:s0] =	ssyncset.done @!p0 $0x0  }
0x258: {  	[sflag:s0] =	ssyncadd.s32 @!p0 s1  }
0x259: {  	[bflag:$0x3] =	sbarrier.arrive $0xFFFF  }
0x25a: {  	_ =	shalt  }

</sc_bundles>
